<compile_context>
chip_gen: v7x
topology: tpu7x:2x2x1
jax: 0.10.2.dev20260603
libtpu: 0.0.44.dev20260713+nightly
codegen_flags: <defaults>
</compile_context>

<pallas_src>
import functools

import jax
import jax.numpy as jnp
from jax import lax
from jax.experimental import pallas as pl
from jax.experimental.pallas import tpu as pltpu
from jax.experimental.pallas import tpu_sc as plsc

_N = 50000
_E = 800000
_G = 128

_NSUB = 16
_ZROWS = 3128
_ACC_ROWS = _ZROWS * _NSUB
_NPAD = _ACC_ROWS
_NP = _NPAD // 4
_BP = 3128
_GRID = _NP // _BP
_EW = 256
_CH = 14
_EROWS = 3136
_EPAD = _EROWS * _EW


def _f32(x):
    return x.astype(jnp.float32)


def _blockdiag4(w):
    return jnp.kron(jnp.eye(4, dtype=jnp.float32), w)


def _embed_body(xp_ref, wa_ref, wb_ref, b_ref, out_ref):
    i16 = lax.broadcasted_iota(jnp.int32, (_BP, 16), 1)
    i8 = lax.broadcasted_iota(jnp.int32, (_BP, 8), 1)
    ohs = jnp.concatenate(
        [_f32(xp_ref[:, 2 * j:2 * j + 1] == i16) for j in range(4)], axis=1)
    ohc = jnp.concatenate(
        [_f32(xp_ref[:, 2 * j + 1:2 * j + 2] == i8) for j in range(4)], axis=1)
    z = (jnp.dot(ohs, wa_ref[...], preferred_element_type=jnp.float32)
         + jnp.dot(ohc, wb_ref[...], preferred_element_type=jnp.float32)
         + b_ref[...])
    out_ref[...] = jnp.maximum(z, 0.0)


def _embed(xp, shape_emb, color_emb, lin_W, lin_b):
    wa = _blockdiag4(shape_emb @ lin_W[:, 0:8].T)
    wb = _blockdiag4(color_emb @ lin_W[:, 8:16].T)
    bp = jnp.tile(lin_b, 4).reshape(1, 128)
    return pl.pallas_call(
        _embed_body,
        grid=(_GRID,),
        in_specs=[
            pl.BlockSpec((_BP, 8), lambda i: (i, 0)),
            pl.BlockSpec((64, 128), lambda i: (0, 0)),
            pl.BlockSpec((32, 128), lambda i: (0, 0)),
            pl.BlockSpec((1, 128), lambda i: (0, 0)),
        ],
        out_specs=pl.BlockSpec((_BP, 128), lambda i: (i, 0)),
        out_shape=jax.ShapeDtypeStruct((_NP, 128), jnp.float32),
    )(xp, wa, wb, bp)


def _mix1_body(aa_ref, ab_ref, h_ref, wl_ref, wr_ref, bl_ref, br_ref,
               outl_ref, outr_ref):
    cat = jnp.concatenate([aa_ref[...] + ab_ref[...], h_ref[...]], axis=1)
    zl = (jnp.dot(cat, wl_ref[...], preferred_element_type=jnp.float32)
          + bl_ref[...])
    zr = (jnp.dot(cat, wr_ref[...], preferred_element_type=jnp.float32)
          + br_ref[...])
    outl_ref[...] = jnp.maximum(zl, 0.0)
    outr_ref[...] = jnp.maximum(zr, 0.0)


def _mix1(aggA, aggB, h1, Wrel, brel, Wroot):
    wrel_t = Wrel.T
    wroot_t = Wroot.T
    wl = jnp.concatenate([_blockdiag4(wrel_t[:, 0:32]),
                          _blockdiag4(wroot_t[:, 0:32])], axis=0)
    wr = jnp.concatenate([_blockdiag4(wrel_t[:, 32:64]),
                          _blockdiag4(wroot_t[:, 32:64])], axis=0)
    bl = jnp.tile(brel[0:32], 4).reshape(1, 128)
    br = jnp.tile(brel[32:64], 4).reshape(1, 128)
    return pl.pallas_call(
        _mix1_body,
        grid=(_GRID,),
        in_specs=[
            pl.BlockSpec((_BP, 128), lambda i: (i, 0)),
            pl.BlockSpec((_BP, 128), lambda i: (i, 0)),
            pl.BlockSpec((_BP, 128), lambda i: (i, 0)),
            pl.BlockSpec((256, 128), lambda i: (0, 0)),
            pl.BlockSpec((256, 128), lambda i: (0, 0)),
            pl.BlockSpec((1, 128), lambda i: (0, 0)),
            pl.BlockSpec((1, 128), lambda i: (0, 0)),
        ],
        out_specs=[
            pl.BlockSpec((_BP, 128), lambda i: (i, 0)),
            pl.BlockSpec((_BP, 128), lambda i: (i, 0)),
        ],
        out_shape=[
            jax.ShapeDtypeStruct((_NP, 128), jnp.float32),
            jax.ShapeDtypeStruct((_NP, 128), jnp.float32),
        ],
    )(aggA, aggB, h1, wl, wr, bl, br)


def _pool_body(al_ref, ar_ref, hl_ref, hr_ref, w2_ref, b2_ref, bat_ref,
               wc_ref, bc_ref, sums_ref, cnt_ref, out_ref):
    @pl.when(pl.program_id(0) == 0)
    def _():
        sums_ref[...] = jnp.zeros_like(sums_ref)
        cnt_ref[...] = jnp.zeros_like(cnt_ref)

    ig = lax.broadcasted_iota(jnp.int32, (_BP, _G), 1)
    dnt = (((0,), (0,)), ((), ()))
    ones = jnp.ones((_BP, 8), jnp.float32)
    for j in range(4):
        cat = jnp.concatenate(
            [al_ref[:, 32 * j:32 * j + 32], ar_ref[:, 32 * j:32 * j + 32],
             hl_ref[:, 32 * j:32 * j + 32], hr_ref[:, 32 * j:32 * j + 32]],
            axis=1)
        z = (jnp.dot(cat, w2_ref[...], preferred_element_type=jnp.float32)
             + b2_ref[...])
        h3 = jnp.maximum(z, 0.0)
        oh = _f32(bat_ref[:, j:j + 1] == ig)
        sums_ref[...] += lax.dot_general(oh, h3, dnt,
                                         preferred_element_type=jnp.float32)
        cnt_ref[...] += lax.dot_general(oh, ones, dnt,
                                        preferred_element_type=jnp.float32)

    @pl.when(pl.program_id(0) == _GRID - 1)
    def _():
        denom = jnp.maximum(cnt_ref[:, 0:1], 1.0)
        pooled = sums_ref[...] / denom
        out_ref[...] = (jnp.dot(pooled, wc_ref[...],
                                preferred_element_type=jnp.float32)
                        + bc_ref[...])


def _pool_cls(agg_l, agg_r, h_l, h_r, Wrel, brel, Wroot, batp, cls_W, cls_b):
    nc = cls_W.shape[0]
    w2 = jnp.concatenate([Wrel.T, Wroot.T], axis=0)
    b2 = brel.reshape(1, 64)
    wc = cls_W.T
    bc = cls_b.reshape(1, nc)
    outs = pl.pallas_call(
        _pool_body,
        grid=(_GRID,),
        in_specs=[
            pl.BlockSpec((_BP, 128), lambda i: (i, 0)),
            pl.BlockSpec((_BP, 128), lambda i: (i, 0)),
            pl.BlockSpec((_BP, 128), lambda i: (i, 0)),
            pl.BlockSpec((_BP, 128), lambda i: (i, 0)),
            pl.BlockSpec((128, 64), lambda i: (0, 0)),
            pl.BlockSpec((1, 64), lambda i: (0, 0)),
            pl.BlockSpec((_BP, 4), lambda i: (i, 0)),
            pl.BlockSpec((64, nc), lambda i: (0, 0)),
            pl.BlockSpec((1, nc), lambda i: (0, 0)),
        ],
        out_specs=[
            pl.BlockSpec((_G, 64), lambda i: (0, 0)),
            pl.BlockSpec((_G, 8), lambda i: (0, 0)),
            pl.BlockSpec((_G, nc), lambda i: (0, 0)),
        ],
        out_shape=[
            jax.ShapeDtypeStruct((_G, 64), jnp.float32),
            jax.ShapeDtypeStruct((_G, 8), jnp.float32),
            jax.ShapeDtypeStruct((_G, nc), jnp.float32),
        ],
    )(agg_l, agg_r, h_l, h_r, w2, b2, batp, wc, bc)
    return outs[2]


@functools.lru_cache(maxsize=None)
def _make_edge_agg(core_rows, sub_rows):
    nch = sub_rows // _CH
    mesh = plsc.VectorSubcoreMesh(core_axis_name="c", subcore_axis_name="s")

    @functools.partial(
        pl.kernel,
        out_type=[jax.ShapeDtypeStruct((_NPAD, 32), jnp.float32),
                  jax.ShapeDtypeStruct((_NPAD, 32), jnp.float32)],
        mesh=mesh,
        compiler_params=pltpu.CompilerParams(use_tc_tiling_on_sc=False),
        scratch_types=[
            pltpu.VMEM((_CH, _EW), jnp.int32),
            pltpu.VMEM((_CH, _EW), jnp.int32),
            pltpu.VMEM((_EW, 32), jnp.float32),
            pltpu.VMEM((_EW, 32), jnp.float32),
            pltpu.SemaphoreType.DMA,
            pltpu.SemaphoreType.DMA,
            pltpu.VMEM_SHARED((_ACC_ROWS, 32), jnp.float32),
        ],
    )
    def agg(ha, hb, src_hbm, dst_hbm, z_hbm, outa, outb,
            idx_s, idx_d, rows0, rows1, sem0, sem1, acc):
        c = lax.axis_index("c")
        s = lax.axis_index("s")
        pltpu.sync_copy(z_hbm, acc.at[pl.ds(s * _ZROWS, _ZROWS)])
        plsc.subcore_barrier()

        base = c * core_rows + s * sub_rows

        def walk(h_ref):
            def outer(t, carry):
                r0 = base + t * _CH
                pltpu.sync_copy(src_hbm.at[pl.ds(r0, _CH)], idx_s)
                pltpu.sync_copy(dst_hbm.at[pl.ds(r0, _CH)], idx_d)
                pltpu.async_copy(h_ref.at[idx_s.at[0]], rows0, sem0)

                def pair(p, carry2):
                    k = 2 * p
                    pltpu.async_copy(h_ref.at[idx_s.at[k + 1]], rows1, sem1)
                    pltpu.make_async_copy(h_ref.at[idx_s.at[k]],
                                          rows0, sem0).wait()
                    pltpu.sync_copy(rows0, acc.at[idx_d.at[k]], add=True)

                    @pl.when(k + 2 < _CH)
                    def _():
                        pltpu.async_copy(h_ref.at[idx_s.at[k + 2]],
                                         rows0, sem0)

                    pltpu.make_async_copy(h_ref.at[idx_s.at[k + 1]],
                                          rows1, sem1).wait()
                    pltpu.sync_copy(rows1, acc.at[idx_d.at[k + 1]], add=True)
                    return carry2

                return lax.fori_loop(0, _CH // 2, pair, carry)

            lax.fori_loop(0, nch, outer, 0)

        @pl.when(c == 0)
        def _():
            walk(ha)

        @pl.when(c == 1)
        def _():
            walk(hb)

        plsc.subcore_barrier()

        for cc, oref in ((0, outa), (1, outb)):
            @pl.when(c == cc)
            def _(oref=oref):
                pltpu.sync_copy(acc.at[pl.ds(s * _ZROWS, _ZROWS)],
                                oref.at[pl.ds(s * _ZROWS, _ZROWS)])

    return agg


def kernel(x, edge_index, batch, shape_emb, color_emb, lin_W, lin_b,
           conv1_Wrel, conv1_brel, conv1_Wroot,
           conv2_Wrel, conv2_brel, conv2_Wroot,
           cls_W, cls_b):
    src = edge_index[0]
    dst = edge_index[1]
    pad = _EPAD - _E
    src_p = jnp.concatenate([src, jnp.zeros((pad,), src.dtype)]
                            ).reshape(_EROWS, _EW).astype(jnp.int32)
    dst_p = jnp.concatenate([dst, jnp.full((pad,), _N, dst.dtype)]
                            ).reshape(_EROWS, _EW).astype(jnp.int32)
    zeros = jnp.zeros((_ZROWS, 32), jnp.float32)
    npad = _NPAD - _N
    xp = jnp.concatenate(
        [x.astype(jnp.int32), jnp.full((npad, 2), -1, jnp.int32)]
    ).reshape(_NP, 8)
    batp = jnp.concatenate(
        [batch.astype(jnp.int32), jnp.full((npad,), -1, jnp.int32)]
    ).reshape(_NP, 4)

    h1 = _embed(xp, shape_emb, color_emb, lin_W, lin_b)

    h1v = h1.reshape(_NPAD, 32)
    aggA, aggB = _make_edge_agg(_EROWS // 2, _EROWS // (2 * _NSUB))(
        h1v, h1v, src_p, dst_p, zeros)
    h2_l, h2_r = _mix1(aggA.reshape(_NP, 128), aggB.reshape(_NP, 128), h1,
                       conv1_Wrel, conv1_brel, conv1_Wroot)

    agg_l, agg_r = _make_edge_agg(0, _EROWS // _NSUB)(
        h2_l.reshape(_NPAD, 32), h2_r.reshape(_NPAD, 32), src_p, dst_p, zeros)

    return _pool_cls(agg_l.reshape(_NP, 128), agg_r.reshape(_NP, 128),
                     h2_l, h2_r,
                     conv2_Wrel, conv2_brel, conv2_Wroot, batp, cls_W, cls_b)

# --- scband reference (transcript-rebuilt; emitter-appended) ---
"""Pipeline reference for scband-sprgnn-88648124991072 (READ-ONLY COPY).

The authoritative reference and input builder live on the scoring server;
editing this copy changes nothing except your own understanding.
"""

import jax, jax.numpy as jnp
import numpy as np

N = 50000
E = 800000
G = 128
NUM_SHAPES = 16
NUM_COLORS = 8
NUM_CLASSES = 10


def setup_inputs(seed: int = 0) -> dict:
    key = jax.random.key(seed)
    ks = jax.random.split(key, 16)
    s = 0.05
    inp = {}
    inp["x"] = jax.random.randint(ks[0], (N, 2), 0, NUM_COLORS)
    inp["edge_index"] = jax.random.randint(ks[1], (2, E), 0, N)
    inp["batch"] = jnp.sort(jax.random.randint(ks[2], (N,), 0, G))
    inp["shape_emb"] = jax.random.normal(ks[3], (NUM_SHAPES, 8), jnp.float32) * s
    inp["color_emb"] = jax.random.normal(ks[4], (NUM_COLORS, 8), jnp.float32) * s
    inp["lin_W"] = jax.random.normal(ks[5], (32, 16), jnp.float32) * s
    inp["lin_b"] = jnp.zeros((32,), jnp.float32)
    inp["conv1_Wrel"] = jax.random.normal(ks[6], (64, 32), jnp.float32) * s
    inp["conv1_brel"] = jnp.zeros((64,), jnp.float32)
    inp["conv1_Wroot"] = jax.random.normal(ks[7], (64, 32), jnp.float32) * s
    inp["conv2_Wrel"] = jax.random.normal(ks[8], (64, 64), jnp.float32) * s
    inp["conv2_brel"] = jnp.zeros((64,), jnp.float32)
    inp["conv2_Wroot"] = jax.random.normal(ks[9], (64, 64), jnp.float32) * s
    inp["cls_W"] = jax.random.normal(ks[10], (NUM_CLASSES, 64), jnp.float32) * s
    inp["cls_b"] = jnp.zeros((NUM_CLASSES,), jnp.float32)
    return inp


def _graph_conv(h, src, dst, Wrel, brel, Wroot):
    # PyG GraphConv: out = lin_rel(sum_{j->i} x_j) + lin_root(x_i)
    agg = jnp.zeros_like(h).at[dst].add(h[src])
    return agg @ Wrel.T + brel + h @ Wroot.T


def reference(x, edge_index, batch, shape_emb, color_emb, lin_W, lin_b,
              conv1_Wrel, conv1_brel, conv1_Wroot,
              conv2_Wrel, conv2_brel, conv2_Wroot,
              cls_W, cls_b):
    src, dst = edge_index[0], edge_index[1]
    h = jnp.concatenate([shape_emb[x[:, 0]], color_emb[x[:, 1]]], axis=1)
    h = jax.nn.relu(h @ lin_W.T + lin_b)
    h = jax.nn.relu(_graph_conv(h, src, dst, conv1_Wrel, conv1_brel, conv1_Wroot))
    h = jax.nn.relu(_graph_conv(h, src, dst, conv2_Wrel, conv2_brel, conv2_Wroot))
    sums = jax.ops.segment_sum(h, batch, num_segments=G)
    cnt = jax.ops.segment_sum(jnp.ones((h.shape[0],), h.dtype), batch, num_segments=G)
    pooled = sums / jnp.clip(cnt, 1.0)[:, None]
    return pooled @ cls_W.T + cls_b

if __name__ == "__main__":
    import jax
    _d = setup_inputs()
    print(jax.jit(kernel)(*tuple(_d.values())))

</pallas_src>

<mosaic_0001>
#map = affine_map<(d0, d1) -> (0, 0)>
module attributes {stable_mosaic.version = 14 : i64} {
  func.func @agg(%arg0: i32, %arg1: i32, %arg2: memref<50048x32xf32, #tpu.memory_space<hbm>>, %arg3: memref<50048x32xf32, #tpu.memory_space<hbm>>, %arg4: memref<3136x256xi32, #tpu.memory_space<hbm>>, %arg5: memref<3136x256xi32, #tpu.memory_space<hbm>>, %arg6: memref<3128x32xf32, #tpu.memory_space<hbm>>, %arg7: memref<50048x32xf32, #tpu.memory_space<hbm>>, %arg8: memref<50048x32xf32, #tpu.memory_space<hbm>>, %arg9: memref<14x256xi32, #tpu.memory_space<vmem>>, %arg10: memref<14x256xi32, #tpu.memory_space<vmem>>, %arg11: memref<256x32xf32, #tpu.memory_space<vmem>>, %arg12: memref<256x32xf32, #tpu.memory_space<vmem>>, %arg13: memref<!tpu.dma_semaphore, #tpu.memory_space<semaphore_mem>>, %arg14: memref<!tpu.dma_semaphore, #tpu.memory_space<semaphore_mem>>, %arg15: memref<50048x32xf32, #tpu.memory_space<vmem_shared>>) attributes {dimension_semantics = [#tpu.dimension_semantics<core_parallel>, #tpu.dimension_semantics<subcore_parallel>], iteration_bounds = array<i64: 2, 16>, scalar_prefetch = 0 : i64, scratch_operands = 7 : i64, tpu.core_type = #tpu.core_type<sc_vector_subcore>, window_params = [{transform_indices = #map}, {transform_indices = #map}, {transform_indices = #map}, {transform_indices = #map}, {transform_indices = #map}, {transform_indices = #map}, {transform_indices = #map}]} {
    %mul3A = arith.constant 3128 : i32
    %mul3A_0 = arith.muli %arg1, %mul3A : i32
    "tpu.region"() ({
      %run_scoped3A = tpu.sem_alloc : memref<!tpu.dma_semaphore, #tpu.memory_space<semaphore_mem>>
      %dma_start3A = arith.constant 0 : i32
      %dma_start3A_23 = tpu.memref_slice %arg15[%mul3A_0, %dma_start3A] : memref<50048x32xf32, #tpu.memory_space<vmem_shared>> -> memref<3128x32xf32, #tpu.memory_space<vmem_shared>>
      tpu.enqueue_dma source(%arg6 : memref<3128x32xf32, #tpu.memory_space<hbm>>) target(%dma_start3A_23 : memref<3128x32xf32, #tpu.memory_space<vmem_shared>>) target_semaphore(%run_scoped3A : memref<!tpu.dma_semaphore, #tpu.memory_space<semaphore_mem>>)
      %dma_wait3A = arith.constant 0 : i32
      %dma_wait3A_24 = tpu.memref_slice %arg15[%mul3A_0, %dma_wait3A] : memref<50048x32xf32, #tpu.memory_space<vmem_shared>> -> memref<3128x32xf32, #tpu.memory_space<vmem_shared>>
      tpu.wait_dma2 semaphore(%run_scoped3A : memref<!tpu.dma_semaphore, #tpu.memory_space<semaphore_mem>>) src(%arg6 : memref<3128x32xf32, #tpu.memory_space<hbm>>) dst(%dma_wait3A_24 : memref<3128x32xf32, #tpu.memory_space<vmem_shared>>)
      tpu.yield
    }) : () -> ()
    %barrier3A = arith.constant 0 : index
    tpu.barrier barrier_id(%barrier3A)
    %mul3A_1 = arith.constant 0 : i32
    %mul3A_2 = arith.muli %arg0, %mul3A_1 : i32
    %mul3A_3 = arith.constant 196 : i32
    %mul3A_4 = arith.muli %arg1, %mul3A_3 : i32
    %add3A = arith.addi %mul3A_2, %mul3A_4 : i32
    %eq3A = arith.constant 0 : i32
    %eq3A_5 = arith.cmpi eq, %arg0, %eq3A : i32
    %convert_element_type3A = arith.extui %eq3A_5 : i1 to i32
    %cond3A = arith.constant 0 : i32
    %cond3A_6 = arith.cmpi ne, %convert_element_type3A, %cond3A : i32
    scf.if %cond3A_6 {
      %scan3A = arith.constant 0 : i32
      %scan3A_23 = arith.constant 0 : i32
      %scan3A_24 = arith.constant 14 : i32
      %scan3A_25 = arith.addi %scan3A_23, %scan3A_24 : i32
      %scan3A_26 = arith.constant 1 : i32
      scf.for %scan3A_28 = %scan3A_23 to %scan3A_25 step %scan3A_26  : i32 {
        %mul3A_29 = arith.constant 14 : i32
        %mul3A_30 = arith.muli %scan3A_28, %mul3A_29 : i32
        %add3A_31 = arith.addi %add3A, %mul3A_30 : i32
        "tpu.region"() ({
          %run_scoped3A = tpu.sem_alloc : memref<!tpu.dma_semaphore, #tpu.memory_space<semaphore_mem>>
          %dma_start3A_43 = arith.constant 0 : i32
          %dma_start3A_44 = tpu.memref_slice %arg4[%add3A_31, %dma_start3A_43] : memref<3136x256xi32, #tpu.memory_space<hbm>> -> memref<14x256xi32, #tpu.memory_space<hbm>>
          %dma_start3A_45 = arith.constant 0 : i32
          %dma_start3A_46 = tpu.memref_slice %arg4[%add3A_31, %dma_start3A_45] : memref<3136x256xi32, #tpu.memory_space<hbm>> -> memref<14x256xi32, #tpu.memory_space<hbm>>
          tpu.enqueue_dma source(%dma_start3A_46 : memref<14x256xi32, #tpu.memory_space<hbm>>) target(%arg9 : memref<14x256xi32, #tpu.memory_space<vmem>>) target_semaphore(%run_scoped3A : memref<!tpu.dma_semaphore, #tpu.memory_space<semaphore_mem>>)
          %dma_wait3A = arith.constant 0 : i32
          %dma_wait3A_47 = tpu.memref_slice %arg4[%add3A_31, %dma_wait3A] : memref<3136x256xi32, #tpu.memory_space<hbm>> -> memref<14x256xi32, #tpu.memory_space<hbm>>
          %dma_wait3A_48 = arith.constant 0 : i32
          %dma_wait3A_49 = tpu.memref_slice %arg4[%add3A_31, %dma_wait3A_48] : memref<3136x256xi32, #tpu.memory_space<hbm>> -> memref<14x256xi32, #tpu.memory_space<hbm>>
          tpu.wait_dma2 semaphore(%run_scoped3A : memref<!tpu.dma_semaphore, #tpu.memory_space<semaphore_mem>>) src(%dma_wait3A_49 : memref<14x256xi32, #tpu.memory_space<hbm>>) dst(%arg9 : memref<14x256xi32, #tpu.memory_space<vmem>>)
          tpu.yield
        }) : () -> ()
        "tpu.region"() ({
          %run_scoped3A = tpu.sem_alloc : memref<!tpu.dma_semaphore, #tpu.memory_space<semaphore_mem>>
          %dma_start3A_43 = arith.constant 0 : i32
          %dma_start3A_44 = tpu.memref_slice %arg5[%add3A_31, %dma_start3A_43] : memref<3136x256xi32, #tpu.memory_space<hbm>> -> memref<14x256xi32, #tpu.memory_space<hbm>>
          %dma_start3A_45 = arith.constant 0 : i32
          %dma_start3A_46 = tpu.memref_slice %arg5[%add3A_31, %dma_start3A_45] : memref<3136x256xi32, #tpu.memory_space<hbm>> -> memref<14x256xi32, #tpu.memory_space<hbm>>
          tpu.enqueue_dma source(%dma_start3A_46 : memref<14x256xi32, #tpu.memory_space<hbm>>) target(%arg10 : memref<14x256xi32, #tpu.memory_space<vmem>>) target_semaphore(%run_scoped3A : memref<!tpu.dma_semaphore, #tpu.memory_space<semaphore_mem>>)
          %dma_wait3A = arith.constant 0 : i32
          %dma_wait3A_47 = tpu.memref_slice %arg5[%add3A_31, %dma_wait3A] : memref<3136x256xi32, #tpu.memory_space<hbm>> -> memref<14x256xi32, #tpu.memory_space<hbm>>
          %dma_wait3A_48 = arith.constant 0 : i32
          %dma_wait3A_49 = tpu.memref_slice %arg5[%add3A_31, %dma_wait3A_48] : memref<3136x256xi32, #tpu.memory_space<hbm>> -> memref<14x256xi32, #tpu.memory_space<hbm>>
          tpu.wait_dma2 semaphore(%run_scoped3A : memref<!tpu.dma_semaphore, #tpu.memory_space<semaphore_mem>>) src(%dma_wait3A_49 : memref<14x256xi32, #tpu.memory_space<hbm>>) dst(%arg10 : memref<14x256xi32, #tpu.memory_space<vmem>>)
          tpu.yield
        }) : () -> ()
        %dma_start3A = arith.constant 0 : i32
        %dma_start3A_32 = arith.constant 0 : i32
        %dma_start3A_33 = tpu.memref_slice %arg9[%dma_start3A, %dma_start3A_32] : memref<14x256xi32, #tpu.memory_space<vmem>> -> memref<1x256xi32, #tpu.memory_space<vmem>>
        %dma_start3A_34 = tpu.memref_squeeze %dma_start3A_33 : memref<1x256xi32, #tpu.memory_space<vmem>> -> memref<256xi32, #tpu.memory_space<vmem>>
        %dma_start3A_35 = arith.constant 0 : i32
        %dma_start3A_36 = arith.constant 0 : i32
        %dma_start3A_37 = tpu.memref_slice %arg2[%dma_start3A_35, %dma_start3A_36] : memref<50048x32xf32, #tpu.memory_space<hbm>> -> memref<50048x32xf32, #tpu.memory_space<hbm>>
        tpu.enqueue_indirect_dma source(%dma_start3A_37 : memref<50048x32xf32, #tpu.memory_space<hbm>>) target(%arg11 : memref<256x32xf32, #tpu.memory_space<vmem>>) offsets(%dma_start3A_34 : memref<256xi32, #tpu.memory_space<vmem>>) semaphore(%arg13 : memref<!tpu.dma_semaphore, #tpu.memory_space<semaphore_mem>>)
        %scan3A_38 = arith.constant 0 : i32
        %scan3A_39 = arith.constant 7 : i32
        %scan3A_40 = arith.addi %scan3A_38, %scan3A_39 : i32
        %scan3A_41 = arith.constant 1 : i32
        scf.for %scan3A_43 = %scan3A_38 to %scan3A_40 step %scan3A_41  : i32 {
          %mul3A_44 = arith.constant 2 : i32
          %mul3A_45 = arith.muli %mul3A_44, %scan3A_43 : i32
          %add3A_46 = arith.constant 1 : i32
          %add3A_47 = arith.addi %mul3A_45, %add3A_46 : i32
          %dma_start3A_48 = arith.constant 0 : i32
          %dma_start3A_49 = tpu.memref_slice %arg9[%add3A_47, %dma_start3A_48] : memref<14x256xi32, #tpu.memory_space<vmem>> -> memref<1x256xi32, #tpu.memory_space<vmem>>
          %dma_start3A_50 = tpu.memref_squeeze %dma_start3A_49 : memref<1x256xi32, #tpu.memory_space<vmem>> -> memref<256xi32, #tpu.memory_space<vmem>>
          %dma_start3A_51 = arith.constant 0 : i32
          %dma_start3A_52 = arith.constant 0 : i32
          %dma_start3A_53 = tpu.memref_slice %arg2[%dma_start3A_51, %dma_start3A_52] : memref<50048x32xf32, #tpu.memory_space<hbm>> -> memref<50048x32xf32, #tpu.memory_space<hbm>>
          tpu.enqueue_indirect_dma source(%dma_start3A_53 : memref<50048x32xf32, #tpu.memory_space<hbm>>) target(%arg12 : memref<256x32xf32, #tpu.memory_space<vmem>>) offsets(%dma_start3A_50 : memref<256xi32, #tpu.memory_space<vmem>>) semaphore(%arg14 : memref<!tpu.dma_semaphore, #tpu.memory_space<semaphore_mem>>)
          %dma_wait3A = arith.constant 0 : i32
          %dma_wait3A_54 = tpu.memref_slice %arg9[%mul3A_45, %dma_wait3A] : memref<14x256xi32, #tpu.memory_space<vmem>> -> memref<1x256xi32, #tpu.memory_space<vmem>>
          %dma_wait3A_55 = tpu.memref_squeeze %dma_wait3A_54 : memref<1x256xi32, #tpu.memory_space<vmem>> -> memref<256xi32, #tpu.memory_space<vmem>>
          %dma_wait3A_56 = arith.constant 0 : i32
          %dma_wait3A_57 = arith.constant 0 : i32
          %dma_wait3A_58 = tpu.memref_slice %arg2[%dma_wait3A_56, %dma_wait3A_57] : memref<50048x32xf32, #tpu.memory_space<hbm>> -> memref<50048x32xf32, #tpu.memory_space<hbm>>
          tpu.wait_indirect_dma semaphore(%arg13 : memref<!tpu.dma_semaphore, #tpu.memory_space<semaphore_mem>>) src(%dma_wait3A_58 : memref<50048x32xf32, #tpu.memory_space<hbm>>) dst(%arg11 : memref<256x32xf32, #tpu.memory_space<vmem>>)
          "tpu.region"() ({
            %run_scoped3A = tpu.sem_alloc : memref<!tpu.dma_semaphore, #tpu.memory_space<semaphore_mem>>
            %dma_start3A_75 = arith.constant 0 : i32
            %dma_start3A_76 = tpu.memref_slice %arg10[%mul3A_45, %dma_start3A_75] : memref<14x256xi32, #tpu.memory_space<vmem>> -> memref<1x256xi32, #tpu.memory_space<vmem>>
            %dma_start3A_77 = tpu.memref_squeeze %dma_start3A_76 : memref<1x256xi32, #tpu.memory_space<vmem>> -> memref<256xi32, #tpu.memory_space<vmem>>
            %dma_start3A_78 = arith.constant 0 : i32
            %dma_start3A_79 = arith.constant 0 : i32
            %dma_start3A_80 = tpu.memref_slice %arg15[%dma_start3A_78, %dma_start3A_79] : memref<50048x32xf32, #tpu.memory_space<vmem_shared>> -> memref<50048x32xf32, #tpu.memory_space<vmem_shared>>
            tpu.enqueue_indirect_dma source(%arg11 : memref<256x32xf32, #tpu.memory_space<vmem>>) target(%dma_start3A_80 : memref<50048x32xf32, #tpu.memory_space<vmem_shared>>) offsets(%dma_start3A_77 : memref<256xi32, #tpu.memory_space<vmem>>) semaphore(%run_scoped3A : memref<!tpu.dma_semaphore, #tpu.memory_space<semaphore_mem>>) {add = true}
            %dma_wait3A_81 = arith.constant 0 : i32
            %dma_wait3A_82 = tpu.memref_slice %arg10[%mul3A_45, %dma_wait3A_81] : memref<14x256xi32, #tpu.memory_space<vmem>> -> memref<1x256xi32, #tpu.memory_space<vmem>>
            %dma_wait3A_83 = tpu.memref_squeeze %dma_wait3A_82 : memref<1x256xi32, #tpu.memory_space<vmem>> -> memref<256xi32, #tpu.memory_space<vmem>>
            %dma_wait3A_84 = arith.constant 0 : i32
            %dma_wait3A_85 = arith.constant 0 : i32
            %dma_wait3A_86 = tpu.memref_slice %arg15[%dma_wait3A_84, %dma_wait3A_85] : memref<50048x32xf32, #tpu.memory_space<vmem_shared>> -> memref<50048x32xf32, #tpu.memory_space<vmem_shared>>
            tpu.wait_indirect_dma semaphore(%run_scoped3A : memref<!tpu.dma_semaphore, #tpu.memory_space<semaphore_mem>>) src(%arg11 : memref<256x32xf32, #tpu.memory_space<vmem>>) dst(%dma_wait3A_86 : memref<50048x32xf32, #tpu.memory_space<vmem_shared>>)
            tpu.yield
          }) : () -> ()
          %add3A_59 = arith.constant 2 : i32
          %add3A_60 = arith.addi %mul3A_45, %add3A_59 : i32
          %lt3A = arith.constant 14 : i32
          %lt3A_61 = arith.cmpi slt, %add3A_60, %lt3A : i32
          %convert_element_type3A_62 = arith.extui %lt3A_61 : i1 to i32
          %cond3A_63 = arith.constant 0 : i32
          %cond3A_64 = arith.cmpi ne, %convert_element_type3A_62, %cond3A_63 : i32
          scf.if %cond3A_64 {
            %add3A_75 = arith.constant 2 : i32
            %add3A_76 = arith.addi %mul3A_45, %add3A_75 : i32
            %dma_start3A_77 = arith.constant 0 : i32
            %dma_start3A_78 = tpu.memref_slice %arg9[%add3A_76, %dma_start3A_77] : memref<14x256xi32, #tpu.memory_space<vmem>> -> memref<1x256xi32, #tpu.memory_space<vmem>>
            %dma_start3A_79 = tpu.memref_squeeze %dma_start3A_78 : memref<1x256xi32, #tpu.memory_space<vmem>> -> memref<256xi32, #tpu.memory_space<vmem>>
            %dma_start3A_80 = arith.constant 0 : i32
            %dma_start3A_81 = arith.constant 0 : i32
            %dma_start3A_82 = tpu.memref_slice %arg2[%dma_start3A_80, %dma_start3A_81] : memref<50048x32xf32, #tpu.memory_space<hbm>> -> memref<50048x32xf32, #tpu.memory_space<hbm>>
            tpu.enqueue_indirect_dma source(%dma_start3A_82 : memref<50048x32xf32, #tpu.memory_space<hbm>>) target(%arg11 : memref<256x32xf32, #tpu.memory_space<vmem>>) offsets(%dma_start3A_79 : memref<256xi32, #tpu.memory_space<vmem>>) semaphore(%arg13 : memref<!tpu.dma_semaphore, #tpu.memory_space<semaphore_mem>>)
          } else {
          }
          %add3A_65 = arith.constant 1 : i32
          %add3A_66 = arith.addi %mul3A_45, %add3A_65 : i32
          %dma_wait3A_67 = arith.constant 0 : i32
          %dma_wait3A_68 = tpu.memref_slice %arg9[%add3A_66, %dma_wait3A_67] : memref<14x256xi32, #tpu.memory_space<vmem>> -> memref<1x256xi32, #tpu.memory_space<vmem>>
          %dma_wait3A_69 = tpu.memref_squeeze %dma_wait3A_68 : memref<1x256xi32, #tpu.memory_space<vmem>> -> memref<256xi32, #tpu.memory_space<vmem>>
          %dma_wait3A_70 = arith.constant 0 : i32
          %dma_wait3A_71 = arith.constant 0 : i32
          %dma_wait3A_72 = tpu.memref_slice %arg2[%dma_wait3A_70, %dma_wait3A_71] : memref<50048x32xf32, #tpu.memory_space<hbm>> -> memref<50048x32xf32, #tpu.memory_space<hbm>>
          tpu.wait_indirect_dma semaphore(%arg14 : memref<!tpu.dma_semaphore, #tpu.memory_space<semaphore_mem>>) src(%dma_wait3A_72 : memref<50048x32xf32, #tpu.memory_space<hbm>>) dst(%arg12 : memref<256x32xf32, #tpu.memory_space<vmem>>)
          %add3A_73 = arith.constant 1 : i32
          %add3A_74 = arith.addi %mul3A_45, %add3A_73 : i32
          "tpu.region"() ({
            %run_scoped3A = tpu.sem_alloc : memref<!tpu.dma_semaphore, #tpu.memory_space<semaphore_mem>>
            %dma_start3A_75 = arith.constant 0 : i32
            %dma_start3A_76 = tpu.memref_slice %arg10[%add3A_74, %dma_start3A_75] : memref<14x256xi32, #tpu.memory_space<vmem>> -> memref<1x256xi32, #tpu.memory_space<vmem>>
            %dma_start3A_77 = tpu.memref_squeeze %dma_start3A_76 : memref<1x256xi32, #tpu.memory_space<vmem>> -> memref<256xi32, #tpu.memory_space<vmem>>
            %dma_start3A_78 = arith.constant 0 : i32
            %dma_start3A_79 = arith.constant 0 : i32
            %dma_start3A_80 = tpu.memref_slice %arg15[%dma_start3A_78, %dma_start3A_79] : memref<50048x32xf32, #tpu.memory_space<vmem_shared>> -> memref<50048x32xf32, #tpu.memory_space<vmem_shared>>
            tpu.enqueue_indirect_dma source(%arg12 : memref<256x32xf32, #tpu.memory_space<vmem>>) target(%dma_start3A_80 : memref<50048x32xf32, #tpu.memory_space<vmem_shared>>) offsets(%dma_start3A_77 : memref<256xi32, #tpu.memory_space<vmem>>) semaphore(%run_scoped3A : memref<!tpu.dma_semaphore, #tpu.memory_space<semaphore_mem>>) {add = true}
            %dma_wait3A_81 = arith.constant 0 : i32
            %dma_wait3A_82 = tpu.memref_slice %arg10[%add3A_74, %dma_wait3A_81] : memref<14x256xi32, #tpu.memory_space<vmem>> -> memref<1x256xi32, #tpu.memory_space<vmem>>
            %dma_wait3A_83 = tpu.memref_squeeze %dma_wait3A_82 : memref<1x256xi32, #tpu.memory_space<vmem>> -> memref<256xi32, #tpu.memory_space<vmem>>
            %dma_wait3A_84 = arith.constant 0 : i32
            %dma_wait3A_85 = arith.constant 0 : i32
            %dma_wait3A_86 = tpu.memref_slice %arg15[%dma_wait3A_84, %dma_wait3A_85] : memref<50048x32xf32, #tpu.memory_space<vmem_shared>> -> memref<50048x32xf32, #tpu.memory_space<vmem_shared>>
            tpu.wait_indirect_dma semaphore(%run_scoped3A : memref<!tpu.dma_semaphore, #tpu.memory_space<semaphore_mem>>) src(%arg12 : memref<256x32xf32, #tpu.memory_space<vmem>>) dst(%dma_wait3A_86 : memref<50048x32xf32, #tpu.memory_space<vmem_shared>>)
            tpu.yield
          }) : () -> ()
        }
        %scan3A_42 = arith.constant 7 : i32
      }
      %scan3A_27 = arith.constant 14 : i32
    } else {
    }
    %eq3A_7 = arith.constant 1 : i32
    %eq3A_8 = arith.cmpi eq, %arg0, %eq3A_7 : i32
    %convert_element_type3A_9 = arith.extui %eq3A_8 : i1 to i32
    %cond3A_10 = arith.constant 0 : i32
    %cond3A_11 = arith.cmpi ne, %convert_element_type3A_9, %cond3A_10 : i32
    scf.if %cond3A_11 {
      %scan3A = arith.constant 0 : i32
      %scan3A_23 = arith.constant 0 : i32
      %scan3A_24 = arith.constant 14 : i32
      %scan3A_25 = arith.addi %scan3A_23, %scan3A_24 : i32
      %scan3A_26 = arith.constant 1 : i32
      scf.for %scan3A_28 = %scan3A_23 to %scan3A_25 step %scan3A_26  : i32 {
        %mul3A_29 = arith.constant 14 : i32
        %mul3A_30 = arith.muli %scan3A_28, %mul3A_29 : i32
        %add3A_31 = arith.addi %add3A, %mul3A_30 : i32
        "tpu.region"() ({
          %run_scoped3A = tpu.sem_alloc : memref<!tpu.dma_semaphore, #tpu.memory_space<semaphore_mem>>
          %dma_start3A_43 = arith.constant 0 : i32
          %dma_start3A_44 = tpu.memref_slice %arg4[%add3A_31, %dma_start3A_43] : memref<3136x256xi32, #tpu.memory_space<hbm>> -> memref<14x256xi32, #tpu.memory_space<hbm>>
          %dma_start3A_45 = arith.constant 0 : i32
          %dma_start3A_46 = tpu.memref_slice %arg4[%add3A_31, %dma_start3A_45] : memref<3136x256xi32, #tpu.memory_space<hbm>> -> memref<14x256xi32, #tpu.memory_space<hbm>>
          tpu.enqueue_dma source(%dma_start3A_46 : memref<14x256xi32, #tpu.memory_space<hbm>>) target(%arg9 : memref<14x256xi32, #tpu.memory_space<vmem>>) target_semaphore(%run_scoped3A : memref<!tpu.dma_semaphore, #tpu.memory_space<semaphore_mem>>)
          %dma_wait3A = arith.constant 0 : i32
          %dma_wait3A_47 = tpu.memref_slice %arg4[%add3A_31, %dma_wait3A] : memref<3136x256xi32, #tpu.memory_space<hbm>> -> memref<14x256xi32, #tpu.memory_space<hbm>>
          %dma_wait3A_48 = arith.constant 0 : i32
          %dma_wait3A_49 = tpu.memref_slice %arg4[%add3A_31, %dma_wait3A_48] : memref<3136x256xi32, #tpu.memory_space<hbm>> -> memref<14x256xi32, #tpu.memory_space<hbm>>
          tpu.wait_dma2 semaphore(%run_scoped3A : memref<!tpu.dma_semaphore, #tpu.memory_space<semaphore_mem>>) src(%dma_wait3A_49 : memref<14x256xi32, #tpu.memory_space<hbm>>) dst(%arg9 : memref<14x256xi32, #tpu.memory_space<vmem>>)
          tpu.yield
        }) : () -> ()
        "tpu.region"() ({
          %run_scoped3A = tpu.sem_alloc : memref<!tpu.dma_semaphore, #tpu.memory_space<semaphore_mem>>
          %dma_start3A_43 = arith.constant 0 : i32
          %dma_start3A_44 = tpu.memref_slice %arg5[%add3A_31, %dma_start3A_43] : memref<3136x256xi32, #tpu.memory_space<hbm>> -> memref<14x256xi32, #tpu.memory_space<hbm>>
          %dma_start3A_45 = arith.constant 0 : i32
          %dma_start3A_46 = tpu.memref_slice %arg5[%add3A_31, %dma_start3A_45] : memref<3136x256xi32, #tpu.memory_space<hbm>> -> memref<14x256xi32, #tpu.memory_space<hbm>>
          tpu.enqueue_dma source(%dma_start3A_46 : memref<14x256xi32, #tpu.memory_space<hbm>>) target(%arg10 : memref<14x256xi32, #tpu.memory_space<vmem>>) target_semaphore(%run_scoped3A : memref<!tpu.dma_semaphore, #tpu.memory_space<semaphore_mem>>)
          %dma_wait3A = arith.constant 0 : i32
          %dma_wait3A_47 = tpu.memref_slice %arg5[%add3A_31, %dma_wait3A] : memref<3136x256xi32, #tpu.memory_space<hbm>> -> memref<14x256xi32, #tpu.memory_space<hbm>>
          %dma_wait3A_48 = arith.constant 0 : i32
          %dma_wait3A_49 = tpu.memref_slice %arg5[%add3A_31, %dma_wait3A_48] : memref<3136x256xi32, #tpu.memory_space<hbm>> -> memref<14x256xi32, #tpu.memory_space<hbm>>
          tpu.wait_dma2 semaphore(%run_scoped3A : memref<!tpu.dma_semaphore, #tpu.memory_space<semaphore_mem>>) src(%dma_wait3A_49 : memref<14x256xi32, #tpu.memory_space<hbm>>) dst(%arg10 : memref<14x256xi32, #tpu.memory_space<vmem>>)
          tpu.yield
        }) : () -> ()
        %dma_start3A = arith.constant 0 : i32
        %dma_start3A_32 = arith.constant 0 : i32
        %dma_start3A_33 = tpu.memref_slice %arg9[%dma_start3A, %dma_start3A_32] : memref<14x256xi32, #tpu.memory_space<vmem>> -> memref<1x256xi32, #tpu.memory_space<vmem>>
        %dma_start3A_34 = tpu.memref_squeeze %dma_start3A_33 : memref<1x256xi32, #tpu.memory_space<vmem>> -> memref<256xi32, #tpu.memory_space<vmem>>
        %dma_start3A_35 = arith.constant 0 : i32
        %dma_start3A_36 = arith.constant 0 : i32
        %dma_start3A_37 = tpu.memref_slice %arg3[%dma_start3A_35, %dma_start3A_36] : memref<50048x32xf32, #tpu.memory_space<hbm>> -> memref<50048x32xf32, #tpu.memory_space<hbm>>
        tpu.enqueue_indirect_dma source(%dma_start3A_37 : memref<50048x32xf32, #tpu.memory_space<hbm>>) target(%arg11 : memref<256x32xf32, #tpu.memory_space<vmem>>) offsets(%dma_start3A_34 : memref<256xi32, #tpu.memory_space<vmem>>) semaphore(%arg13 : memref<!tpu.dma_semaphore, #tpu.memory_space<semaphore_mem>>)
        %scan3A_38 = arith.constant 0 : i32
        %scan3A_39 = arith.constant 7 : i32
        %scan3A_40 = arith.addi %scan3A_38, %scan3A_39 : i32
        %scan3A_41 = arith.constant 1 : i32
        scf.for %scan3A_43 = %scan3A_38 to %scan3A_40 step %scan3A_41  : i32 {
          %mul3A_44 = arith.constant 2 : i32
          %mul3A_45 = arith.muli %mul3A_44, %scan3A_43 : i32
          %add3A_46 = arith.constant 1 : i32
          %add3A_47 = arith.addi %mul3A_45, %add3A_46 : i32
          %dma_start3A_48 = arith.constant 0 : i32
          %dma_start3A_49 = tpu.memref_slice %arg9[%add3A_47, %dma_start3A_48] : memref<14x256xi32, #tpu.memory_space<vmem>> -> memref<1x256xi32, #tpu.memory_space<vmem>>
          %dma_start3A_50 = tpu.memref_squeeze %dma_start3A_49 : memref<1x256xi32, #tpu.memory_space<vmem>> -> memref<256xi32, #tpu.memory_space<vmem>>
          %dma_start3A_51 = arith.constant 0 : i32
          %dma_start3A_52 = arith.constant 0 : i32
          %dma_start3A_53 = tpu.memref_slice %arg3[%dma_start3A_51, %dma_start3A_52] : memref<50048x32xf32, #tpu.memory_space<hbm>> -> memref<50048x32xf32, #tpu.memory_space<hbm>>
          tpu.enqueue_indirect_dma source(%dma_start3A_53 : memref<50048x32xf32, #tpu.memory_space<hbm>>) target(%arg12 : memref<256x32xf32, #tpu.memory_space<vmem>>) offsets(%dma_start3A_50 : memref<256xi32, #tpu.memory_space<vmem>>) semaphore(%arg14 : memref<!tpu.dma_semaphore, #tpu.memory_space<semaphore_mem>>)
          %dma_wait3A = arith.constant 0 : i32
          %dma_wait3A_54 = tpu.memref_slice %arg9[%mul3A_45, %dma_wait3A] : memref<14x256xi32, #tpu.memory_space<vmem>> -> memref<1x256xi32, #tpu.memory_space<vmem>>
          %dma_wait3A_55 = tpu.memref_squeeze %dma_wait3A_54 : memref<1x256xi32, #tpu.memory_space<vmem>> -> memref<256xi32, #tpu.memory_space<vmem>>
          %dma_wait3A_56 = arith.constant 0 : i32
          %dma_wait3A_57 = arith.constant 0 : i32
          %dma_wait3A_58 = tpu.memref_slice %arg3[%dma_wait3A_56, %dma_wait3A_57] : memref<50048x32xf32, #tpu.memory_space<hbm>> -> memref<50048x32xf32, #tpu.memory_space<hbm>>
          tpu.wait_indirect_dma semaphore(%arg13 : memref<!tpu.dma_semaphore, #tpu.memory_space<semaphore_mem>>) src(%dma_wait3A_58 : memref<50048x32xf32, #tpu.memory_space<hbm>>) dst(%arg11 : memref<256x32xf32, #tpu.memory_space<vmem>>)
          "tpu.region"() ({
            %run_scoped3A = tpu.sem_alloc : memref<!tpu.dma_semaphore, #tpu.memory_space<semaphore_mem>>
            %dma_start3A_75 = arith.constant 0 : i32
            %dma_start3A_76 = tpu.memref_slice %arg10[%mul3A_45, %dma_start3A_75] : memref<14x256xi32, #tpu.memory_space<vmem>> -> memref<1x256xi32, #tpu.memory_space<vmem>>
            %dma_start3A_77 = tpu.memref_squeeze %dma_start3A_76 : memref<1x256xi32, #tpu.memory_space<vmem>> -> memref<256xi32, #tpu.memory_space<vmem>>
            %dma_start3A_78 = arith.constant 0 : i32
            %dma_start3A_79 = arith.constant 0 : i32
            %dma_start3A_80 = tpu.memref_slice %arg15[%dma_start3A_78, %dma_start3A_79] : memref<50048x32xf32, #tpu.memory_space<vmem_shared>> -> memref<50048x32xf32, #tpu.memory_space<vmem_shared>>
            tpu.enqueue_indirect_dma source(%arg11 : memref<256x32xf32, #tpu.memory_space<vmem>>) target(%dma_start3A_80 : memref<50048x32xf32, #tpu.memory_space<vmem_shared>>) offsets(%dma_start3A_77 : memref<256xi32, #tpu.memory_space<vmem>>) semaphore(%run_scoped3A : memref<!tpu.dma_semaphore, #tpu.memory_space<semaphore_mem>>) {add = true}
            %dma_wait3A_81 = arith.constant 0 : i32
            %dma_wait3A_82 = tpu.memref_slice %arg10[%mul3A_45, %dma_wait3A_81] : memref<14x256xi32, #tpu.memory_space<vmem>> -> memref<1x256xi32, #tpu.memory_space<vmem>>
            %dma_wait3A_83 = tpu.memref_squeeze %dma_wait3A_82 : memref<1x256xi32, #tpu.memory_space<vmem>> -> memref<256xi32, #tpu.memory_space<vmem>>
            %dma_wait3A_84 = arith.constant 0 : i32
            %dma_wait3A_85 = arith.constant 0 : i32
            %dma_wait3A_86 = tpu.memref_slice %arg15[%dma_wait3A_84, %dma_wait3A_85] : memref<50048x32xf32, #tpu.memory_space<vmem_shared>> -> memref<50048x32xf32, #tpu.memory_space<vmem_shared>>
            tpu.wait_indirect_dma semaphore(%run_scoped3A : memref<!tpu.dma_semaphore, #tpu.memory_space<semaphore_mem>>) src(%arg11 : memref<256x32xf32, #tpu.memory_space<vmem>>) dst(%dma_wait3A_86 : memref<50048x32xf32, #tpu.memory_space<vmem_shared>>)
            tpu.yield
          }) : () -> ()
          %add3A_59 = arith.constant 2 : i32
          %add3A_60 = arith.addi %mul3A_45, %add3A_59 : i32
          %lt3A = arith.constant 14 : i32
          %lt3A_61 = arith.cmpi slt, %add3A_60, %lt3A : i32
          %convert_element_type3A_62 = arith.extui %lt3A_61 : i1 to i32
          %cond3A_63 = arith.constant 0 : i32
          %cond3A_64 = arith.cmpi ne, %convert_element_type3A_62, %cond3A_63 : i32
          scf.if %cond3A_64 {
            %add3A_75 = arith.constant 2 : i32
            %add3A_76 = arith.addi %mul3A_45, %add3A_75 : i32
            %dma_start3A_77 = arith.constant 0 : i32
            %dma_start3A_78 = tpu.memref_slice %arg9[%add3A_76, %dma_start3A_77] : memref<14x256xi32, #tpu.memory_space<vmem>> -> memref<1x256xi32, #tpu.memory_space<vmem>>
            %dma_start3A_79 = tpu.memref_squeeze %dma_start3A_78 : memref<1x256xi32, #tpu.memory_space<vmem>> -> memref<256xi32, #tpu.memory_space<vmem>>
            %dma_start3A_80 = arith.constant 0 : i32
            %dma_start3A_81 = arith.constant 0 : i32
            %dma_start3A_82 = tpu.memref_slice %arg3[%dma_start3A_80, %dma_start3A_81] : memref<50048x32xf32, #tpu.memory_space<hbm>> -> memref<50048x32xf32, #tpu.memory_space<hbm>>
            tpu.enqueue_indirect_dma source(%dma_start3A_82 : memref<50048x32xf32, #tpu.memory_space<hbm>>) target(%arg11 : memref<256x32xf32, #tpu.memory_space<vmem>>) offsets(%dma_start3A_79 : memref<256xi32, #tpu.memory_space<vmem>>) semaphore(%arg13 : memref<!tpu.dma_semaphore, #tpu.memory_space<semaphore_mem>>)
          } else {
          }
          %add3A_65 = arith.constant 1 : i32
          %add3A_66 = arith.addi %mul3A_45, %add3A_65 : i32
          %dma_wait3A_67 = arith.constant 0 : i32
          %dma_wait3A_68 = tpu.memref_slice %arg9[%add3A_66, %dma_wait3A_67] : memref<14x256xi32, #tpu.memory_space<vmem>> -> memref<1x256xi32, #tpu.memory_space<vmem>>
          %dma_wait3A_69 = tpu.memref_squeeze %dma_wait3A_68 : memref<1x256xi32, #tpu.memory_space<vmem>> -> memref<256xi32, #tpu.memory_space<vmem>>
          %dma_wait3A_70 = arith.constant 0 : i32
          %dma_wait3A_71 = arith.constant 0 : i32
          %dma_wait3A_72 = tpu.memref_slice %arg3[%dma_wait3A_70, %dma_wait3A_71] : memref<50048x32xf32, #tpu.memory_space<hbm>> -> memref<50048x32xf32, #tpu.memory_space<hbm>>
          tpu.wait_indirect_dma semaphore(%arg14 : memref<!tpu.dma_semaphore, #tpu.memory_space<semaphore_mem>>) src(%dma_wait3A_72 : memref<50048x32xf32, #tpu.memory_space<hbm>>) dst(%arg12 : memref<256x32xf32, #tpu.memory_space<vmem>>)
          %add3A_73 = arith.constant 1 : i32
          %add3A_74 = arith.addi %mul3A_45, %add3A_73 : i32
          "tpu.region"() ({
            %run_scoped3A = tpu.sem_alloc : memref<!tpu.dma_semaphore, #tpu.memory_space<semaphore_mem>>
            %dma_start3A_75 = arith.constant 0 : i32
            %dma_start3A_76 = tpu.memref_slice %arg10[%add3A_74, %dma_start3A_75] : memref<14x256xi32, #tpu.memory_space<vmem>> -> memref<1x256xi32, #tpu.memory_space<vmem>>
            %dma_start3A_77 = tpu.memref_squeeze %dma_start3A_76 : memref<1x256xi32, #tpu.memory_space<vmem>> -> memref<256xi32, #tpu.memory_space<vmem>>
            %dma_start3A_78 = arith.constant 0 : i32
            %dma_start3A_79 = arith.constant 0 : i32
            %dma_start3A_80 = tpu.memref_slice %arg15[%dma_start3A_78, %dma_start3A_79] : memref<50048x32xf32, #tpu.memory_space<vmem_shared>> -> memref<50048x32xf32, #tpu.memory_space<vmem_shared>>
            tpu.enqueue_indirect_dma source(%arg12 : memref<256x32xf32, #tpu.memory_space<vmem>>) target(%dma_start3A_80 : memref<50048x32xf32, #tpu.memory_space<vmem_shared>>) offsets(%dma_start3A_77 : memref<256xi32, #tpu.memory_space<vmem>>) semaphore(%run_scoped3A : memref<!tpu.dma_semaphore, #tpu.memory_space<semaphore_mem>>) {add = true}
            %dma_wait3A_81 = arith.constant 0 : i32
            %dma_wait3A_82 = tpu.memref_slice %arg10[%add3A_74, %dma_wait3A_81] : memref<14x256xi32, #tpu.memory_space<vmem>> -> memref<1x256xi32, #tpu.memory_space<vmem>>
            %dma_wait3A_83 = tpu.memref_squeeze %dma_wait3A_82 : memref<1x256xi32, #tpu.memory_space<vmem>> -> memref<256xi32, #tpu.memory_space<vmem>>
            %dma_wait3A_84 = arith.constant 0 : i32
            %dma_wait3A_85 = arith.constant 0 : i32
            %dma_wait3A_86 = tpu.memref_slice %arg15[%dma_wait3A_84, %dma_wait3A_85] : memref<50048x32xf32, #tpu.memory_space<vmem_shared>> -> memref<50048x32xf32, #tpu.memory_space<vmem_shared>>
            tpu.wait_indirect_dma semaphore(%run_scoped3A : memref<!tpu.dma_semaphore, #tpu.memory_space<semaphore_mem>>) src(%arg12 : memref<256x32xf32, #tpu.memory_space<vmem>>) dst(%dma_wait3A_86 : memref<50048x32xf32, #tpu.memory_space<vmem_shared>>)
            tpu.yield
          }) : () -> ()
        }
        %scan3A_42 = arith.constant 7 : i32
      }
      %scan3A_27 = arith.constant 14 : i32
    } else {
    }
    %barrier3A_12 = arith.constant 0 : index
    tpu.barrier barrier_id(%barrier3A_12)
    %eq3A_13 = arith.constant 0 : i32
    %eq3A_14 = arith.cmpi eq, %arg0, %eq3A_13 : i32
    %convert_element_type3A_15 = arith.extui %eq3A_14 : i1 to i32
    %cond3A_16 = arith.constant 0 : i32
    %cond3A_17 = arith.cmpi ne, %convert_element_type3A_15, %cond3A_16 : i32
    scf.if %cond3A_17 {
      %mul3A_23 = arith.constant 3128 : i32
      %mul3A_24 = arith.muli %arg1, %mul3A_23 : i32
      %mul3A_25 = arith.constant 3128 : i32
      %mul3A_26 = arith.muli %arg1, %mul3A_25 : i32
      "tpu.region"() ({
        %run_scoped3A = tpu.sem_alloc : memref<!tpu.dma_semaphore, #tpu.memory_space<semaphore_mem>>
        %dma_start3A = arith.constant 0 : i32
        %dma_start3A_27 = tpu.memref_slice %arg7[%mul3A_26, %dma_start3A] : memref<50048x32xf32, #tpu.memory_space<hbm>> -> memref<3128x32xf32, #tpu.memory_space<hbm>>
        %dma_start3A_28 = arith.constant 0 : i32
        %dma_start3A_29 = tpu.memref_slice %arg15[%mul3A_24, %dma_start3A_28] : memref<50048x32xf32, #tpu.memory_space<vmem_shared>> -> memref<3128x32xf32, #tpu.memory_space<vmem_shared>>
        tpu.enqueue_dma source(%dma_start3A_29 : memref<3128x32xf32, #tpu.memory_space<vmem_shared>>) target(%dma_start3A_27 : memref<3128x32xf32, #tpu.memory_space<hbm>>) target_semaphore(%run_scoped3A : memref<!tpu.dma_semaphore, #tpu.memory_space<semaphore_mem>>)
        %dma_wait3A = arith.constant 0 : i32
        %dma_wait3A_30 = tpu.memref_slice %arg7[%mul3A_26, %dma_wait3A] : memref<50048x32xf32, #tpu.memory_space<hbm>> -> memref<3128x32xf32, #tpu.memory_space<hbm>>
        %dma_wait3A_31 = arith.constant 0 : i32
        %dma_wait3A_32 = tpu.memref_slice %arg15[%mul3A_24, %dma_wait3A_31] : memref<50048x32xf32, #tpu.memory_space<vmem_shared>> -> memref<3128x32xf32, #tpu.memory_space<vmem_shared>>
        tpu.wait_dma2 semaphore(%run_scoped3A : memref<!tpu.dma_semaphore, #tpu.memory_space<semaphore_mem>>) src(%dma_wait3A_32 : memref<3128x32xf32, #tpu.memory_space<vmem_shared>>) dst(%dma_wait3A_30 : memref<3128x32xf32, #tpu.memory_space<hbm>>)
        tpu.yield
      }) : () -> ()
    } else {
    }
    %eq3A_18 = arith.constant 1 : i32
    %eq3A_19 = arith.cmpi eq, %arg0, %eq3A_18 : i32
    %convert_element_type3A_20 = arith.extui %eq3A_19 : i1 to i32
    %cond3A_21 = arith.constant 0 : i32
    %cond3A_22 = arith.cmpi ne, %convert_element_type3A_20, %cond3A_21 : i32
    scf.if %cond3A_22 {
      %mul3A_23 = arith.constant 3128 : i32
      %mul3A_24 = arith.muli %arg1, %mul3A_23 : i32
      %mul3A_25 = arith.constant 3128 : i32
      %mul3A_26 = arith.muli %arg1, %mul3A_25 : i32
      "tpu.region"() ({
        %run_scoped3A = tpu.sem_alloc : memref<!tpu.dma_semaphore, #tpu.memory_space<semaphore_mem>>
        %dma_start3A = arith.constant 0 : i32
        %dma_start3A_27 = tpu.memref_slice %arg8[%mul3A_26, %dma_start3A] : memref<50048x32xf32, #tpu.memory_space<hbm>> -> memref<3128x32xf32, #tpu.memory_space<hbm>>
        %dma_start3A_28 = arith.constant 0 : i32
        %dma_start3A_29 = tpu.memref_slice %arg15[%mul3A_24, %dma_start3A_28] : memref<50048x32xf32, #tpu.memory_space<vmem_shared>> -> memref<3128x32xf32, #tpu.memory_space<vmem_shared>>
        tpu.enqueue_dma source(%dma_start3A_29 : memref<3128x32xf32, #tpu.memory_space<vmem_shared>>) target(%dma_start3A_27 : memref<3128x32xf32, #tpu.memory_space<hbm>>) target_semaphore(%run_scoped3A : memref<!tpu.dma_semaphore, #tpu.memory_space<semaphore_mem>>)
        %dma_wait3A = arith.constant 0 : i32
        %dma_wait3A_30 = tpu.memref_slice %arg8[%mul3A_26, %dma_wait3A] : memref<50048x32xf32, #tpu.memory_space<hbm>> -> memref<3128x32xf32, #tpu.memory_space<hbm>>
        %dma_wait3A_31 = arith.constant 0 : i32
        %dma_wait3A_32 = tpu.memref_slice %arg15[%mul3A_24, %dma_wait3A_31] : memref<50048x32xf32, #tpu.memory_space<vmem_shared>> -> memref<3128x32xf32, #tpu.memory_space<vmem_shared>>
        tpu.wait_dma2 semaphore(%run_scoped3A : memref<!tpu.dma_semaphore, #tpu.memory_space<semaphore_mem>>) src(%dma_wait3A_32 : memref<3128x32xf32, #tpu.memory_space<vmem_shared>>) dst(%dma_wait3A_30 : memref<3128x32xf32, #tpu.memory_space<hbm>>)
        tpu.yield
      }) : () -> ()
    } else {
    }
    return
  }
}

#map = affine_map<(d0, d1) -> (0, 0)>
module attributes {stable_mosaic.version = 14 : i64} {
  func.func @agg(%arg0: i32, %arg1: i32, %arg2: memref<50048x32xf32, #tpu.memory_space<hbm>>, %arg3: memref<50048x32xf32, #tpu.memory_space<hbm>>, %arg4: memref<3136x256xi32, #tpu.memory_space<hbm>>, %arg5: memref<3136x256xi32, #tpu.memory_space<hbm>>, %arg6: memref<3128x32xf32, #tpu.memory_space<hbm>>, %arg7: memref<50048x32xf32, #tpu.memory_space<hbm>>, %arg8: memref<50048x32xf32, #tpu.memory_space<hbm>>, %arg9: memref<14x256xi32, #tpu.memory_space<vmem>>, %arg10: memref<14x256xi32, #tpu.memory_space<vmem>>, %arg11: memref<256x32xf32, #tpu.memory_space<vmem>>, %arg12: memref<256x32xf32, #tpu.memory_space<vmem>>, %arg13: memref<!tpu.dma_semaphore, #tpu.memory_space<semaphore_mem>>, %arg14: memref<!tpu.dma_semaphore, #tpu.memory_space<semaphore_mem>>, %arg15: memref<50048x32xf32, #tpu.memory_space<vmem_shared>>) attributes {dimension_semantics = [#tpu.dimension_semantics<core_parallel>, #tpu.dimension_semantics<subcore_parallel>], iteration_bounds = array<i64: 2, 16>, scalar_prefetch = 0 : i64, scratch_operands = 7 : i64, tpu.core_type = #tpu.core_type<sc_vector_subcore>, window_params = [{transform_indices = #map}, {transform_indices = #map}, {transform_indices = #map}, {transform_indices = #map}, {transform_indices = #map}, {transform_indices = #map}, {transform_indices = #map}]} {
    %mul3A = arith.constant 3128 : i32
    %mul3A_0 = arith.muli %arg1, %mul3A : i32
    "tpu.region"() ({
      %run_scoped3A = tpu.sem_alloc : memref<!tpu.dma_semaphore, #tpu.memory_space<semaphore_mem>>
      %dma_start3A = arith.constant 0 : i32
      %dma_start3A_23 = tpu.memref_slice %arg15[%mul3A_0, %dma_start3A] : memref<50048x32xf32, #tpu.memory_space<vmem_shared>> -> memref<3128x32xf32, #tpu.memory_space<vmem_shared>>
      tpu.enqueue_dma source(%arg6 : memref<3128x32xf32, #tpu.memory_space<hbm>>) target(%dma_start3A_23 : memref<3128x32xf32, #tpu.memory_space<vmem_shared>>) target_semaphore(%run_scoped3A : memref<!tpu.dma_semaphore, #tpu.memory_space<semaphore_mem>>)
      %dma_wait3A = arith.constant 0 : i32
      %dma_wait3A_24 = tpu.memref_slice %arg15[%mul3A_0, %dma_wait3A] : memref<50048x32xf32, #tpu.memory_space<vmem_shared>> -> memref<3128x32xf32, #tpu.memory_space<vmem_shared>>
      tpu.wait_dma2 semaphore(%run_scoped3A : memref<!tpu.dma_semaphore, #tpu.memory_space<semaphore_mem>>) src(%arg6 : memref<3128x32xf32, #tpu.memory_space<hbm>>) dst(%dma_wait3A_24 : memref<3128x32xf32, #tpu.memory_space<vmem_shared>>)
      tpu.yield
    }) : () -> ()
    %barrier3A = arith.constant 0 : index
    tpu.barrier barrier_id(%barrier3A)
    %mul3A_1 = arith.constant 1568 : i32
    %mul3A_2 = arith.muli %arg0, %mul3A_1 : i32
    %mul3A_3 = arith.constant 98 : i32
    %mul3A_4 = arith.muli %arg1, %mul3A_3 : i32
    %add3A = arith.addi %mul3A_2, %mul3A_4 : i32
    %eq3A = arith.constant 0 : i32
    %eq3A_5 = arith.cmpi eq, %arg0, %eq3A : i32
    %convert_element_type3A = arith.extui %eq3A_5 : i1 to i32
    %cond3A = arith.constant 0 : i32
    %cond3A_6 = arith.cmpi ne, %convert_element_type3A, %cond3A : i32
    scf.if %cond3A_6 {
      %scan3A = arith.constant 0 : i32
      %scan3A_23 = arith.constant 0 : i32
      %scan3A_24 = arith.constant 7 : i32
      %scan3A_25 = arith.addi %scan3A_23, %scan3A_24 : i32
      %scan3A_26 = arith.constant 1 : i32
      scf.for %scan3A_28 = %scan3A_23 to %scan3A_25 step %scan3A_26  : i32 {
        %mul3A_29 = arith.constant 14 : i32
        %mul3A_30 = arith.muli %scan3A_28, %mul3A_29 : i32
        %add3A_31 = arith.addi %add3A, %mul3A_30 : i32
        "tpu.region"() ({
          %run_scoped3A = tpu.sem_alloc : memref<!tpu.dma_semaphore, #tpu.memory_space<semaphore_mem>>
          %dma_start3A_43 = arith.constant 0 : i32
          %dma_start3A_44 = tpu.memref_slice %arg4[%add3A_31, %dma_start3A_43] : memref<3136x256xi32, #tpu.memory_space<hbm>> -> memref<14x256xi32, #tpu.memory_space<hbm>>
          %dma_start3A_45 = arith.constant 0 : i32
          %dma_start3A_46 = tpu.memref_slice %arg4[%add3A_31, %dma_start3A_45] : memref<3136x256xi32, #tpu.memory_space<hbm>> -> memref<14x256xi32, #tpu.memory_space<hbm>>
          tpu.enqueue_dma source(%dma_start3A_46 : memref<14x256xi32, #tpu.memory_space<hbm>>) target(%arg9 : memref<14x256xi32, #tpu.memory_space<vmem>>) target_semaphore(%run_scoped3A : memref<!tpu.dma_semaphore, #tpu.memory_space<semaphore_mem>>)
          %dma_wait3A = arith.constant 0 : i32
          %dma_wait3A_47 = tpu.memref_slice %arg4[%add3A_31, %dma_wait3A] : memref<3136x256xi32, #tpu.memory_space<hbm>> -> memref<14x256xi32, #tpu.memory_space<hbm>>
          %dma_wait3A_48 = arith.constant 0 : i32
          %dma_wait3A_49 = tpu.memref_slice %arg4[%add3A_31, %dma_wait3A_48] : memref<3136x256xi32, #tpu.memory_space<hbm>> -> memref<14x256xi32, #tpu.memory_space<hbm>>
          tpu.wait_dma2 semaphore(%run_scoped3A : memref<!tpu.dma_semaphore, #tpu.memory_space<semaphore_mem>>) src(%dma_wait3A_49 : memref<14x256xi32, #tpu.memory_space<hbm>>) dst(%arg9 : memref<14x256xi32, #tpu.memory_space<vmem>>)
          tpu.yield
        }) : () -> ()
        "tpu.region"() ({
          %run_scoped3A = tpu.sem_alloc : memref<!tpu.dma_semaphore, #tpu.memory_space<semaphore_mem>>
          %dma_start3A_43 = arith.constant 0 : i32
          %dma_start3A_44 = tpu.memref_slice %arg5[%add3A_31, %dma_start3A_43] : memref<3136x256xi32, #tpu.memory_space<hbm>> -> memref<14x256xi32, #tpu.memory_space<hbm>>
          %dma_start3A_45 = arith.constant 0 : i32
          %dma_start3A_46 = tpu.memref_slice %arg5[%add3A_31, %dma_start3A_45] : memref<3136x256xi32, #tpu.memory_space<hbm>> -> memref<14x256xi32, #tpu.memory_space<hbm>>
          tpu.enqueue_dma source(%dma_start3A_46 : memref<14x256xi32, #tpu.memory_space<hbm>>) target(%arg10 : memref<14x256xi32, #tpu.memory_space<vmem>>) target_semaphore(%run_scoped3A : memref<!tpu.dma_semaphore, #tpu.memory_space<semaphore_mem>>)
          %dma_wait3A = arith.constant 0 : i32
          %dma_wait3A_47 = tpu.memref_slice %arg5[%add3A_31, %dma_wait3A] : memref<3136x256xi32, #tpu.memory_space<hbm>> -> memref<14x256xi32, #tpu.memory_space<hbm>>
          %dma_wait3A_48 = arith.constant 0 : i32
          %dma_wait3A_49 = tpu.memref_slice %arg5[%add3A_31, %dma_wait3A_48] : memref<3136x256xi32, #tpu.memory_space<hbm>> -> memref<14x256xi32, #tpu.memory_space<hbm>>
          tpu.wait_dma2 semaphore(%run_scoped3A : memref<!tpu.dma_semaphore, #tpu.memory_space<semaphore_mem>>) src(%dma_wait3A_49 : memref<14x256xi32, #tpu.memory_space<hbm>>) dst(%arg10 : memref<14x256xi32, #tpu.memory_space<vmem>>)
          tpu.yield
        }) : () -> ()
        %dma_start3A = arith.constant 0 : i32
        %dma_start3A_32 = arith.constant 0 : i32
        %dma_start3A_33 = tpu.memref_slice %arg9[%dma_start3A, %dma_start3A_32] : memref<14x256xi32, #tpu.memory_space<vmem>> -> memref<1x256xi32, #tpu.memory_space<vmem>>
        %dma_start3A_34 = tpu.memref_squeeze %dma_start3A_33 : memref<1x256xi32, #tpu.memory_space<vmem>> -> memref<256xi32, #tpu.memory_space<vmem>>
        %dma_start3A_35 = arith.constant 0 : i32
        %dma_start3A_36 = arith.constant 0 : i32
        %dma_start3A_37 = tpu.memref_slice %arg2[%dma_start3A_35, %dma_start3A_36] : memref<50048x32xf32, #tpu.memory_space<hbm>> -> memref<50048x32xf32, #tpu.memory_space<hbm>>
        tpu.enqueue_indirect_dma source(%dma_start3A_37 : memref<50048x32xf32, #tpu.memory_space<hbm>>) target(%arg11 : memref<256x32xf32, #tpu.memory_space<vmem>>) offsets(%dma_start3A_34 : memref<256xi32, #tpu.memory_space<vmem>>) semaphore(%arg13 : memref<!tpu.dma_semaphore, #tpu.memory_space<semaphore_mem>>)
        %scan3A_38 = arith.constant 0 : i32
        %scan3A_39 = arith.constant 7 : i32
        %scan3A_40 = arith.addi %scan3A_38, %scan3A_39 : i32
        %scan3A_41 = arith.constant 1 : i32
        scf.for %scan3A_43 = %scan3A_38 to %scan3A_40 step %scan3A_41  : i32 {
          %mul3A_44 = arith.constant 2 : i32
          %mul3A_45 = arith.muli %mul3A_44, %scan3A_43 : i32
          %add3A_46 = arith.constant 1 : i32
          %add3A_47 = arith.addi %mul3A_45, %add3A_46 : i32
          %dma_start3A_48 = arith.constant 0 : i32
          %dma_start3A_49 = tpu.memref_slice %arg9[%add3A_47, %dma_start3A_48] : memref<14x256xi32, #tpu.memory_space<vmem>> -> memref<1x256xi32, #tpu.memory_space<vmem>>
          %dma_start3A_50 = tpu.memref_squeeze %dma_start3A_49 : memref<1x256xi32, #tpu.memory_space<vmem>> -> memref<256xi32, #tpu.memory_space<vmem>>
          %dma_start3A_51 = arith.constant 0 : i32
          %dma_start3A_52 = arith.constant 0 : i32
          %dma_start3A_53 = tpu.memref_slice %arg2[%dma_start3A_51, %dma_start3A_52] : memref<50048x32xf32, #tpu.memory_space<hbm>> -> memref<50048x32xf32, #tpu.memory_space<hbm>>
          tpu.enqueue_indirect_dma source(%dma_start3A_53 : memref<50048x32xf32, #tpu.memory_space<hbm>>) target(%arg12 : memref<256x32xf32, #tpu.memory_space<vmem>>) offsets(%dma_start3A_50 : memref<256xi32, #tpu.memory_space<vmem>>) semaphore(%arg14 : memref<!tpu.dma_semaphore, #tpu.memory_space<semaphore_mem>>)
          %dma_wait3A = arith.constant 0 : i32
          %dma_wait3A_54 = tpu.memref_slice %arg9[%mul3A_45, %dma_wait3A] : memref<14x256xi32, #tpu.memory_space<vmem>> -> memref<1x256xi32, #tpu.memory_space<vmem>>
          %dma_wait3A_55 = tpu.memref_squeeze %dma_wait3A_54 : memref<1x256xi32, #tpu.memory_space<vmem>> -> memref<256xi32, #tpu.memory_space<vmem>>
          %dma_wait3A_56 = arith.constant 0 : i32
          %dma_wait3A_57 = arith.constant 0 : i32
          %dma_wait3A_58 = tpu.memref_slice %arg2[%dma_wait3A_56, %dma_wait3A_57] : memref<50048x32xf32, #tpu.memory_space<hbm>> -> memref<50048x32xf32, #tpu.memory_space<hbm>>
          tpu.wait_indirect_dma semaphore(%arg13 : memref<!tpu.dma_semaphore, #tpu.memory_space<semaphore_mem>>) src(%dma_wait3A_58 : memref<50048x32xf32, #tpu.memory_space<hbm>>) dst(%arg11 : memref<256x32xf32, #tpu.memory_space<vmem>>)
          "tpu.region"() ({
            %run_scoped3A = tpu.sem_alloc : memref<!tpu.dma_semaphore, #tpu.memory_space<semaphore_mem>>
            %dma_start3A_75 = arith.constant 0 : i32
            %dma_start3A_76 = tpu.memref_slice %arg10[%mul3A_45, %dma_start3A_75] : memref<14x256xi32, #tpu.memory_space<vmem>> -> memref<1x256xi32, #tpu.memory_space<vmem>>
            %dma_start3A_77 = tpu.memref_squeeze %dma_start3A_76 : memref<1x256xi32, #tpu.memory_space<vmem>> -> memref<256xi32, #tpu.memory_space<vmem>>
            %dma_start3A_78 = arith.constant 0 : i32
            %dma_start3A_79 = arith.constant 0 : i32
            %dma_start3A_80 = tpu.memref_slice %arg15[%dma_start3A_78, %dma_start3A_79] : memref<50048x32xf32, #tpu.memory_space<vmem_shared>> -> memref<50048x32xf32, #tpu.memory_space<vmem_shared>>
            tpu.enqueue_indirect_dma source(%arg11 : memref<256x32xf32, #tpu.memory_space<vmem>>) target(%dma_start3A_80 : memref<50048x32xf32, #tpu.memory_space<vmem_shared>>) offsets(%dma_start3A_77 : memref<256xi32, #tpu.memory_space<vmem>>) semaphore(%run_scoped3A : memref<!tpu.dma_semaphore, #tpu.memory_space<semaphore_mem>>) {add = true}
            %dma_wait3A_81 = arith.constant 0 : i32
            %dma_wait3A_82 = tpu.memref_slice %arg10[%mul3A_45, %dma_wait3A_81] : memref<14x256xi32, #tpu.memory_space<vmem>> -> memref<1x256xi32, #tpu.memory_space<vmem>>
            %dma_wait3A_83 = tpu.memref_squeeze %dma_wait3A_82 : memref<1x256xi32, #tpu.memory_space<vmem>> -> memref<256xi32, #tpu.memory_space<vmem>>
            %dma_wait3A_84 = arith.constant 0 : i32
            %dma_wait3A_85 = arith.constant 0 : i32
            %dma_wait3A_86 = tpu.memref_slice %arg15[%dma_wait3A_84, %dma_wait3A_85] : memref<50048x32xf32, #tpu.memory_space<vmem_shared>> -> memref<50048x32xf32, #tpu.memory_space<vmem_shared>>
            tpu.wait_indirect_dma semaphore(%run_scoped3A : memref<!tpu.dma_semaphore, #tpu.memory_space<semaphore_mem>>) src(%arg11 : memref<256x32xf32, #tpu.memory_space<vmem>>) dst(%dma_wait3A_86 : memref<50048x32xf32, #tpu.memory_space<vmem_shared>>)
            tpu.yield
          }) : () -> ()
          %add3A_59 = arith.constant 2 : i32
          %add3A_60 = arith.addi %mul3A_45, %add3A_59 : i32
          %lt3A = arith.constant 14 : i32
          %lt3A_61 = arith.cmpi slt, %add3A_60, %lt3A : i32
          %convert_element_type3A_62 = arith.extui %lt3A_61 : i1 to i32
          %cond3A_63 = arith.constant 0 : i32
          %cond3A_64 = arith.cmpi ne, %convert_element_type3A_62, %cond3A_63 : i32
          scf.if %cond3A_64 {
            %add3A_75 = arith.constant 2 : i32
            %add3A_76 = arith.addi %mul3A_45, %add3A_75 : i32
            %dma_start3A_77 = arith.constant 0 : i32
            %dma_start3A_78 = tpu.memref_slice %arg9[%add3A_76, %dma_start3A_77] : memref<14x256xi32, #tpu.memory_space<vmem>> -> memref<1x256xi32, #tpu.memory_space<vmem>>
            %dma_start3A_79 = tpu.memref_squeeze %dma_start3A_78 : memref<1x256xi32, #tpu.memory_space<vmem>> -> memref<256xi32, #tpu.memory_space<vmem>>
            %dma_start3A_80 = arith.constant 0 : i32
            %dma_start3A_81 = arith.constant 0 : i32
            %dma_start3A_82 = tpu.memref_slice %arg2[%dma_start3A_80, %dma_start3A_81] : memref<50048x32xf32, #tpu.memory_space<hbm>> -> memref<50048x32xf32, #tpu.memory_space<hbm>>
            tpu.enqueue_indirect_dma source(%dma_start3A_82 : memref<50048x32xf32, #tpu.memory_space<hbm>>) target(%arg11 : memref<256x32xf32, #tpu.memory_space<vmem>>) offsets(%dma_start3A_79 : memref<256xi32, #tpu.memory_space<vmem>>) semaphore(%arg13 : memref<!tpu.dma_semaphore, #tpu.memory_space<semaphore_mem>>)
          } else {
          }
          %add3A_65 = arith.constant 1 : i32
          %add3A_66 = arith.addi %mul3A_45, %add3A_65 : i32
          %dma_wait3A_67 = arith.constant 0 : i32
          %dma_wait3A_68 = tpu.memref_slice %arg9[%add3A_66, %dma_wait3A_67] : memref<14x256xi32, #tpu.memory_space<vmem>> -> memref<1x256xi32, #tpu.memory_space<vmem>>
          %dma_wait3A_69 = tpu.memref_squeeze %dma_wait3A_68 : memref<1x256xi32, #tpu.memory_space<vmem>> -> memref<256xi32, #tpu.memory_space<vmem>>
          %dma_wait3A_70 = arith.constant 0 : i32
          %dma_wait3A_71 = arith.constant 0 : i32
          %dma_wait3A_72 = tpu.memref_slice %arg2[%dma_wait3A_70, %dma_wait3A_71] : memref<50048x32xf32, #tpu.memory_space<hbm>> -> memref<50048x32xf32, #tpu.memory_space<hbm>>
          tpu.wait_indirect_dma semaphore(%arg14 : memref<!tpu.dma_semaphore, #tpu.memory_space<semaphore_mem>>) src(%dma_wait3A_72 : memref<50048x32xf32, #tpu.memory_space<hbm>>) dst(%arg12 : memref<256x32xf32, #tpu.memory_space<vmem>>)
          %add3A_73 = arith.constant 1 : i32
          %add3A_74 = arith.addi %mul3A_45, %add3A_73 : i32
          "tpu.region"() ({
            %run_scoped3A = tpu.sem_alloc : memref<!tpu.dma_semaphore, #tpu.memory_space<semaphore_mem>>
            %dma_start3A_75 = arith.constant 0 : i32
            %dma_start3A_76 = tpu.memref_slice %arg10[%add3A_74, %dma_start3A_75] : memref<14x256xi32, #tpu.memory_space<vmem>> -> memref<1x256xi32, #tpu.memory_space<vmem>>
            %dma_start3A_77 = tpu.memref_squeeze %dma_start3A_76 : memref<1x256xi32, #tpu.memory_space<vmem>> -> memref<256xi32, #tpu.memory_space<vmem>>
            %dma_start3A_78 = arith.constant 0 : i32
            %dma_start3A_79 = arith.constant 0 : i32
            %dma_start3A_80 = tpu.memref_slice %arg15[%dma_start3A_78, %dma_start3A_79] : memref<50048x32xf32, #tpu.memory_space<vmem_shared>> -> memref<50048x32xf32, #tpu.memory_space<vmem_shared>>
            tpu.enqueue_indirect_dma source(%arg12 : memref<256x32xf32, #tpu.memory_space<vmem>>) target(%dma_start3A_80 : memref<50048x32xf32, #tpu.memory_space<vmem_shared>>) offsets(%dma_start3A_77 : memref<256xi32, #tpu.memory_space<vmem>>) semaphore(%run_scoped3A : memref<!tpu.dma_semaphore, #tpu.memory_space<semaphore_mem>>) {add = true}
            %dma_wait3A_81 = arith.constant 0 : i32
            %dma_wait3A_82 = tpu.memref_slice %arg10[%add3A_74, %dma_wait3A_81] : memref<14x256xi32, #tpu.memory_space<vmem>> -> memref<1x256xi32, #tpu.memory_space<vmem>>
            %dma_wait3A_83 = tpu.memref_squeeze %dma_wait3A_82 : memref<1x256xi32, #tpu.memory_space<vmem>> -> memref<256xi32, #tpu.memory_space<vmem>>
            %dma_wait3A_84 = arith.constant 0 : i32
            %dma_wait3A_85 = arith.constant 0 : i32
            %dma_wait3A_86 = tpu.memref_slice %arg15[%dma_wait3A_84, %dma_wait3A_85] : memref<50048x32xf32, #tpu.memory_space<vmem_shared>> -> memref<50048x32xf32, #tpu.memory_space<vmem_shared>>
            tpu.wait_indirect_dma semaphore(%run_scoped3A : memref<!tpu.dma_semaphore, #tpu.memory_space<semaphore_mem>>) src(%arg12 : memref<256x32xf32, #tpu.memory_space<vmem>>) dst(%dma_wait3A_86 : memref<50048x32xf32, #tpu.memory_space<vmem_shared>>)
            tpu.yield
          }) : () -> ()
        }
        %scan3A_42 = arith.constant 7 : i32
      }
      %scan3A_27 = arith.constant 7 : i32
    } else {
    }
    %eq3A_7 = arith.constant 1 : i32
    %eq3A_8 = arith.cmpi eq, %arg0, %eq3A_7 : i32
    %convert_element_type3A_9 = arith.extui %eq3A_8 : i1 to i32
    %cond3A_10 = arith.constant 0 : i32
    %cond3A_11 = arith.cmpi ne, %convert_element_type3A_9, %cond3A_10 : i32
    scf.if %cond3A_11 {
      %scan3A = arith.constant 0 : i32
      %scan3A_23 = arith.constant 0 : i32
      %scan3A_24 = arith.constant 7 : i32
      %scan3A_25 = arith.addi %scan3A_23, %scan3A_24 : i32
      %scan3A_26 = arith.constant 1 : i32
      scf.for %scan3A_28 = %scan3A_23 to %scan3A_25 step %scan3A_26  : i32 {
        %mul3A_29 = arith.constant 14 : i32
        %mul3A_30 = arith.muli %scan3A_28, %mul3A_29 : i32
        %add3A_31 = arith.addi %add3A, %mul3A_30 : i32
        "tpu.region"() ({
          %run_scoped3A = tpu.sem_alloc : memref<!tpu.dma_semaphore, #tpu.memory_space<semaphore_mem>>
          %dma_start3A_43 = arith.constant 0 : i32
          %dma_start3A_44 = tpu.memref_slice %arg4[%add3A_31, %dma_start3A_43] : memref<3136x256xi32, #tpu.memory_space<hbm>> -> memref<14x256xi32, #tpu.memory_space<hbm>>
          %dma_start3A_45 = arith.constant 0 : i32
          %dma_start3A_46 = tpu.memref_slice %arg4[%add3A_31, %dma_start3A_45] : memref<3136x256xi32, #tpu.memory_space<hbm>> -> memref<14x256xi32, #tpu.memory_space<hbm>>
          tpu.enqueue_dma source(%dma_start3A_46 : memref<14x256xi32, #tpu.memory_space<hbm>>) target(%arg9 : memref<14x256xi32, #tpu.memory_space<vmem>>) target_semaphore(%run_scoped3A : memref<!tpu.dma_semaphore, #tpu.memory_space<semaphore_mem>>)
          %dma_wait3A = arith.constant 0 : i32
          %dma_wait3A_47 = tpu.memref_slice %arg4[%add3A_31, %dma_wait3A] : memref<3136x256xi32, #tpu.memory_space<hbm>> -> memref<14x256xi32, #tpu.memory_space<hbm>>
          %dma_wait3A_48 = arith.constant 0 : i32
          %dma_wait3A_49 = tpu.memref_slice %arg4[%add3A_31, %dma_wait3A_48] : memref<3136x256xi32, #tpu.memory_space<hbm>> -> memref<14x256xi32, #tpu.memory_space<hbm>>
          tpu.wait_dma2 semaphore(%run_scoped3A : memref<!tpu.dma_semaphore, #tpu.memory_space<semaphore_mem>>) src(%dma_wait3A_49 : memref<14x256xi32, #tpu.memory_space<hbm>>) dst(%arg9 : memref<14x256xi32, #tpu.memory_space<vmem>>)
          tpu.yield
        }) : () -> ()
        "tpu.region"() ({
          %run_scoped3A = tpu.sem_alloc : memref<!tpu.dma_semaphore, #tpu.memory_space<semaphore_mem>>
          %dma_start3A_43 = arith.constant 0 : i32
          %dma_start3A_44 = tpu.memref_slice %arg5[%add3A_31, %dma_start3A_43] : memref<3136x256xi32, #tpu.memory_space<hbm>> -> memref<14x256xi32, #tpu.memory_space<hbm>>
          %dma_start3A_45 = arith.constant 0 : i32
          %dma_start3A_46 = tpu.memref_slice %arg5[%add3A_31, %dma_start3A_45] : memref<3136x256xi32, #tpu.memory_space<hbm>> -> memref<14x256xi32, #tpu.memory_space<hbm>>
          tpu.enqueue_dma source(%dma_start3A_46 : memref<14x256xi32, #tpu.memory_space<hbm>>) target(%arg10 : memref<14x256xi32, #tpu.memory_space<vmem>>) target_semaphore(%run_scoped3A : memref<!tpu.dma_semaphore, #tpu.memory_space<semaphore_mem>>)
          %dma_wait3A = arith.constant 0 : i32
          %dma_wait3A_47 = tpu.memref_slice %arg5[%add3A_31, %dma_wait3A] : memref<3136x256xi32, #tpu.memory_space<hbm>> -> memref<14x256xi32, #tpu.memory_space<hbm>>
          %dma_wait3A_48 = arith.constant 0 : i32
          %dma_wait3A_49 = tpu.memref_slice %arg5[%add3A_31, %dma_wait3A_48] : memref<3136x256xi32, #tpu.memory_space<hbm>> -> memref<14x256xi32, #tpu.memory_space<hbm>>
          tpu.wait_dma2 semaphore(%run_scoped3A : memref<!tpu.dma_semaphore, #tpu.memory_space<semaphore_mem>>) src(%dma_wait3A_49 : memref<14x256xi32, #tpu.memory_space<hbm>>) dst(%arg10 : memref<14x256xi32, #tpu.memory_space<vmem>>)
          tpu.yield
        }) : () -> ()
        %dma_start3A = arith.constant 0 : i32
        %dma_start3A_32 = arith.constant 0 : i32
        %dma_start3A_33 = tpu.memref_slice %arg9[%dma_start3A, %dma_start3A_32] : memref<14x256xi32, #tpu.memory_space<vmem>> -> memref<1x256xi32, #tpu.memory_space<vmem>>
        %dma_start3A_34 = tpu.memref_squeeze %dma_start3A_33 : memref<1x256xi32, #tpu.memory_space<vmem>> -> memref<256xi32, #tpu.memory_space<vmem>>
        %dma_start3A_35 = arith.constant 0 : i32
        %dma_start3A_36 = arith.constant 0 : i32
        %dma_start3A_37 = tpu.memref_slice %arg3[%dma_start3A_35, %dma_start3A_36] : memref<50048x32xf32, #tpu.memory_space<hbm>> -> memref<50048x32xf32, #tpu.memory_space<hbm>>
        tpu.enqueue_indirect_dma source(%dma_start3A_37 : memref<50048x32xf32, #tpu.memory_space<hbm>>) target(%arg11 : memref<256x32xf32, #tpu.memory_space<vmem>>) offsets(%dma_start3A_34 : memref<256xi32, #tpu.memory_space<vmem>>) semaphore(%arg13 : memref<!tpu.dma_semaphore, #tpu.memory_space<semaphore_mem>>)
        %scan3A_38 = arith.constant 0 : i32
        %scan3A_39 = arith.constant 7 : i32
        %scan3A_40 = arith.addi %scan3A_38, %scan3A_39 : i32
        %scan3A_41 = arith.constant 1 : i32
        scf.for %scan3A_43 = %scan3A_38 to %scan3A_40 step %scan3A_41  : i32 {
          %mul3A_44 = arith.constant 2 : i32
          %mul3A_45 = arith.muli %mul3A_44, %scan3A_43 : i32
          %add3A_46 = arith.constant 1 : i32
          %add3A_47 = arith.addi %mul3A_45, %add3A_46 : i32
          %dma_start3A_48 = arith.constant 0 : i32
          %dma_start3A_49 = tpu.memref_slice %arg9[%add3A_47, %dma_start3A_48] : memref<14x256xi32, #tpu.memory_space<vmem>> -> memref<1x256xi32, #tpu.memory_space<vmem>>
          %dma_start3A_50 = tpu.memref_squeeze %dma_start3A_49 : memref<1x256xi32, #tpu.memory_space<vmem>> -> memref<256xi32, #tpu.memory_space<vmem>>
          %dma_start3A_51 = arith.constant 0 : i32
          %dma_start3A_52 = arith.constant 0 : i32
          %dma_start3A_53 = tpu.memref_slice %arg3[%dma_start3A_51, %dma_start3A_52] : memref<50048x32xf32, #tpu.memory_space<hbm>> -> memref<50048x32xf32, #tpu.memory_space<hbm>>
          tpu.enqueue_indirect_dma source(%dma_start3A_53 : memref<50048x32xf32, #tpu.memory_space<hbm>>) target(%arg12 : memref<256x32xf32, #tpu.memory_space<vmem>>) offsets(%dma_start3A_50 : memref<256xi32, #tpu.memory_space<vmem>>) semaphore(%arg14 : memref<!tpu.dma_semaphore, #tpu.memory_space<semaphore_mem>>)
          %dma_wait3A = arith.constant 0 : i32
          %dma_wait3A_54 = tpu.memref_slice %arg9[%mul3A_45, %dma_wait3A] : memref<14x256xi32, #tpu.memory_space<vmem>> -> memref<1x256xi32, #tpu.memory_space<vmem>>
          %dma_wait3A_55 = tpu.memref_squeeze %dma_wait3A_54 : memref<1x256xi32, #tpu.memory_space<vmem>> -> memref<256xi32, #tpu.memory_space<vmem>>
          %dma_wait3A_56 = arith.constant 0 : i32
          %dma_wait3A_57 = arith.constant 0 : i32
          %dma_wait3A_58 = tpu.memref_slice %arg3[%dma_wait3A_56, %dma_wait3A_57] : memref<50048x32xf32, #tpu.memory_space<hbm>> -> memref<50048x32xf32, #tpu.memory_space<hbm>>
          tpu.wait_indirect_dma semaphore(%arg13 : memref<!tpu.dma_semaphore, #tpu.memory_space<semaphore_mem>>) src(%dma_wait3A_58 : memref<50048x32xf32, #tpu.memory_space<hbm>>) dst(%arg11 : memref<256x32xf32, #tpu.memory_space<vmem>>)
          "tpu.region"() ({
            %run_scoped3A = tpu.sem_alloc : memref<!tpu.dma_semaphore, #tpu.memory_space<semaphore_mem>>
            %dma_start3A_75 = arith.constant 0 : i32
            %dma_start3A_76 = tpu.memref_slice %arg10[%mul3A_45, %dma_start3A_75] : memref<14x256xi32, #tpu.memory_space<vmem>> -> memref<1x256xi32, #tpu.memory_space<vmem>>
            %dma_start3A_77 = tpu.memref_squeeze %dma_start3A_76 : memref<1x256xi32, #tpu.memory_space<vmem>> -> memref<256xi32, #tpu.memory_space<vmem>>
            %dma_start3A_78 = arith.constant 0 : i32
            %dma_start3A_79 = arith.constant 0 : i32
            %dma_start3A_80 = tpu.memref_slice %arg15[%dma_start3A_78, %dma_start3A_79] : memref<50048x32xf32, #tpu.memory_space<vmem_shared>> -> memref<50048x32xf32, #tpu.memory_space<vmem_shared>>
            tpu.enqueue_indirect_dma source(%arg11 : memref<256x32xf32, #tpu.memory_space<vmem>>) target(%dma_start3A_80 : memref<50048x32xf32, #tpu.memory_space<vmem_shared>>) offsets(%dma_start3A_77 : memref<256xi32, #tpu.memory_space<vmem>>) semaphore(%run_scoped3A : memref<!tpu.dma_semaphore, #tpu.memory_space<semaphore_mem>>) {add = true}
            %dma_wait3A_81 = arith.constant 0 : i32
            %dma_wait3A_82 = tpu.memref_slice %arg10[%mul3A_45, %dma_wait3A_81] : memref<14x256xi32, #tpu.memory_space<vmem>> -> memref<1x256xi32, #tpu.memory_space<vmem>>
            %dma_wait3A_83 = tpu.memref_squeeze %dma_wait3A_82 : memref<1x256xi32, #tpu.memory_space<vmem>> -> memref<256xi32, #tpu.memory_space<vmem>>
            %dma_wait3A_84 = arith.constant 0 : i32
            %dma_wait3A_85 = arith.constant 0 : i32
            %dma_wait3A_86 = tpu.memref_slice %arg15[%dma_wait3A_84, %dma_wait3A_85] : memref<50048x32xf32, #tpu.memory_space<vmem_shared>> -> memref<50048x32xf32, #tpu.memory_space<vmem_shared>>
            tpu.wait_indirect_dma semaphore(%run_scoped3A : memref<!tpu.dma_semaphore, #tpu.memory_space<semaphore_mem>>) src(%arg11 : memref<256x32xf32, #tpu.memory_space<vmem>>) dst(%dma_wait3A_86 : memref<50048x32xf32, #tpu.memory_space<vmem_shared>>)
            tpu.yield
          }) : () -> ()
          %add3A_59 = arith.constant 2 : i32
          %add3A_60 = arith.addi %mul3A_45, %add3A_59 : i32
          %lt3A = arith.constant 14 : i32
          %lt3A_61 = arith.cmpi slt, %add3A_60, %lt3A : i32
          %convert_element_type3A_62 = arith.extui %lt3A_61 : i1 to i32
          %cond3A_63 = arith.constant 0 : i32
          %cond3A_64 = arith.cmpi ne, %convert_element_type3A_62, %cond3A_63 : i32
          scf.if %cond3A_64 {
            %add3A_75 = arith.constant 2 : i32
            %add3A_76 = arith.addi %mul3A_45, %add3A_75 : i32
            %dma_start3A_77 = arith.constant 0 : i32
            %dma_start3A_78 = tpu.memref_slice %arg9[%add3A_76, %dma_start3A_77] : memref<14x256xi32, #tpu.memory_space<vmem>> -> memref<1x256xi32, #tpu.memory_space<vmem>>
            %dma_start3A_79 = tpu.memref_squeeze %dma_start3A_78 : memref<1x256xi32, #tpu.memory_space<vmem>> -> memref<256xi32, #tpu.memory_space<vmem>>
            %dma_start3A_80 = arith.constant 0 : i32
            %dma_start3A_81 = arith.constant 0 : i32
            %dma_start3A_82 = tpu.memref_slice %arg3[%dma_start3A_80, %dma_start3A_81] : memref<50048x32xf32, #tpu.memory_space<hbm>> -> memref<50048x32xf32, #tpu.memory_space<hbm>>
            tpu.enqueue_indirect_dma source(%dma_start3A_82 : memref<50048x32xf32, #tpu.memory_space<hbm>>) target(%arg11 : memref<256x32xf32, #tpu.memory_space<vmem>>) offsets(%dma_start3A_79 : memref<256xi32, #tpu.memory_space<vmem>>) semaphore(%arg13 : memref<!tpu.dma_semaphore, #tpu.memory_space<semaphore_mem>>)
          } else {
          }
          %add3A_65 = arith.constant 1 : i32
          %add3A_66 = arith.addi %mul3A_45, %add3A_65 : i32
          %dma_wait3A_67 = arith.constant 0 : i32
          %dma_wait3A_68 = tpu.memref_slice %arg9[%add3A_66, %dma_wait3A_67] : memref<14x256xi32, #tpu.memory_space<vmem>> -> memref<1x256xi32, #tpu.memory_space<vmem>>
          %dma_wait3A_69 = tpu.memref_squeeze %dma_wait3A_68 : memref<1x256xi32, #tpu.memory_space<vmem>> -> memref<256xi32, #tpu.memory_space<vmem>>
          %dma_wait3A_70 = arith.constant 0 : i32
          %dma_wait3A_71 = arith.constant 0 : i32
          %dma_wait3A_72 = tpu.memref_slice %arg3[%dma_wait3A_70, %dma_wait3A_71] : memref<50048x32xf32, #tpu.memory_space<hbm>> -> memref<50048x32xf32, #tpu.memory_space<hbm>>
          tpu.wait_indirect_dma semaphore(%arg14 : memref<!tpu.dma_semaphore, #tpu.memory_space<semaphore_mem>>) src(%dma_wait3A_72 : memref<50048x32xf32, #tpu.memory_space<hbm>>) dst(%arg12 : memref<256x32xf32, #tpu.memory_space<vmem>>)
          %add3A_73 = arith.constant 1 : i32
          %add3A_74 = arith.addi %mul3A_45, %add3A_73 : i32
          "tpu.region"() ({
            %run_scoped3A = tpu.sem_alloc : memref<!tpu.dma_semaphore, #tpu.memory_space<semaphore_mem>>
            %dma_start3A_75 = arith.constant 0 : i32
            %dma_start3A_76 = tpu.memref_slice %arg10[%add3A_74, %dma_start3A_75] : memref<14x256xi32, #tpu.memory_space<vmem>> -> memref<1x256xi32, #tpu.memory_space<vmem>>
            %dma_start3A_77 = tpu.memref_squeeze %dma_start3A_76 : memref<1x256xi32, #tpu.memory_space<vmem>> -> memref<256xi32, #tpu.memory_space<vmem>>
            %dma_start3A_78 = arith.constant 0 : i32
            %dma_start3A_79 = arith.constant 0 : i32
            %dma_start3A_80 = tpu.memref_slice %arg15[%dma_start3A_78, %dma_start3A_79] : memref<50048x32xf32, #tpu.memory_space<vmem_shared>> -> memref<50048x32xf32, #tpu.memory_space<vmem_shared>>
            tpu.enqueue_indirect_dma source(%arg12 : memref<256x32xf32, #tpu.memory_space<vmem>>) target(%dma_start3A_80 : memref<50048x32xf32, #tpu.memory_space<vmem_shared>>) offsets(%dma_start3A_77 : memref<256xi32, #tpu.memory_space<vmem>>) semaphore(%run_scoped3A : memref<!tpu.dma_semaphore, #tpu.memory_space<semaphore_mem>>) {add = true}
            %dma_wait3A_81 = arith.constant 0 : i32
            %dma_wait3A_82 = tpu.memref_slice %arg10[%add3A_74, %dma_wait3A_81] : memref<14x256xi32, #tpu.memory_space<vmem>> -> memref<1x256xi32, #tpu.memory_space<vmem>>
            %dma_wait3A_83 = tpu.memref_squeeze %dma_wait3A_82 : memref<1x256xi32, #tpu.memory_space<vmem>> -> memref<256xi32, #tpu.memory_space<vmem>>
            %dma_wait3A_84 = arith.constant 0 : i32
            %dma_wait3A_85 = arith.constant 0 : i32
            %dma_wait3A_86 = tpu.memref_slice %arg15[%dma_wait3A_84, %dma_wait3A_85] : memref<50048x32xf32, #tpu.memory_space<vmem_shared>> -> memref<50048x32xf32, #tpu.memory_space<vmem_shared>>
            tpu.wait_indirect_dma semaphore(%run_scoped3A : memref<!tpu.dma_semaphore, #tpu.memory_space<semaphore_mem>>) src(%arg12 : memref<256x32xf32, #tpu.memory_space<vmem>>) dst(%dma_wait3A_86 : memref<50048x32xf32, #tpu.memory_space<vmem_shared>>)
            tpu.yield
          }) : () -> ()
        }
        %scan3A_42 = arith.constant 7 : i32
      }
      %scan3A_27 = arith.constant 7 : i32
    } else {
    }
    %barrier3A_12 = arith.constant 0 : index
    tpu.barrier barrier_id(%barrier3A_12)
    %eq3A_13 = arith.constant 0 : i32
    %eq3A_14 = arith.cmpi eq, %arg0, %eq3A_13 : i32
    %convert_element_type3A_15 = arith.extui %eq3A_14 : i1 to i32
    %cond3A_16 = arith.constant 0 : i32
    %cond3A_17 = arith.cmpi ne, %convert_element_type3A_15, %cond3A_16 : i32
    scf.if %cond3A_17 {
      %mul3A_23 = arith.constant 3128 : i32
      %mul3A_24 = arith.muli %arg1, %mul3A_23 : i32
      %mul3A_25 = arith.constant 3128 : i32
      %mul3A_26 = arith.muli %arg1, %mul3A_25 : i32
      "tpu.region"() ({
        %run_scoped3A = tpu.sem_alloc : memref<!tpu.dma_semaphore, #tpu.memory_space<semaphore_mem>>
        %dma_start3A = arith.constant 0 : i32
        %dma_start3A_27 = tpu.memref_slice %arg7[%mul3A_26, %dma_start3A] : memref<50048x32xf32, #tpu.memory_space<hbm>> -> memref<3128x32xf32, #tpu.memory_space<hbm>>
        %dma_start3A_28 = arith.constant 0 : i32
        %dma_start3A_29 = tpu.memref_slice %arg15[%mul3A_24, %dma_start3A_28] : memref<50048x32xf32, #tpu.memory_space<vmem_shared>> -> memref<3128x32xf32, #tpu.memory_space<vmem_shared>>
        tpu.enqueue_dma source(%dma_start3A_29 : memref<3128x32xf32, #tpu.memory_space<vmem_shared>>) target(%dma_start3A_27 : memref<3128x32xf32, #tpu.memory_space<hbm>>) target_semaphore(%run_scoped3A : memref<!tpu.dma_semaphore, #tpu.memory_space<semaphore_mem>>)
        %dma_wait3A = arith.constant 0 : i32
        %dma_wait3A_30 = tpu.memref_slice %arg7[%mul3A_26, %dma_wait3A] : memref<50048x32xf32, #tpu.memory_space<hbm>> -> memref<3128x32xf32, #tpu.memory_space<hbm>>
        %dma_wait3A_31 = arith.constant 0 : i32
        %dma_wait3A_32 = tpu.memref_slice %arg15[%mul3A_24, %dma_wait3A_31] : memref<50048x32xf32, #tpu.memory_space<vmem_shared>> -> memref<3128x32xf32, #tpu.memory_space<vmem_shared>>
        tpu.wait_dma2 semaphore(%run_scoped3A : memref<!tpu.dma_semaphore, #tpu.memory_space<semaphore_mem>>) src(%dma_wait3A_32 : memref<3128x32xf32, #tpu.memory_space<vmem_shared>>) dst(%dma_wait3A_30 : memref<3128x32xf32, #tpu.memory_space<hbm>>)
        tpu.yield
      }) : () -> ()
    } else {
    }
    %eq3A_18 = arith.constant 1 : i32
    %eq3A_19 = arith.cmpi eq, %arg0, %eq3A_18 : i32
    %convert_element_type3A_20 = arith.extui %eq3A_19 : i1 to i32
    %cond3A_21 = arith.constant 0 : i32
    %cond3A_22 = arith.cmpi ne, %convert_element_type3A_20, %cond3A_21 : i32
    scf.if %cond3A_22 {
      %mul3A_23 = arith.constant 3128 : i32
      %mul3A_24 = arith.muli %arg1, %mul3A_23 : i32
      %mul3A_25 = arith.constant 3128 : i32
      %mul3A_26 = arith.muli %arg1, %mul3A_25 : i32
      "tpu.region"() ({
        %run_scoped3A = tpu.sem_alloc : memref<!tpu.dma_semaphore, #tpu.memory_space<semaphore_mem>>
        %dma_start3A = arith.constant 0 : i32
        %dma_start3A_27 = tpu.memref_slice %arg8[%mul3A_26, %dma_start3A] : memref<50048x32xf32, #tpu.memory_space<hbm>> -> memref<3128x32xf32, #tpu.memory_space<hbm>>
        %dma_start3A_28 = arith.constant 0 : i32
        %dma_start3A_29 = tpu.memref_slice %arg15[%mul3A_24, %dma_start3A_28] : memref<50048x32xf32, #tpu.memory_space<vmem_shared>> -> memref<3128x32xf32, #tpu.memory_space<vmem_shared>>
        tpu.enqueue_dma source(%dma_start3A_29 : memref<3128x32xf32, #tpu.memory_space<vmem_shared>>) target(%dma_start3A_27 : memref<3128x32xf32, #tpu.memory_space<hbm>>) target_semaphore(%run_scoped3A : memref<!tpu.dma_semaphore, #tpu.memory_space<semaphore_mem>>)
        %dma_wait3A = arith.constant 0 : i32
        %dma_wait3A_30 = tpu.memref_slice %arg8[%mul3A_26, %dma_wait3A] : memref<50048x32xf32, #tpu.memory_space<hbm>> -> memref<3128x32xf32, #tpu.memory_space<hbm>>
        %dma_wait3A_31 = arith.constant 0 : i32
        %dma_wait3A_32 = tpu.memref_slice %arg15[%mul3A_24, %dma_wait3A_31] : memref<50048x32xf32, #tpu.memory_space<vmem_shared>> -> memref<3128x32xf32, #tpu.memory_space<vmem_shared>>
        tpu.wait_dma2 semaphore(%run_scoped3A : memref<!tpu.dma_semaphore, #tpu.memory_space<semaphore_mem>>) src(%dma_wait3A_32 : memref<3128x32xf32, #tpu.memory_space<vmem_shared>>) dst(%dma_wait3A_30 : memref<3128x32xf32, #tpu.memory_space<hbm>>)
        tpu.yield
      }) : () -> ()
    } else {
    }
    return
  }
}

module attributes {stable_mosaic.version = 14 : i64} {
  func.func @_embed_body(%arg0: i32, %arg1: memref<3128x8xi32, #tpu.memory_space<vmem>>, %arg2: memref<64x128xf32, #tpu.memory_space<vmem>>, %arg3: memref<32x128xf32, #tpu.memory_space<vmem>>, %arg4: memref<1x128xf32, #tpu.memory_space<vmem>>, %arg5: memref<3128x128xf32, #tpu.memory_space<vmem>>) attributes {dimension_semantics = [#tpu.dimension_semantics<arbitrary>], iteration_bounds = array<i64: 4>, scalar_prefetch = 0 : i64, scratch_operands = 0 : i64, tpu.core_type = #tpu.core_type<tc>, window_params = [{transform_indices = @transform_0, window_bounds = array<i64: 3128, 8>}, {pipeline_mode = #tpu.pipeline_mode<synchronous>, transform_indices = @transform_1, window_bounds = array<i64: 64, 128>}, {pipeline_mode = #tpu.pipeline_mode<synchronous>, transform_indices = @transform_2, window_bounds = array<i64: 32, 128>}, {pipeline_mode = #tpu.pipeline_mode<synchronous>, transform_indices = @transform_3, window_bounds = array<i64: 1, 128>}, {transform_indices = @transform_4, window_bounds = array<i64: 3128, 128>}]} {
    %iota3A = tpu.iota {dimensions = array<i32: 1>} : vector<3128x16xi32>
    %iota3A_0 = tpu.iota {dimensions = array<i32: 1>} : vector<3128x8xi32>
    %get3A = arith.constant 0 : index
    %get3A_1 = arith.constant 0 : index
    %get3A_2 = vector.load %arg1[%get3A, %get3A_1] : memref<3128x8xi32, #tpu.memory_space<vmem>>, vector<3128x1xi32>
    %eq3A = vector.broadcast %get3A_2 : vector<3128x1xi32> to vector<3128x16xi32>
    %eq3A_3 = arith.cmpi eq, %eq3A, %iota3A : vector<3128x16xi32>
    %convert_element_type3A = arith.extui %eq3A_3 : vector<3128x16xi1> to vector<3128x16xi32>
    %convert_element_type3A_4 = arith.sitofp %convert_element_type3A : vector<3128x16xi32> to vector<3128x16xf32>
    %get3A_5 = arith.constant 0 : index
    %get3A_6 = arith.constant 2 : index
    %get3A_7 = vector.load %arg1[%get3A_5, %get3A_6] : memref<3128x8xi32, #tpu.memory_space<vmem>>, vector<3128x1xi32>
    %eq3A_8 = vector.broadcast %get3A_7 : vector<3128x1xi32> to vector<3128x16xi32>
    %eq3A_9 = arith.cmpi eq, %eq3A_8, %iota3A : vector<3128x16xi32>
    %convert_element_type3A_10 = arith.extui %eq3A_9 : vector<3128x16xi1> to vector<3128x16xi32>
    %convert_element_type3A_11 = arith.sitofp %convert_element_type3A_10 : vector<3128x16xi32> to vector<3128x16xf32>
    %get3A_12 = arith.constant 0 : index
    %get3A_13 = arith.constant 4 : index
    %get3A_14 = vector.load %arg1[%get3A_12, %get3A_13] : memref<3128x8xi32, #tpu.memory_space<vmem>>, vector<3128x1xi32>
    %eq3A_15 = vector.broadcast %get3A_14 : vector<3128x1xi32> to vector<3128x16xi32>
    %eq3A_16 = arith.cmpi eq, %eq3A_15, %iota3A : vector<3128x16xi32>
    %convert_element_type3A_17 = arith.extui %eq3A_16 : vector<3128x16xi1> to vector<3128x16xi32>
    %convert_element_type3A_18 = arith.sitofp %convert_element_type3A_17 : vector<3128x16xi32> to vector<3128x16xf32>
    %get3A_19 = arith.constant 0 : index
    %get3A_20 = arith.constant 6 : index
    %get3A_21 = vector.load %arg1[%get3A_19, %get3A_20] : memref<3128x8xi32, #tpu.memory_space<vmem>>, vector<3128x1xi32>
    %eq3A_22 = vector.broadcast %get3A_21 : vector<3128x1xi32> to vector<3128x16xi32>
    %eq3A_23 = arith.cmpi eq, %eq3A_22, %iota3A : vector<3128x16xi32>
    %convert_element_type3A_24 = arith.extui %eq3A_23 : vector<3128x16xi1> to vector<3128x16xi32>
    %convert_element_type3A_25 = arith.sitofp %convert_element_type3A_24 : vector<3128x16xi32> to vector<3128x16xf32>
    %concatenate3A = tpu.concatenate %convert_element_type3A_4, %convert_element_type3A_11, %convert_element_type3A_18, %convert_element_type3A_25 in 1 : vector<3128x16xf32>, vector<3128x16xf32>, vector<3128x16xf32>, vector<3128x16xf32> -> vector<3128x64xf32>
    %get3A_26 = arith.constant 0 : index
    %get3A_27 = arith.constant 1 : index
    %get3A_28 = vector.load %arg1[%get3A_26, %get3A_27] : memref<3128x8xi32, #tpu.memory_space<vmem>>, vector<3128x1xi32>
    %eq3A_29 = vector.broadcast %get3A_28 : vector<3128x1xi32> to vector<3128x8xi32>
    %eq3A_30 = arith.cmpi eq, %eq3A_29, %iota3A_0 : vector<3128x8xi32>
    %convert_element_type3A_31 = arith.extui %eq3A_30 : vector<3128x8xi1> to vector<3128x8xi32>
    %convert_element_type3A_32 = arith.sitofp %convert_element_type3A_31 : vector<3128x8xi32> to vector<3128x8xf32>
    %get3A_33 = arith.constant 0 : index
    %get3A_34 = arith.constant 3 : index
    %get3A_35 = vector.load %arg1[%get3A_33, %get3A_34] : memref<3128x8xi32, #tpu.memory_space<vmem>>, vector<3128x1xi32>
    %eq3A_36 = vector.broadcast %get3A_35 : vector<3128x1xi32> to vector<3128x8xi32>
    %eq3A_37 = arith.cmpi eq, %eq3A_36, %iota3A_0 : vector<3128x8xi32>
    %convert_element_type3A_38 = arith.extui %eq3A_37 : vector<3128x8xi1> to vector<3128x8xi32>
    %convert_element_type3A_39 = arith.sitofp %convert_element_type3A_38 : vector<3128x8xi32> to vector<3128x8xf32>
    %get3A_40 = arith.constant 0 : index
    %get3A_41 = arith.constant 5 : index
    %get3A_42 = vector.load %arg1[%get3A_40, %get3A_41] : memref<3128x8xi32, #tpu.memory_space<vmem>>, vector<3128x1xi32>
    %eq3A_43 = vector.broadcast %get3A_42 : vector<3128x1xi32> to vector<3128x8xi32>
    %eq3A_44 = arith.cmpi eq, %eq3A_43, %iota3A_0 : vector<3128x8xi32>
    %convert_element_type3A_45 = arith.extui %eq3A_44 : vector<3128x8xi1> to vector<3128x8xi32>
    %convert_element_type3A_46 = arith.sitofp %convert_element_type3A_45 : vector<3128x8xi32> to vector<3128x8xf32>
    %get3A_47 = arith.constant 0 : index
    %get3A_48 = arith.constant 7 : index
    %get3A_49 = vector.load %arg1[%get3A_47, %get3A_48] : memref<3128x8xi32, #tpu.memory_space<vmem>>, vector<3128x1xi32>
    %eq3A_50 = vector.broadcast %get3A_49 : vector<3128x1xi32> to vector<3128x8xi32>
    %eq3A_51 = arith.cmpi eq, %eq3A_50, %iota3A_0 : vector<3128x8xi32>
    %convert_element_type3A_52 = arith.extui %eq3A_51 : vector<3128x8xi1> to vector<3128x8xi32>
    %convert_element_type3A_53 = arith.sitofp %convert_element_type3A_52 : vector<3128x8xi32> to vector<3128x8xf32>
    %concatenate3A_54 = tpu.concatenate %convert_element_type3A_32, %convert_element_type3A_39, %convert_element_type3A_46, %convert_element_type3A_53 in 1 : vector<3128x8xf32>, vector<3128x8xf32>, vector<3128x8xf32>, vector<3128x8xf32> -> vector<3128x32xf32>
    %get3A_55 = arith.constant 0 : index
    %get3A_56 = arith.constant 0 : index
    %get3A_57 = vector.load %arg2[%get3A_55, %get3A_56] : memref<64x128xf32, #tpu.memory_space<vmem>>, vector<64x128xf32>
    %dot_general3A = arith.constant dense<0.000000e+00> : vector<3128x128xf32>
    %dot_general3A_58 = tpu.matmul %concatenate3A, %get3A_57, %dot_general3A {dimension_numbers = #tpu.dot_dimension_numbers<[1], [0], [0], [1], [0, 0, 1, 1], [], []>, transpose_lhs_hint = false} : vector<3128x64xf32>, vector<64x128xf32>, vector<3128x128xf32> -> vector<3128x128xf32>
    %get3A_59 = arith.constant 0 : index
    %get3A_60 = arith.constant 0 : index
    %get3A_61 = vector.load %arg3[%get3A_59, %get3A_60] : memref<32x128xf32, #tpu.memory_space<vmem>>, vector<32x128xf32>
    %dot_general3A_62 = arith.constant dense<0.000000e+00> : vector<3128x128xf32>
    %dot_general3A_63 = tpu.matmul %concatenate3A_54, %get3A_61, %dot_general3A_62 {dimension_numbers = #tpu.dot_dimension_numbers<[1], [0], [0], [1], [0, 0, 1, 1], [], []>, transpose_lhs_hint = false} : vector<3128x32xf32>, vector<32x128xf32>, vector<3128x128xf32> -> vector<3128x128xf32>
    %add3A = arith.addf %dot_general3A_58, %dot_general3A_63 : vector<3128x128xf32>
    %get3A_64 = arith.constant 0 : index
    %get3A_65 = arith.constant 0 : index
    %get3A_66 = vector.load %arg4[%get3A_64, %get3A_65] : memref<1x128xf32, #tpu.memory_space<vmem>>, vector<1x128xf32>
    %add3A_67 = vector.broadcast %get3A_66 : vector<1x128xf32> to vector<3128x128xf32>
    %add3A_68 = arith.addf %add3A, %add3A_67 : vector<3128x128xf32>
    %max3A = arith.constant 0.000000e+00 : f32
    %max3A_69 = vector.broadcast %max3A : f32 to vector<3128x128xf32>
    %max3A_70 = arith.maximumf %add3A_68, %max3A_69 : vector<3128x128xf32>
    %swap3A = arith.constant 0 : index
    %swap3A_71 = arith.constant 0 : index
    %swap3A_72 = vector.load %arg5[%swap3A, %swap3A_71] : memref<3128x128xf32, #tpu.memory_space<vmem>>, vector<3128x128xf32>
    tpu.vector_store %arg5[%swap3A, %swap3A_71], %max3A_70 {strides = array<i32>} : memref<3128x128xf32, #tpu.memory_space<vmem>>, vector<3128x128xf32>,
    return
  }
  func.func @transform_0(%arg0: i32) -> (i32, i32) {
    %c0_i32 = arith.constant 0 : i32
    %c0_i32_0 = arith.constant 0 : i32
    return %arg0, %c0_i32 : i32, i32
  }
  func.func @transform_1(%arg0: i32) -> (i32, i32) {
    %c0_i32 = arith.constant 0 : i32
    %c0_i32_0 = arith.constant 0 : i32
    %c0_i32_1 = arith.constant 0 : i32
    return %c0_i32, %c0_i32_0 : i32, i32
  }
  func.func @transform_2(%arg0: i32) -> (i32, i32) {
    %c0_i32 = arith.constant 0 : i32
    %c0_i32_0 = arith.constant 0 : i32
    %c0_i32_1 = arith.constant 0 : i32
    return %c0_i32, %c0_i32_0 : i32, i32
  }
  func.func @transform_3(%arg0: i32) -> (i32, i32) {
    %c0_i32 = arith.constant 0 : i32
    %c0_i32_0 = arith.constant 0 : i32
    %c0_i32_1 = arith.constant 0 : i32
    return %c0_i32, %c0_i32_0 : i32, i32
  }
  func.func @transform_4(%arg0: i32) -> (i32, i32) {
    %c0_i32 = arith.constant 0 : i32
    %c0_i32_0 = arith.constant 0 : i32
    return %arg0, %c0_i32 : i32, i32
  }
}

module attributes {stable_mosaic.version = 14 : i64} {
  func.func @_mix1_body(%arg0: i32, %arg1: memref<3128x128xf32, #tpu.memory_space<vmem>>, %arg2: memref<3128x128xf32, #tpu.memory_space<vmem>>, %arg3: memref<3128x128xf32, #tpu.memory_space<vmem>>, %arg4: memref<256x128xf32, #tpu.memory_space<vmem>>, %arg5: memref<256x128xf32, #tpu.memory_space<vmem>>, %arg6: memref<1x128xf32, #tpu.memory_space<vmem>>, %arg7: memref<1x128xf32, #tpu.memory_space<vmem>>, %arg8: memref<3128x128xf32, #tpu.memory_space<vmem>>, %arg9: memref<3128x128xf32, #tpu.memory_space<vmem>>) attributes {dimension_semantics = [#tpu.dimension_semantics<arbitrary>], iteration_bounds = array<i64: 4>, scalar_prefetch = 0 : i64, scratch_operands = 0 : i64, tpu.core_type = #tpu.core_type<tc>, window_params = [{transform_indices = @transform_0, window_bounds = array<i64: 3128, 128>}, {transform_indices = @transform_1, window_bounds = array<i64: 3128, 128>}, {transform_indices = @transform_2, window_bounds = array<i64: 3128, 128>}, {pipeline_mode = #tpu.pipeline_mode<synchronous>, transform_indices = @transform_3, window_bounds = array<i64: 256, 128>}, {pipeline_mode = #tpu.pipeline_mode<synchronous>, transform_indices = @transform_4, window_bounds = array<i64: 256, 128>}, {pipeline_mode = #tpu.pipeline_mode<synchronous>, transform_indices = @transform_5, window_bounds = array<i64: 1, 128>}, {pipeline_mode = #tpu.pipeline_mode<synchronous>, transform_indices = @transform_6, window_bounds = array<i64: 1, 128>}, {transform_indices = @transform_7, window_bounds = array<i64: 3128, 128>}, {transform_indices = @transform_8, window_bounds = array<i64: 3128, 128>}]} {
    %get3A = arith.constant 0 : index
    %get3A_0 = arith.constant 0 : index
    %get3A_1 = vector.load %arg1[%get3A, %get3A_0] : memref<3128x128xf32, #tpu.memory_space<vmem>>, vector<3128x128xf32>
    %get3A_2 = arith.constant 0 : index
    %get3A_3 = arith.constant 0 : index
    %get3A_4 = vector.load %arg2[%get3A_2, %get3A_3] : memref<3128x128xf32, #tpu.memory_space<vmem>>, vector<3128x128xf32>
    %add3A = arith.addf %get3A_1, %get3A_4 : vector<3128x128xf32>
    %get3A_5 = arith.constant 0 : index
    %get3A_6 = arith.constant 0 : index
    %get3A_7 = vector.load %arg3[%get3A_5, %get3A_6] : memref<3128x128xf32, #tpu.memory_space<vmem>>, vector<3128x128xf32>
    %concatenate3A = tpu.concatenate %add3A, %get3A_7 in 1 : vector<3128x128xf32>, vector<3128x128xf32> -> vector<3128x256xf32>
    %get3A_8 = arith.constant 0 : index
    %get3A_9 = arith.constant 0 : index
    %get3A_10 = vector.load %arg4[%get3A_8, %get3A_9] : memref<256x128xf32, #tpu.memory_space<vmem>>, vector<256x128xf32>
    %dot_general3A = arith.constant dense<0.000000e+00> : vector<3128x128xf32>
    %dot_general3A_11 = tpu.matmul %concatenate3A, %get3A_10, %dot_general3A {dimension_numbers = #tpu.dot_dimension_numbers<[1], [0], [0], [1], [0, 0, 1, 1], [], []>, transpose_lhs_hint = false} : vector<3128x256xf32>, vector<256x128xf32>, vector<3128x128xf32> -> vector<3128x128xf32>
    %get3A_12 = arith.constant 0 : index
    %get3A_13 = arith.constant 0 : index
    %get3A_14 = vector.load %arg6[%get3A_12, %get3A_13] : memref<1x128xf32, #tpu.memory_space<vmem>>, vector<1x128xf32>
    %add3A_15 = vector.broadcast %get3A_14 : vector<1x128xf32> to vector<3128x128xf32>
    %add3A_16 = arith.addf %dot_general3A_11, %add3A_15 : vector<3128x128xf32>
    %get3A_17 = arith.constant 0 : index
    %get3A_18 = arith.constant 0 : index
    %get3A_19 = vector.load %arg5[%get3A_17, %get3A_18] : memref<256x128xf32, #tpu.memory_space<vmem>>, vector<256x128xf32>
    %dot_general3A_20 = arith.constant dense<0.000000e+00> : vector<3128x128xf32>
    %dot_general3A_21 = tpu.matmul %concatenate3A, %get3A_19, %dot_general3A_20 {dimension_numbers = #tpu.dot_dimension_numbers<[1], [0], [0], [1], [0, 0, 1, 1], [], []>, transpose_lhs_hint = false} : vector<3128x256xf32>, vector<256x128xf32>, vector<3128x128xf32> -> vector<3128x128xf32>
    %get3A_22 = arith.constant 0 : index
    %get3A_23 = arith.constant 0 : index
    %get3A_24 = vector.load %arg7[%get3A_22, %get3A_23] : memref<1x128xf32, #tpu.memory_space<vmem>>, vector<1x128xf32>
    %add3A_25 = vector.broadcast %get3A_24 : vector<1x128xf32> to vector<3128x128xf32>
    %add3A_26 = arith.addf %dot_general3A_21, %add3A_25 : vector<3128x128xf32>
    %max3A = arith.constant 0.000000e+00 : f32
    %max3A_27 = vector.broadcast %max3A : f32 to vector<3128x128xf32>
    %max3A_28 = arith.maximumf %add3A_16, %max3A_27 : vector<3128x128xf32>
    %swap3A = arith.constant 0 : index
    %swap3A_29 = arith.constant 0 : index
    %swap3A_30 = vector.load %arg8[%swap3A, %swap3A_29] : memref<3128x128xf32, #tpu.memory_space<vmem>>, vector<3128x128xf32>
    tpu.vector_store %arg8[%swap3A, %swap3A_29], %max3A_28 {strides = array<i32>} : memref<3128x128xf32, #tpu.memory_space<vmem>>, vector<3128x128xf32>,
    %max3A_31 = arith.constant 0.000000e+00 : f32
    %max3A_32 = vector.broadcast %max3A_31 : f32 to vector<3128x128xf32>
    %max3A_33 = arith.maximumf %add3A_26, %max3A_32 : vector<3128x128xf32>
    %swap3A_34 = arith.constant 0 : index
    %swap3A_35 = arith.constant 0 : index
    %swap3A_36 = vector.load %arg9[%swap3A_34, %swap3A_35] : memref<3128x128xf32, #tpu.memory_space<vmem>>, vector<3128x128xf32>
    tpu.vector_store %arg9[%swap3A_34, %swap3A_35], %max3A_33 {strides = array<i32>} : memref<3128x128xf32, #tpu.memory_space<vmem>>, vector<3128x128xf32>,
    return
  }
  func.func @transform_0(%arg0: i32) -> (i32, i32) {
    %c0_i32 = arith.constant 0 : i32
    %c0_i32_0 = arith.constant 0 : i32
    return %arg0, %c0_i32 : i32, i32
  }
  func.func @transform_1(%arg0: i32) -> (i32, i32) {
    %c0_i32 = arith.constant 0 : i32
    %c0_i32_0 = arith.constant 0 : i32
    return %arg0, %c0_i32 : i32, i32
  }
  func.func @transform_2(%arg0: i32) -> (i32, i32) {
    %c0_i32 = arith.constant 0 : i32
    %c0_i32_0 = arith.constant 0 : i32
    return %arg0, %c0_i32 : i32, i32
  }
  func.func @transform_3(%arg0: i32) -> (i32, i32) {
    %c0_i32 = arith.constant 0 : i32
    %c0_i32_0 = arith.constant 0 : i32
    %c0_i32_1 = arith.constant 0 : i32
    return %c0_i32, %c0_i32_0 : i32, i32
  }
  func.func @transform_4(%arg0: i32) -> (i32, i32) {
    %c0_i32 = arith.constant 0 : i32
    %c0_i32_0 = arith.constant 0 : i32
    %c0_i32_1 = arith.constant 0 : i32
    return %c0_i32, %c0_i32_0 : i32, i32
  }
  func.func @transform_5(%arg0: i32) -> (i32, i32) {
    %c0_i32 = arith.constant 0 : i32
    %c0_i32_0 = arith.constant 0 : i32
    %c0_i32_1 = arith.constant 0 : i32
    return %c0_i32, %c0_i32_0 : i32, i32
  }
  func.func @transform_6(%arg0: i32) -> (i32, i32) {
    %c0_i32 = arith.constant 0 : i32
    %c0_i32_0 = arith.constant 0 : i32
    %c0_i32_1 = arith.constant 0 : i32
    return %c0_i32, %c0_i32_0 : i32, i32
  }
  func.func @transform_7(%arg0: i32) -> (i32, i32) {
    %c0_i32 = arith.constant 0 : i32
    %c0_i32_0 = arith.constant 0 : i32
    return %arg0, %c0_i32 : i32, i32
  }
  func.func @transform_8(%arg0: i32) -> (i32, i32) {
    %c0_i32 = arith.constant 0 : i32
    %c0_i32_0 = arith.constant 0 : i32
    return %arg0, %c0_i32 : i32, i32
  }
}

module attributes {stable_mosaic.version = 14 : i64} {
  func.func @_pool_body(%arg0: i32, %arg1: memref<3128x128xf32, #tpu.memory_space<vmem>>, %arg2: memref<3128x128xf32, #tpu.memory_space<vmem>>, %arg3: memref<3128x128xf32, #tpu.memory_space<vmem>>, %arg4: memref<3128x128xf32, #tpu.memory_space<vmem>>, %arg5: memref<128x64xf32, #tpu.memory_space<vmem>>, %arg6: memref<1x64xf32, #tpu.memory_space<vmem>>, %arg7: memref<3128x4xi32, #tpu.memory_space<vmem>>, %arg8: memref<64x10xf32, #tpu.memory_space<vmem>>, %arg9: memref<1x10xf32, #tpu.memory_space<vmem>>, %arg10: memref<128x64xf32, #tpu.memory_space<vmem>>, %arg11: memref<128x8xf32, #tpu.memory_space<vmem>>, %arg12: memref<128x10xf32, #tpu.memory_space<vmem>>) attributes {dimension_semantics = [#tpu.dimension_semantics<arbitrary>], iteration_bounds = array<i64: 4>, scalar_prefetch = 0 : i64, scratch_operands = 0 : i64, tpu.core_type = #tpu.core_type<tc>, window_params = [{transform_indices = @transform_0, window_bounds = array<i64: 3128, 128>}, {transform_indices = @transform_1, window_bounds = array<i64: 3128, 128>}, {transform_indices = @transform_2, window_bounds = array<i64: 3128, 128>}, {transform_indices = @transform_3, window_bounds = array<i64: 3128, 128>}, {pipeline_mode = #tpu.pipeline_mode<synchronous>, transform_indices = @transform_4, window_bounds = array<i64: 128, 64>}, {pipeline_mode = #tpu.pipeline_mode<synchronous>, transform_indices = @transform_5, window_bounds = array<i64: 1, 64>}, {transform_indices = @transform_6, window_bounds = array<i64: 3128, 4>}, {pipeline_mode = #tpu.pipeline_mode<synchronous>, transform_indices = @transform_7, window_bounds = array<i64: 64, 10>}, {pipeline_mode = #tpu.pipeline_mode<synchronous>, transform_indices = @transform_8, window_bounds = array<i64: 1, 10>}, {pipeline_mode = #tpu.pipeline_mode<synchronous>, transform_indices = @transform_9, window_bounds = array<i64: 128, 64>}, {pipeline_mode = #tpu.pipeline_mode<synchronous>, transform_indices = @transform_10, window_bounds = array<i64: 128, 8>}, {pipeline_mode = #tpu.pipeline_mode<synchronous>, transform_indices = @transform_11, window_bounds = array<i64: 128, 10>}]} {
    %eq3A = arith.constant 0 : i32
    %eq3A_0 = arith.cmpi eq, %arg0, %eq3A : i32
    %convert_element_type3A = arith.extui %eq3A_0 : i1 to i32
    %cond3A = arith.constant 0 : i32
    %cond3A_1 = arith.cmpi ne, %convert_element_type3A, %cond3A : i32
    scf.if %cond3A_1 {
      %broadcast_in_dim3A_206 = arith.constant 0.000000e+00 : f32
      %broadcast_in_dim3A_207 = vector.broadcast %broadcast_in_dim3A_206 : f32 to vector<128x64xf32>
      %swap3A_208 = arith.constant 0 : index
      %swap3A_209 = arith.constant 0 : index
      %swap3A_210 = vector.load %arg10[%swap3A_208, %swap3A_209] : memref<128x64xf32, #tpu.memory_space<vmem>>, vector<128x64xf32>
      tpu.vector_store %arg10[%swap3A_208, %swap3A_209], %broadcast_in_dim3A_207 {strides = array<i32>} : memref<128x64xf32, #tpu.memory_space<vmem>>, vector<128x64xf32>,
      %broadcast_in_dim3A_211 = arith.constant 0.000000e+00 : f32
      %broadcast_in_dim3A_212 = vector.broadcast %broadcast_in_dim3A_211 : f32 to vector<128x8xf32>
      %swap3A_213 = arith.constant 0 : index
      %swap3A_214 = arith.constant 0 : index
      %swap3A_215 = vector.load %arg11[%swap3A_213, %swap3A_214] : memref<128x8xf32, #tpu.memory_space<vmem>>, vector<128x8xf32>
      tpu.vector_store %arg11[%swap3A_213, %swap3A_214], %broadcast_in_dim3A_212 {strides = array<i32>} : memref<128x8xf32, #tpu.memory_space<vmem>>, vector<128x8xf32>,
    } else {
    }
    %iota3A = tpu.iota {dimensions = array<i32: 1>} : vector<3128x128xi32>
    %broadcast_in_dim3A = arith.constant 1.000000e+00 : f32
    %broadcast_in_dim3A_2 = vector.broadcast %broadcast_in_dim3A : f32 to vector<3128x8xf32>
    %get3A = arith.constant 0 : index
    %get3A_3 = arith.constant 0 : index
    %get3A_4 = vector.load %arg1[%get3A, %get3A_3] : memref<3128x128xf32, #tpu.memory_space<vmem>>, vector<3128x32xf32>
    %get3A_5 = arith.constant 0 : index
    %get3A_6 = arith.constant 0 : index
    %get3A_7 = vector.load %arg2[%get3A_5, %get3A_6] : memref<3128x128xf32, #tpu.memory_space<vmem>>, vector<3128x32xf32>
    %get3A_8 = arith.constant 0 : index
    %get3A_9 = arith.constant 0 : index
    %get3A_10 = vector.load %arg3[%get3A_8, %get3A_9] : memref<3128x128xf32, #tpu.memory_space<vmem>>, vector<3128x32xf32>
    %get3A_11 = arith.constant 0 : index
    %get3A_12 = arith.constant 0 : index
    %get3A_13 = vector.load %arg4[%get3A_11, %get3A_12] : memref<3128x128xf32, #tpu.memory_space<vmem>>, vector<3128x32xf32>
    %concatenate3A = tpu.concatenate %get3A_4, %get3A_7, %get3A_10, %get3A_13 in 1 : vector<3128x32xf32>, vector<3128x32xf32>, vector<3128x32xf32>, vector<3128x32xf32> -> vector<3128x128xf32>
    %get3A_14 = arith.constant 0 : index
    %get3A_15 = arith.constant 0 : index
    %get3A_16 = vector.load %arg5[%get3A_14, %get3A_15] : memref<128x64xf32, #tpu.memory_space<vmem>>, vector<128x64xf32>
    %dot_general3A = arith.constant dense<0.000000e+00> : vector<3128x64xf32>
    %dot_general3A_17 = tpu.matmul %concatenate3A, %get3A_16, %dot_general3A {dimension_numbers = #tpu.dot_dimension_numbers<[1], [0], [0], [1], [0, 0, 1, 1], [], []>, transpose_lhs_hint = false} : vector<3128x128xf32>, vector<128x64xf32>, vector<3128x64xf32> -> vector<3128x64xf32>
    %get3A_18 = arith.constant 0 : index
    %get3A_19 = arith.constant 0 : index
    %get3A_20 = vector.load %arg6[%get3A_18, %get3A_19] : memref<1x64xf32, #tpu.memory_space<vmem>>, vector<1x64xf32>
    %add3A = vector.broadcast %get3A_20 : vector<1x64xf32> to vector<3128x64xf32>
    %add3A_21 = arith.addf %dot_general3A_17, %add3A : vector<3128x64xf32>
    %max3A = arith.constant 0.000000e+00 : f32
    %max3A_22 = vector.broadcast %max3A : f32 to vector<3128x64xf32>
    %max3A_23 = arith.maximumf %add3A_21, %max3A_22 : vector<3128x64xf32>
    %get3A_24 = arith.constant 0 : index
    %get3A_25 = arith.constant 0 : index
    %get3A_26 = vector.load %arg7[%get3A_24, %get3A_25] : memref<3128x4xi32, #tpu.memory_space<vmem>>, vector<3128x1xi32>
    %eq3A_27 = vector.broadcast %get3A_26 : vector<3128x1xi32> to vector<3128x128xi32>
    %eq3A_28 = arith.cmpi eq, %eq3A_27, %iota3A : vector<3128x128xi32>
    %convert_element_type3A_29 = arith.extui %eq3A_28 : vector<3128x128xi1> to vector<3128x128xi32>
    %convert_element_type3A_30 = arith.sitofp %convert_element_type3A_29 : vector<3128x128xi32> to vector<3128x128xf32>
    %get3A_31 = arith.constant 0 : index
    %get3A_32 = arith.constant 0 : index
    %get3A_33 = vector.load %arg10[%get3A_31, %get3A_32] : memref<128x64xf32, #tpu.memory_space<vmem>>, vector<128x64xf32>
    %dot_general3A_34 = arith.constant dense<0.000000e+00> : vector<128x64xf32>
    %dot_general3A_35 = tpu.matmul %convert_element_type3A_30, %max3A_23, %dot_general3A_34 {dimension_numbers = #tpu.dot_dimension_numbers<[0], [0], [1], [1], [0, 1, 1, 1], [], []>, transpose_lhs_hint = false} : vector<3128x128xf32>, vector<3128x64xf32>, vector<128x64xf32> -> vector<128x64xf32>
    %add3A_36 = arith.addf %get3A_33, %dot_general3A_35 : vector<128x64xf32>
    %swap3A = arith.constant 0 : index
    %swap3A_37 = arith.constant 0 : index
    %swap3A_38 = vector.load %arg10[%swap3A, %swap3A_37] : memref<128x64xf32, #tpu.memory_space<vmem>>, vector<128x64xf32>
    tpu.vector_store %arg10[%swap3A, %swap3A_37], %add3A_36 {strides = array<i32>} : memref<128x64xf32, #tpu.memory_space<vmem>>, vector<128x64xf32>,
    %get3A_39 = arith.constant 0 : index
    %get3A_40 = arith.constant 0 : index
    %get3A_41 = vector.load %arg11[%get3A_39, %get3A_40] : memref<128x8xf32, #tpu.memory_space<vmem>>, vector<128x8xf32>
    %dot_general3A_42 = arith.constant dense<0.000000e+00> : vector<128x8xf32>
    %dot_general3A_43 = tpu.matmul %convert_element_type3A_30, %broadcast_in_dim3A_2, %dot_general3A_42 {dimension_numbers = #tpu.dot_dimension_numbers<[0], [0], [1], [1], [0, 1, 1, 1], [], []>, transpose_lhs_hint = false} : vector<3128x128xf32>, vector<3128x8xf32>, vector<128x8xf32> -> vector<128x8xf32>
    %add3A_44 = arith.addf %get3A_41, %dot_general3A_43 : vector<128x8xf32>
    %swap3A_45 = arith.constant 0 : index
    %swap3A_46 = arith.constant 0 : index
    %swap3A_47 = vector.load %arg11[%swap3A_45, %swap3A_46] : memref<128x8xf32, #tpu.memory_space<vmem>>, vector<128x8xf32>
    tpu.vector_store %arg11[%swap3A_45, %swap3A_46], %add3A_44 {strides = array<i32>} : memref<128x8xf32, #tpu.memory_space<vmem>>, vector<128x8xf32>,
    %get3A_48 = arith.constant 0 : index
    %get3A_49 = arith.constant 32 : index
    %get3A_50 = vector.load %arg1[%get3A_48, %get3A_49] : memref<3128x128xf32, #tpu.memory_space<vmem>>, vector<3128x32xf32>
    %get3A_51 = arith.constant 0 : index
    %get3A_52 = arith.constant 32 : index
    %get3A_53 = vector.load %arg2[%get3A_51, %get3A_52] : memref<3128x128xf32, #tpu.memory_space<vmem>>, vector<3128x32xf32>
    %get3A_54 = arith.constant 0 : index
    %get3A_55 = arith.constant 32 : index
    %get3A_56 = vector.load %arg3[%get3A_54, %get3A_55] : memref<3128x128xf32, #tpu.memory_space<vmem>>, vector<3128x32xf32>
    %get3A_57 = arith.constant 0 : index
    %get3A_58 = arith.constant 32 : index
    %get3A_59 = vector.load %arg4[%get3A_57, %get3A_58] : memref<3128x128xf32, #tpu.memory_space<vmem>>, vector<3128x32xf32>
    %concatenate3A_60 = tpu.concatenate %get3A_50, %get3A_53, %get3A_56, %get3A_59 in 1 : vector<3128x32xf32>, vector<3128x32xf32>, vector<3128x32xf32>, vector<3128x32xf32> -> vector<3128x128xf32>
    %get3A_61 = arith.constant 0 : index
    %get3A_62 = arith.constant 0 : index
    %get3A_63 = vector.load %arg5[%get3A_61, %get3A_62] : memref<128x64xf32, #tpu.memory_space<vmem>>, vector<128x64xf32>
    %dot_general3A_64 = arith.constant dense<0.000000e+00> : vector<3128x64xf32>
    %dot_general3A_65 = tpu.matmul %concatenate3A_60, %get3A_63, %dot_general3A_64 {dimension_numbers = #tpu.dot_dimension_numbers<[1], [0], [0], [1], [0, 0, 1, 1], [], []>, transpose_lhs_hint = false} : vector<3128x128xf32>, vector<128x64xf32>, vector<3128x64xf32> -> vector<3128x64xf32>
    %get3A_66 = arith.constant 0 : index
    %get3A_67 = arith.constant 0 : index
    %get3A_68 = vector.load %arg6[%get3A_66, %get3A_67] : memref<1x64xf32, #tpu.memory_space<vmem>>, vector<1x64xf32>
    %add3A_69 = vector.broadcast %get3A_68 : vector<1x64xf32> to vector<3128x64xf32>
    %add3A_70 = arith.addf %dot_general3A_65, %add3A_69 : vector<3128x64xf32>
    %max3A_71 = arith.constant 0.000000e+00 : f32
    %max3A_72 = vector.broadcast %max3A_71 : f32 to vector<3128x64xf32>
    %max3A_73 = arith.maximumf %add3A_70, %max3A_72 : vector<3128x64xf32>
    %get3A_74 = arith.constant 0 : index
    %get3A_75 = arith.constant 1 : index
    %get3A_76 = vector.load %arg7[%get3A_74, %get3A_75] : memref<3128x4xi32, #tpu.memory_space<vmem>>, vector<3128x1xi32>
    %eq3A_77 = vector.broadcast %get3A_76 : vector<3128x1xi32> to vector<3128x128xi32>
    %eq3A_78 = arith.cmpi eq, %eq3A_77, %iota3A : vector<3128x128xi32>
    %convert_element_type3A_79 = arith.extui %eq3A_78 : vector<3128x128xi1> to vector<3128x128xi32>
    %convert_element_type3A_80 = arith.sitofp %convert_element_type3A_79 : vector<3128x128xi32> to vector<3128x128xf32>
    %get3A_81 = arith.constant 0 : index
    %get3A_82 = arith.constant 0 : index
    %get3A_83 = vector.load %arg10[%get3A_81, %get3A_82] : memref<128x64xf32, #tpu.memory_space<vmem>>, vector<128x64xf32>
    %dot_general3A_84 = arith.constant dense<0.000000e+00> : vector<128x64xf32>
    %dot_general3A_85 = tpu.matmul %convert_element_type3A_80, %max3A_73, %dot_general3A_84 {dimension_numbers = #tpu.dot_dimension_numbers<[0], [0], [1], [1], [0, 1, 1, 1], [], []>, transpose_lhs_hint = false} : vector<3128x128xf32>, vector<3128x64xf32>, vector<128x64xf32> -> vector<128x64xf32>
    %add3A_86 = arith.addf %get3A_83, %dot_general3A_85 : vector<128x64xf32>
    %swap3A_87 = arith.constant 0 : index
    %swap3A_88 = arith.constant 0 : index
    %swap3A_89 = vector.load %arg10[%swap3A_87, %swap3A_88] : memref<128x64xf32, #tpu.memory_space<vmem>>, vector<128x64xf32>
    tpu.vector_store %arg10[%swap3A_87, %swap3A_88], %add3A_86 {strides = array<i32>} : memref<128x64xf32, #tpu.memory_space<vmem>>, vector<128x64xf32>,
    %get3A_90 = arith.constant 0 : index
    %get3A_91 = arith.constant 0 : index
    %get3A_92 = vector.load %arg11[%get3A_90, %get3A_91] : memref<128x8xf32, #tpu.memory_space<vmem>>, vector<128x8xf32>
    %dot_general3A_93 = arith.constant dense<0.000000e+00> : vector<128x8xf32>
    %dot_general3A_94 = tpu.matmul %convert_element_type3A_80, %broadcast_in_dim3A_2, %dot_general3A_93 {dimension_numbers = #tpu.dot_dimension_numbers<[0], [0], [1], [1], [0, 1, 1, 1], [], []>, transpose_lhs_hint = false} : vector<3128x128xf32>, vector<3128x8xf32>, vector<128x8xf32> -> vector<128x8xf32>
    %add3A_95 = arith.addf %get3A_92, %dot_general3A_94 : vector<128x8xf32>
    %swap3A_96 = arith.constant 0 : index
    %swap3A_97 = arith.constant 0 : index
    %swap3A_98 = vector.load %arg11[%swap3A_96, %swap3A_97] : memref<128x8xf32, #tpu.memory_space<vmem>>, vector<128x8xf32>
    tpu.vector_store %arg11[%swap3A_96, %swap3A_97], %add3A_95 {strides = array<i32>} : memref<128x8xf32, #tpu.memory_space<vmem>>, vector<128x8xf32>,
    %get3A_99 = arith.constant 0 : index
    %get3A_100 = arith.constant 64 : index
    %get3A_101 = vector.load %arg1[%get3A_99, %get3A_100] : memref<3128x128xf32, #tpu.memory_space<vmem>>, vector<3128x32xf32>
    %get3A_102 = arith.constant 0 : index
    %get3A_103 = arith.constant 64 : index
    %get3A_104 = vector.load %arg2[%get3A_102, %get3A_103] : memref<3128x128xf32, #tpu.memory_space<vmem>>, vector<3128x32xf32>
    %get3A_105 = arith.constant 0 : index
    %get3A_106 = arith.constant 64 : index
    %get3A_107 = vector.load %arg3[%get3A_105, %get3A_106] : memref<3128x128xf32, #tpu.memory_space<vmem>>, vector<3128x32xf32>
    %get3A_108 = arith.constant 0 : index
    %get3A_109 = arith.constant 64 : index
    %get3A_110 = vector.load %arg4[%get3A_108, %get3A_109] : memref<3128x128xf32, #tpu.memory_space<vmem>>, vector<3128x32xf32>
    %concatenate3A_111 = tpu.concatenate %get3A_101, %get3A_104, %get3A_107, %get3A_110 in 1 : vector<3128x32xf32>, vector<3128x32xf32>, vector<3128x32xf32>, vector<3128x32xf32> -> vector<3128x128xf32>
    %get3A_112 = arith.constant 0 : index
    %get3A_113 = arith.constant 0 : index
    %get3A_114 = vector.load %arg5[%get3A_112, %get3A_113] : memref<128x64xf32, #tpu.memory_space<vmem>>, vector<128x64xf32>
    %dot_general3A_115 = arith.constant dense<0.000000e+00> : vector<3128x64xf32>
    %dot_general3A_116 = tpu.matmul %concatenate3A_111, %get3A_114, %dot_general3A_115 {dimension_numbers = #tpu.dot_dimension_numbers<[1], [0], [0], [1], [0, 0, 1, 1], [], []>, transpose_lhs_hint = false} : vector<3128x128xf32>, vector<128x64xf32>, vector<3128x64xf32> -> vector<3128x64xf32>
    %get3A_117 = arith.constant 0 : index
    %get3A_118 = arith.constant 0 : index
    %get3A_119 = vector.load %arg6[%get3A_117, %get3A_118] : memref<1x64xf32, #tpu.memory_space<vmem>>, vector<1x64xf32>
    %add3A_120 = vector.broadcast %get3A_119 : vector<1x64xf32> to vector<3128x64xf32>
    %add3A_121 = arith.addf %dot_general3A_116, %add3A_120 : vector<3128x64xf32>
    %max3A_122 = arith.constant 0.000000e+00 : f32
    %max3A_123 = vector.broadcast %max3A_122 : f32 to vector<3128x64xf32>
    %max3A_124 = arith.maximumf %add3A_121, %max3A_123 : vector<3128x64xf32>
    %get3A_125 = arith.constant 0 : index
    %get3A_126 = arith.constant 2 : index
    %get3A_127 = vector.load %arg7[%get3A_125, %get3A_126] : memref<3128x4xi32, #tpu.memory_space<vmem>>, vector<3128x1xi32>
    %eq3A_128 = vector.broadcast %get3A_127 : vector<3128x1xi32> to vector<3128x128xi32>
    %eq3A_129 = arith.cmpi eq, %eq3A_128, %iota3A : vector<3128x128xi32>
    %convert_element_type3A_130 = arith.extui %eq3A_129 : vector<3128x128xi1> to vector<3128x128xi32>
    %convert_element_type3A_131 = arith.sitofp %convert_element_type3A_130 : vector<3128x128xi32> to vector<3128x128xf32>
    %get3A_132 = arith.constant 0 : index
    %get3A_133 = arith.constant 0 : index
    %get3A_134 = vector.load %arg10[%get3A_132, %get3A_133] : memref<128x64xf32, #tpu.memory_space<vmem>>, vector<128x64xf32>
    %dot_general3A_135 = arith.constant dense<0.000000e+00> : vector<128x64xf32>
    %dot_general3A_136 = tpu.matmul %convert_element_type3A_131, %max3A_124, %dot_general3A_135 {dimension_numbers = #tpu.dot_dimension_numbers<[0], [0], [1], [1], [0, 1, 1, 1], [], []>, transpose_lhs_hint = false} : vector<3128x128xf32>, vector<3128x64xf32>, vector<128x64xf32> -> vector<128x64xf32>
    %add3A_137 = arith.addf %get3A_134, %dot_general3A_136 : vector<128x64xf32>
    %swap3A_138 = arith.constant 0 : index
    %swap3A_139 = arith.constant 0 : index
    %swap3A_140 = vector.load %arg10[%swap3A_138, %swap3A_139] : memref<128x64xf32, #tpu.memory_space<vmem>>, vector<128x64xf32>
    tpu.vector_store %arg10[%swap3A_138, %swap3A_139], %add3A_137 {strides = array<i32>} : memref<128x64xf32, #tpu.memory_space<vmem>>, vector<128x64xf32>,
    %get3A_141 = arith.constant 0 : index
    %get3A_142 = arith.constant 0 : index
    %get3A_143 = vector.load %arg11[%get3A_141, %get3A_142] : memref<128x8xf32, #tpu.memory_space<vmem>>, vector<128x8xf32>
    %dot_general3A_144 = arith.constant dense<0.000000e+00> : vector<128x8xf32>
    %dot_general3A_145 = tpu.matmul %convert_element_type3A_131, %broadcast_in_dim3A_2, %dot_general3A_144 {dimension_numbers = #tpu.dot_dimension_numbers<[0], [0], [1], [1], [0, 1, 1, 1], [], []>, transpose_lhs_hint = false} : vector<3128x128xf32>, vector<3128x8xf32>, vector<128x8xf32> -> vector<128x8xf32>
    %add3A_146 = arith.addf %get3A_143, %dot_general3A_145 : vector<128x8xf32>
    %swap3A_147 = arith.constant 0 : index
    %swap3A_148 = arith.constant 0 : index
    %swap3A_149 = vector.load %arg11[%swap3A_147, %swap3A_148] : memref<128x8xf32, #tpu.memory_space<vmem>>, vector<128x8xf32>
    tpu.vector_store %arg11[%swap3A_147, %swap3A_148], %add3A_146 {strides = array<i32>} : memref<128x8xf32, #tpu.memory_space<vmem>>, vector<128x8xf32>,
    %get3A_150 = arith.constant 0 : index
    %get3A_151 = arith.constant 96 : index
    %get3A_152 = vector.load %arg1[%get3A_150, %get3A_151] : memref<3128x128xf32, #tpu.memory_space<vmem>>, vector<3128x32xf32>
    %get3A_153 = arith.constant 0 : index
    %get3A_154 = arith.constant 96 : index
    %get3A_155 = vector.load %arg2[%get3A_153, %get3A_154] : memref<3128x128xf32, #tpu.memory_space<vmem>>, vector<3128x32xf32>
    %get3A_156 = arith.constant 0 : index
    %get3A_157 = arith.constant 96 : index
    %get3A_158 = vector.load %arg3[%get3A_156, %get3A_157] : memref<3128x128xf32, #tpu.memory_space<vmem>>, vector<3128x32xf32>
    %get3A_159 = arith.constant 0 : index
    %get3A_160 = arith.constant 96 : index
    %get3A_161 = vector.load %arg4[%get3A_159, %get3A_160] : memref<3128x128xf32, #tpu.memory_space<vmem>>, vector<3128x32xf32>
    %concatenate3A_162 = tpu.concatenate %get3A_152, %get3A_155, %get3A_158, %get3A_161 in 1 : vector<3128x32xf32>, vector<3128x32xf32>, vector<3128x32xf32>, vector<3128x32xf32> -> vector<3128x128xf32>
    %get3A_163 = arith.constant 0 : index
    %get3A_164 = arith.constant 0 : index
    %get3A_165 = vector.load %arg5[%get3A_163, %get3A_164] : memref<128x64xf32, #tpu.memory_space<vmem>>, vector<128x64xf32>
    %dot_general3A_166 = arith.constant dense<0.000000e+00> : vector<3128x64xf32>
    %dot_general3A_167 = tpu.matmul %concatenate3A_162, %get3A_165, %dot_general3A_166 {dimension_numbers = #tpu.dot_dimension_numbers<[1], [0], [0], [1], [0, 0, 1, 1], [], []>, transpose_lhs_hint = false} : vector<3128x128xf32>, vector<128x64xf32>, vector<3128x64xf32> -> vector<3128x64xf32>
    %get3A_168 = arith.constant 0 : index
    %get3A_169 = arith.constant 0 : index
    %get3A_170 = vector.load %arg6[%get3A_168, %get3A_169] : memref<1x64xf32, #tpu.memory_space<vmem>>, vector<1x64xf32>
    %add3A_171 = vector.broadcast %get3A_170 : vector<1x64xf32> to vector<3128x64xf32>
    %add3A_172 = arith.addf %dot_general3A_167, %add3A_171 : vector<3128x64xf32>
    %max3A_173 = arith.constant 0.000000e+00 : f32
    %max3A_174 = vector.broadcast %max3A_173 : f32 to vector<3128x64xf32>
    %max3A_175 = arith.maximumf %add3A_172, %max3A_174 : vector<3128x64xf32>
    %get3A_176 = arith.constant 0 : index
    %get3A_177 = arith.constant 3 : index
    %get3A_178 = vector.load %arg7[%get3A_176, %get3A_177] : memref<3128x4xi32, #tpu.memory_space<vmem>>, vector<3128x1xi32>
    %eq3A_179 = vector.broadcast %get3A_178 : vector<3128x1xi32> to vector<3128x128xi32>
    %eq3A_180 = arith.cmpi eq, %eq3A_179, %iota3A : vector<3128x128xi32>
    %convert_element_type3A_181 = arith.extui %eq3A_180 : vector<3128x128xi1> to vector<3128x128xi32>
    %convert_element_type3A_182 = arith.sitofp %convert_element_type3A_181 : vector<3128x128xi32> to vector<3128x128xf32>
    %get3A_183 = arith.constant 0 : index
    %get3A_184 = arith.constant 0 : index
    %get3A_185 = vector.load %arg10[%get3A_183, %get3A_184] : memref<128x64xf32, #tpu.memory_space<vmem>>, vector<128x64xf32>
    %dot_general3A_186 = arith.constant dense<0.000000e+00> : vector<128x64xf32>
    %dot_general3A_187 = tpu.matmul %convert_element_type3A_182, %max3A_175, %dot_general3A_186 {dimension_numbers = #tpu.dot_dimension_numbers<[0], [0], [1], [1], [0, 1, 1, 1], [], []>, transpose_lhs_hint = false} : vector<3128x128xf32>, vector<3128x64xf32>, vector<128x64xf32> -> vector<128x64xf32>
    %add3A_188 = arith.addf %get3A_185, %dot_general3A_187 : vector<128x64xf32>
    %swap3A_189 = arith.constant 0 : index
    %swap3A_190 = arith.constant 0 : index
    %swap3A_191 = vector.load %arg10[%swap3A_189, %swap3A_190] : memref<128x64xf32, #tpu.memory_space<vmem>>, vector<128x64xf32>
    tpu.vector_store %arg10[%swap3A_189, %swap3A_190], %add3A_188 {strides = array<i32>} : memref<128x64xf32, #tpu.memory_space<vmem>>, vector<128x64xf32>,
    %get3A_192 = arith.constant 0 : index
    %get3A_193 = arith.constant 0 : index
    %get3A_194 = vector.load %arg11[%get3A_192, %get3A_193] : memref<128x8xf32, #tpu.memory_space<vmem>>, vector<128x8xf32>
    %dot_general3A_195 = arith.constant dense<0.000000e+00> : vector<128x8xf32>
    %dot_general3A_196 = tpu.matmul %convert_element_type3A_182, %broadcast_in_dim3A_2, %dot_general3A_195 {dimension_numbers = #tpu.dot_dimension_numbers<[0], [0], [1], [1], [0, 1, 1, 1], [], []>, transpose_lhs_hint = false} : vector<3128x128xf32>, vector<3128x8xf32>, vector<128x8xf32> -> vector<128x8xf32>
    %add3A_197 = arith.addf %get3A_194, %dot_general3A_196 : vector<128x8xf32>
    %swap3A_198 = arith.constant 0 : index
    %swap3A_199 = arith.constant 0 : index
    %swap3A_200 = vector.load %arg11[%swap3A_198, %swap3A_199] : memref<128x8xf32, #tpu.memory_space<vmem>>, vector<128x8xf32>
    tpu.vector_store %arg11[%swap3A_198, %swap3A_199], %add3A_197 {strides = array<i32>} : memref<128x8xf32, #tpu.memory_space<vmem>>, vector<128x8xf32>,
    %eq3A_201 = arith.constant 3 : i32
    %eq3A_202 = arith.cmpi eq, %arg0, %eq3A_201 : i32
    %convert_element_type3A_203 = arith.extui %eq3A_202 : i1 to i32
    %cond3A_204 = arith.constant 0 : i32
    %cond3A_205 = arith.cmpi ne, %convert_element_type3A_203, %cond3A_204 : i32
    scf.if %cond3A_205 {
      %get3A_206 = arith.constant 0 : index
      %get3A_207 = arith.constant 0 : index
      %get3A_208 = vector.load %arg11[%get3A_206, %get3A_207] : memref<128x8xf32, #tpu.memory_space<vmem>>, vector<128x1xf32>
      %max3A_209 = arith.constant 1.000000e+00 : f32
      %max3A_210 = vector.broadcast %max3A_209 : f32 to vector<128x1xf32>
      %max3A_211 = arith.maximumf %get3A_208, %max3A_210 : vector<128x1xf32>
      %get3A_212 = arith.constant 0 : index
      %get3A_213 = arith.constant 0 : index
      %get3A_214 = vector.load %arg10[%get3A_212, %get3A_213] : memref<128x64xf32, #tpu.memory_space<vmem>>, vector<128x64xf32>
      %div3A = vector.broadcast %max3A_211 : vector<128x1xf32> to vector<128x64xf32>
      %div3A_215 = arith.divf %get3A_214, %div3A : vector<128x64xf32>
      %get3A_216 = arith.constant 0 : index
      %get3A_217 = arith.constant 0 : index
      %get3A_218 = vector.load %arg8[%get3A_216, %get3A_217] : memref<64x10xf32, #tpu.memory_space<vmem>>, vector<64x10xf32>
      %dot_general3A_219 = arith.constant dense<0.000000e+00> : vector<128x10xf32>
      %dot_general3A_220 = tpu.matmul %div3A_215, %get3A_218, %dot_general3A_219 {dimension_numbers = #tpu.dot_dimension_numbers<[1], [0], [0], [1], [0, 0, 1, 1], [], []>, transpose_lhs_hint = false} : vector<128x64xf32>, vector<64x10xf32>, vector<128x10xf32> -> vector<128x10xf32>
      %get3A_221 = arith.constant 0 : index
      %get3A_222 = arith.constant 0 : index
      %get3A_223 = vector.load %arg9[%get3A_221, %get3A_222] : memref<1x10xf32, #tpu.memory_space<vmem>>, vector<1x10xf32>
      %add3A_224 = vector.broadcast %get3A_223 : vector<1x10xf32> to vector<128x10xf32>
      %add3A_225 = arith.addf %dot_general3A_220, %add3A_224 : vector<128x10xf32>
      %swap3A_226 = arith.constant 0 : index
      %swap3A_227 = arith.constant 0 : index
      %swap3A_228 = vector.load %arg12[%swap3A_226, %swap3A_227] : memref<128x10xf32, #tpu.memory_space<vmem>>, vector<128x10xf32>
      tpu.vector_store %arg12[%swap3A_226, %swap3A_227], %add3A_225 {strides = array<i32>} : memref<128x10xf32, #tpu.memory_space<vmem>>, vector<128x10xf32>,
    } else {
    }
    return
  }
  func.func @transform_0(%arg0: i32) -> (i32, i32) {
    %c0_i32 = arith.constant 0 : i32
    %c0_i32_0 = arith.constant 0 : i32
    return %arg0, %c0_i32 : i32, i32
  }
  func.func @transform_1(%arg0: i32) -> (i32, i32) {
    %c0_i32 = arith.constant 0 : i32
    %c0_i32_0 = arith.constant 0 : i32
    return %arg0, %c0_i32 : i32, i32
  }
  func.func @transform_2(%arg0: i32) -> (i32, i32) {
    %c0_i32 = arith.constant 0 : i32
    %c0_i32_0 = arith.constant 0 : i32
    return %arg0, %c0_i32 : i32, i32
  }
  func.func @transform_3(%arg0: i32) -> (i32, i32) {
    %c0_i32 = arith.constant 0 : i32
    %c0_i32_0 = arith.constant 0 : i32
    return %arg0, %c0_i32 : i32, i32
  }
  func.func @transform_4(%arg0: i32) -> (i32, i32) {
    %c0_i32 = arith.constant 0 : i32
    %c0_i32_0 = arith.constant 0 : i32
    %c0_i32_1 = arith.constant 0 : i32
    return %c0_i32, %c0_i32_0 : i32, i32
  }
  func.func @transform_5(%arg0: i32) -> (i32, i32) {
    %c0_i32 = arith.constant 0 : i32
    %c0_i32_0 = arith.constant 0 : i32
    %c0_i32_1 = arith.constant 0 : i32
    return %c0_i32, %c0_i32_0 : i32, i32
  }
  func.func @transform_6(%arg0: i32) -> (i32, i32) {
    %c0_i32 = arith.constant 0 : i32
    %c0_i32_0 = arith.constant 0 : i32
    return %arg0, %c0_i32 : i32, i32
  }
  func.func @transform_7(%arg0: i32) -> (i32, i32) {
    %c0_i32 = arith.constant 0 : i32
    %c0_i32_0 = arith.constant 0 : i32
    %c0_i32_1 = arith.constant 0 : i32
    return %c0_i32, %c0_i32_0 : i32, i32
  }
  func.func @transform_8(%arg0: i32) -> (i32, i32) {
    %c0_i32 = arith.constant 0 : i32
    %c0_i32_0 = arith.constant 0 : i32
    %c0_i32_1 = arith.constant 0 : i32
    return %c0_i32, %c0_i32_0 : i32, i32
  }
  func.func @transform_9(%arg0: i32) -> (i32, i32) {
    %c0_i32 = arith.constant 0 : i32
    %c0_i32_0 = arith.constant 0 : i32
    %c0_i32_1 = arith.constant 0 : i32
    return %c0_i32, %c0_i32_0 : i32, i32
  }
  func.func @transform_10(%arg0: i32) -> (i32, i32) {
    %c0_i32 = arith.constant 0 : i32
    %c0_i32_0 = arith.constant 0 : i32
    %c0_i32_1 = arith.constant 0 : i32
    return %c0_i32, %c0_i32_0 : i32, i32
  }
  func.func @transform_11(%arg0: i32) -> (i32, i32) {
    %c0_i32 = arith.constant 0 : i32
    %c0_i32_0 = arith.constant 0 : i32
    %c0_i32_1 = arith.constant 0 : i32
    return %c0_i32, %c0_i32_0 : i32, i32
  }
}

</mosaic_0001>

<sc_bundles>
// kernel: kernel.10.cloned.1.call-start
scs
__scs_entry_jumppad:
0x0: {  	(pc) =	sbr.rel $0x88, $3  }
0x1: {  	(tag) =	ssettag $0x0;
	lr =	simm.s32 $0x1  }
0x2: {  	[smem:$0x3F92] =	sst lr;
	_ =	strace $0xD0000000  }
0x3: {  	_ = 	snop  }
0x4: {  	_ = 	snop  }
0x5: {  	_ = 	snop  }
0x6: {  	_ = 	snop  }
0x7: {  	_ = 	snop  }
__scs_overlays_trampoline_lowered:
0x8: {  	[smem:$0x3FA1] =	sst s0  }
0x9: {  	[smem:$0x3FA2] =	sst s1  }
0xa: {  	[smem:$0x3FA3] =	sst s2  }
0xb: {  	[smem:$0x3FA4] =	sst s3  }
0xc: {  	[smem:$0x3FA5] =	sst s4  }
0xd: {  	[smem:$0x3FA6] =	sst s5  }
0xe: {  	[smem:$0x3FA7] =	sst s6  }
0xf: {  	[smem:$0x3FA8] =	sst s7  }
0x10: {  	[smem:$0x3FA9] =	sst s8  }
0x11: {  	[smem:$0x3FAA] =	sst s9;
	s0 =	simm.s32 @!p0 $0x0  }
0x12: {  	s1 =	sld [smem:$0x3F90];
	s0 =	simm.s32 @p0 $0x1  }
0x13: {  	[smem:$0x3FAB] =	sst s0;
	s0 =	simm.s32 @!p1 $0x0  }
0x14: {  	s2 =	sld [smem:$0x3F8F];
	s0 =	simm.s32 @p1 $0x1  }
0x15: {  	[smem:$0x3FAC] =	sst s0;
	s0 =	simm.s32 @!p2 $0x0  }
0x16: {  	s3 =	sld [smem:$0x3FDB];
	s0 =	simm.s32 @p2 $0x1  }
0x17: {  	s4 =	simm.s32 $0x1BF5;
	[smem:$0x3FAE] =	sst s0  }
0x18: {  	s0 =	sld [smem:$0x3F91];
	_ =	swait.ge [sflag:s4], $0x0  }
0x19: {  	s7 =	sld [smem:$0x3F92]  }
0x1a: {  	s8 =	sadd.s32 $0xFFFFE003, lr  }
0x1b: {  	s9 =	sadd.s32 $0xFFFFFEF7, lr;
	s5 =	simm.s32 $0xFFFFFFFF;
	p2 =	slt.u32 s8, $0xFFFFF086  }
0x1c: {  	p1 =	slt.u32 s9, $0xF7A;
	s5 =	simm.s32 @!p2 $0x0  }
0x1d: {  	s5 =	simm.s32 @p1 $0x1;
	p0 =	seq.s32 s7, s2  }
0x1e: {  	s7 =	smul.u32 @!p0 $0xF7A, s2;
	p2 =	seq.s32 @!p0 s5, $0x0  }
0x1f: {  	s9 =	smul.u32 $0xF7A, s1;
	s8 =	simm.s32 @!p0 $0x1BF5;
	p2 =	por !p2, p0  }
0x20: {  	[sflag:s8] =	ssyncset.s32 @!p0 $0xFFFFF086;
	s6 =	sadd.s32 @!p0 s3, s7;
	s7 =	simm.s32 @!p0 $0x108  }
0x21: {  	s3 =	sadd.s32 s3, s9;
	s6 =	sadd.s32 @!p0 $0x88, s6;
	s7 =	simm.s32 @p2 $0x1082  }
0x22: {  	[simem:s7], [sflag:s8] =	dma.local @!p0 [hbm:s6], $0xF7A  }
0x23: {  	s9 =	sor.u32 $0xD0000000, s2;
	s6 =	simm.s32 $0x108;
	_ =	swait.ge @!p0 [sflag:s8], $0x0  }
0x24: {  	s3 =	sadd.s32 $0x88, s3;
	s6 =	simm.s32 @!p1 $0x1082;
	[sflag:s4] =	ssyncset.s32 $0xFFFFF086  }
0x25: {  	[simem:s6], [sflag:s4] =	dma.local [hbm:s3], $0xF7A  }
0x26: {  	[smem:$0x3F92] =	sst s1;
	(tag) =	ssettag s2;
	_ =	strace s9  }
0x27: {  	s1 =	sld [smem:$0x3FA2]  }
0x28: {  	s2 =	sld [smem:$0x3FA3]  }
0x29: {  	s4 =	sld [smem:$0x3FA5]  }
0x2a: {  	p0 =	seq.s32 s5, $0x0;
	s5 =	sld [smem:$0x3FA6]  }
0x2b: {  	s6 =	sld [smem:$0x3FA7]  }
0x2c: {  	s7 =	sld [smem:$0x3FA8]  }
0x2d: {  	s3 =	simm.s32 $0x108;
	s8 =	sld [smem:$0x3FA9]  }
0x2e: {  	s3 =	simm.s32 @!p0 $0x1082;
	s9 =	sld [smem:$0x3FAA]  }
0x2f: {  	lr =	sadd.s32 s0, s3;
	s0 =	sld [smem:$0x3FA1]  }
0x30: {  	s3 =	sld [smem:$0x3FA4]  }
0x31: {  	[smem:$0x3FAD] =	sst s10  }
0x32: {  	s10 =	sld [smem:$0x3FAB];
	_ =	sdelay $0x3  }
0x33: {  	p0 =	seq.s32 s10, $0x1;
	s10 =	sld [smem:$0x3FAD];
	_ =	sdelay $0x3  }
0x34: {  	[smem:$0x3FAD] =	sst s10  }
0x35: {  	s10 =	sld [smem:$0x3FAC];
	_ =	sdelay $0x3  }
0x36: {  	p1 =	seq.s32 s10, $0x1;
	s10 =	sld [smem:$0x3FAD];
	_ =	sdelay $0x3  }
0x37: {  	[smem:$0x3FAD] =	sst s10  }
0x38: {  	s10 =	sld [smem:$0x3FAE]  }
0x39: {  	_ = 	snop;
	(pc) =	sbr.ind lr, $3  }
0x3a: {  	_ = 	snop  }
0x3b: {  	_ = 	snop  }
0x3c: {  	p2 =	seq.s32 s10, $0x1;
	s10 =	sld [smem:$0x3FAD]  }
0x3d: {  	_ =	shalt  }
0x3e: {  	_ =	shalt  }
0x3f: {  	_ =	shalt  }
0x40: {  	_ =	shalt  }
0x41: {  	_ =	shalt  }
0x42: {  	_ =	shalt  }
0x43: {  	_ =	shalt  }
0x44: {  	_ =	shalt  }
0x45: {  	_ =	shalt  }
0x46: {  	_ =	shalt  }
0x47: {  	_ =	shalt  }
0x48: {  	_ =	shalt  }
0x49: {  	_ =	shalt  }
0x4a: {  	_ =	shalt  }
0x4b: {  	_ =	shalt  }
0x4c: {  	_ =	shalt  }
0x4d: {  	_ =	shalt  }
0x4e: {  	_ =	shalt  }
0x4f: {  	_ =	shalt  }
0x50: {  	_ =	shalt  }
0x51: {  	_ =	shalt  }
0x52: {  	_ =	shalt  }
0x53: {  	_ =	shalt  }
0x54: {  	_ =	shalt  }
0x55: {  	_ =	shalt  }
0x56: {  	_ =	shalt  }
0x57: {  	_ =	shalt  }
0x58: {  	_ =	shalt  }
0x59: {  	_ =	shalt  }
0x5a: {  	_ =	shalt  }
0x5b: {  	_ =	shalt  }
0x5c: {  	_ =	shalt  }
0x5d: {  	_ =	shalt  }
0x5e: {  	_ =	shalt  }
0x5f: {  	_ =	shalt  }
0x60: {  	_ =	shalt  }
0x61: {  	_ =	shalt  }
0x62: {  	_ =	shalt  }
0x63: {  	_ =	shalt  }
0x64: {  	_ =	shalt  }
0x65: {  	_ =	shalt  }
0x66: {  	_ =	shalt  }
0x67: {  	_ =	shalt  }
0x68: {  	_ =	shalt  }
0x69: {  	_ =	shalt  }
0x6a: {  	_ =	shalt  }
0x6b: {  	_ =	shalt  }
0x6c: {  	_ =	shalt  }
0x6d: {  	_ =	shalt  }
0x6e: {  	_ =	shalt  }
0x6f: {  	_ =	shalt  }
0x70: {  	_ =	shalt  }
0x71: {  	_ =	shalt  }
0x72: {  	_ =	shalt  }
0x73: {  	_ =	shalt  }
0x74: {  	_ =	shalt  }
0x75: {  	_ =	shalt  }
0x76: {  	_ =	shalt  }
0x77: {  	_ =	shalt  }
0x78: {  	_ =	shalt  }
0x79: {  	_ =	shalt  }
0x7a: {  	_ =	shalt  }
0x7b: {  	_ =	shalt  }
0x7c: {  	_ =	shalt  }
0x7d: {  	_ =	shalt  }
0x7e: {  	_ =	shalt  }
0x7f: {  	_ =	shalt  }
0x80: {  	_ =	shalt  }
0x81: {  	_ =	shalt  }
0x82: {  	_ =	shalt  }
0x83: {  	_ =	shalt  }
0x84: {  	_ =	shalt  }
0x85: {  	_ =	shalt  }
0x86: {  	_ =	shalt  }
0x87: {  	_ =	shalt  }
.Lfunc_end0:
.L_simem_size_0:
called_computation.1_lowered:
.L_overlay_start_0:
0x88: {  	s2 =	sld [smem:$0x3FD9]  }
0x89: {  	s3 =	sld [smem:$0x3FFE];
	_ =	sdelay $0x1  }
0x8a: {  	s1 =	srdreg.scid  }
0x8b: {  	s0 =	sand.u32 $0x1, s1  }
0x8c: {  	s16 =	sshll.u32 s0, $0xA;
	s2 =	sadd.s32 s3, s2  }
0x8d: {  	s2 =	sadd.s32 s2, s16  }
0x8e: {  	[smem:$0x3FB9] =	sst s2  }
0x8f: {  	_ = 	snop  }
0x90: {  	(tm) =	ssettm $0x1  }
0x91: {  	s17 =	sld [smem:$0x3FFB];
	_ =	sdelay $0x3  }
0x92: {  	_ =	strace s17  }
0x93: {  	s2 =	sld [smem:$0x3FFC];
	_ =	sdelay $0x3  }
0x94: {  	_ =	strace s2  }
0x95: {  	s2 =	sld [smem:$0x3FFD];
	_ =	sdelay $0x3  }
0x96: {  	_ =	strace s2  }
0x97: {  	_ =	strace $0x8FFFFFFF  }
0x98: {  	s18 =	sld [smem:$0x3FDB];
	_ =	sdelay $0x1  }
0x99: {  	s19 =	simm.s32 $_scs_section_size  }
0x9a: {  	s4 =	simm.s32 $_size__tile_overlayer_lowered;
	s5 =	simm.s32 $_tile_overlayer_lowered  }
0x9b: {  	s22 =	simm.s32 $0x1BFF;
	s21 =	sshll.u32 s5, $0x1;
	s2 =	sadd.s32 s19, s18  }
0x9c: {  	s6 =	simm.s32 $0x0;
	s20 =	sshll.u32 s4, $0x1;
	s4 =	sadd.s32 s21, s2  }
0x9d: {  	[timem:s6], [sflag:s22] =	dma.local [hbm:s4], s20  }
0x9e: {  	_ =	swait.ge [sflag:s22], s20  }
0x9f: {  	s3 =	ssub.s32 $0x0, s20;
	[sflag:s22] =	ssyncset.done $0x0  }
0xa0: {  	[sflag:s22] =	ssyncadd.s32 s3;
	_ =	sdelay $0x1  }
0xa1: {  	s23 =	simm.s32 $0x1B8B  }
0xa2: {  	_ =	swait.ge [sflag:s23], $0x1  }
0xa3: {  	[sflag:s23] =	ssyncset.done $0x0  }
0xa4: {  	s25 =	simm.s32 $0x1B8E;
	s24 =	sld [smem:$0x3FFE];
	[sflag:s23] =	ssyncadd.s32 $0xFFFFFFFF  }
0xa5: {  	s26 =	simm.s32 $execute0_lowered;
	[smem:$0x3FD2] =	sst s25  }
0xa6: {  	s4 =	sshll.u32 s26, $0x1;
	_ =	strace $0x80000049;
	[dreg:$0x1] =	wrdreg $0xFFFFFFFF  }
0xa7: {  	s28 =	simm.s32 $_size_execute0_lowered;
	s2 =	sadd.s32 s2, s4;
	[dreg:$0x0] =	wrdreg $0x0  }
0xa8: {  	s4 =	sshll.u32 s28, $0x1;
	[dreg:$0x2] =	wrdreg s2  }
0xa9: {  	[dreg:$0x3] =	wrdreg s4  }
0xaa: {  	[dreg:$0x4] =	wrdreg $0xC0  }
0xab: {  	_ =	task [dreg:s6], $0x5FFFF  }
0xac: {  	[dreg:$0x1] =	wrdreg $0xFFFFFFFF  }
0xad: {  	[dreg:$0x0] =	wrdreg $0x60  }
0xae: {  	[dreg:$0x2] =	wrdreg s24  }
0xaf: {  	[dreg:$0x3] =	wrdreg $0x5C000  }
0xb0: {  	[dreg:$0x4] =	wrdreg $0x9  }
0xb1: {  	_ =	task.clear_ibuf [dreg:s6], $0x5FFFF;
	_ =	strace $0x90000049  }
0xb2: {  	s29 =	simm.s32 $0x9;
	_ =	strace $0x8000004B  }
0xb3: {  	_ =	swait.ge [sflag:s29], $0x1  }
0xb4: {  	[sflag:s29] =	ssyncadd.s32 $0xFFFFFFFF  }
0xb5: {  	_ =	strace $0x9000004B  }
0xb6: {  	_ =	sfence  }
0xb7: {  	s30 =	sld [smem:$0x0];
	_ =	sdelay $0x2  }
0xb8: {  	s31 =	sshll.u32 s1, $0xD;
	s1 =	sshrl.u32 s1, $0x2  }
0xb9: {  	s3 =	sand.u32 $0x4000, s31;
	s1 =	sadd.s32 s1, s30  }
0xba: {  	s0 =	sor.u32 s3, s0;
	s1 =	sshll.u32 s1, $0x11  }
0xbb: {  	s0 =	sor.u32 s1, s0  }
0xbc: {  	s0 =	sadd.s32 $0x8F2B, s0  }
0xbd: {  	[sflag:s0] =	ssyncadd.remote.s32 $0x1  }
0xbe: {  	_ =	sfence.sel $0xFFFF  }
0xbf: {  	[dreg:$0x0] =	wrdreg $0xFFFFFFFF;
	(pc) =	sbr.abs _section_cstart, $3  }
0xc0: {  	[dreg:$0x1] =	wrdreg $0xFFFFFFFF  }
0xc1: {  	_ =	task.clear_ibuf [dreg:s6], $0x2FFFF;
	_ =	strace $0x9FFFFFFF  }
0xc2: {  	(tm) =	ssettm $0x7FFFFFFF  }
0xc3: {  	_ =	shalt  }
tec
execute0_lowered:
.L_overlay_start_1:
0x0: {  	(tag) =	ssettag $0x1  }
0x1: {  	s0 =	rddreg [dreg:$0x0]  }
0x2: {  	s2 =	rddreg [dreg:$0x1];
	s3 =	simm.s32 $0x0;
	s9 =	stileid.u32  }
0x3: {  	s6 =	srdreg.scid;
	s15 =	simm.s32 $0x3;
	s16 =	simm.s32 $0xE00  }
0x4: {  	s17 =	simm.s32 $0x100;
	s18 =	simm.s32 $0x1C00;
	s19 =	simm.s32 $0x3C00  }
0x5: {  	s20 =	simm.s32 $0x1;
	s22 =	simm.s32 $0x2;
	s10 =	simm.s32 $0x1000  }
0x6: {  	s11 =	simm.s32 $0x400;
	s14 =	simm.s32 $0x500;
	s21 =	simm.s32 $0x1200  }
0x7: {  	s28 =	simm.s32 $0x800;
	s29 =	simm.s32 $0x1500;
	s31 =	simm.s32 $0x0  }
0x8: {  	[smem:$0x7FF] =	sst s3;
	s1 =	smul.u32 $0x1880, s9;
	s4 =	sadd.s32 $0x35200, s0  }
0x9: {  	s5 =	sadd.s32 $0x69200, s0;
	s7 =	sadd.s32 $0x66000, s0;
	s6 =	sand.u32 $0x1, s6  }
0xa: {  	s23 =	sadd.s32 $0x9A000, s0;
	_ =	strace $0x8000004A;
	[dreg:$0x3] =	wrdreg s7  }
0xb: {  	s8 =	smul.u32 $0x18700, s9;
	s9 =	sshll.u32 s9, $0x6;
	[dreg:$0x4] =	wrdreg s23  }
0xc: {  	s24 =	ssub.s32 $0x2, s6;
	s30 =	sor.u32 $0x1C03, s9;
	p0 =	sne.s32 s6, $0x0  }
0xd: {  	s7 =	simm.s32 $0x200;
	s6 =	simm.s32 $0x300;
	s9 =	simm.s32 $0x1100  }
0xe: {  	s23 =	simm.s32 $0x600;
	s1 =	sadd.s32 s1, s0;
	s0 =	sadd.s32 $0xCAE00, s0  }
0xf: {  	s25 =	sshrl.u32 s24, $0x1;
	s26 =	sadd.s32 s8, s2;
	[dreg:$0x6] =	wrdreg s30  }
.Ltmp0:
0x10: {  	s8 =	sshrl.u32 s8, $0x3;
	[dreg:$0x5] =	wrdreg s0;
	(pc) =	sbr.rel .LBB2_1-.Ltmp0, $4  }
0x11: {  	s0 =	ssub.s32 s24, s25;
	[dreg:$0x7] =	wrdreg s8;
	s12 =	sadd.s32 $0x1CA00, s1  }
0x12: {  	s13 =	sadd.s32 $0x4200, s1;
	s1 =	sshrl.u32 s26, $0x3;
	s8 =	simm.s32 $0xF00  }
0x13: {  	s24 =	simm.s32 $0x1300;
	s0 =	smax.u32 s0, $0x1;
	[dreg:$0x9] =	wrdreg s1  }
0x14: {  	s25 =	simm.s32 $0x700;
	s26 =	simm.s32 $0x1400;
	[dreg:$0x8] =	wrdreg s0  }
.LBB2_7:
0x15: {  	s0 =	sadd.s32 s30, s13;
	[sflag:s15] =	ssyncadd.s32 $0xFFFFE000  }
0x16: {  	[tilespmem:s3], [sflag:$0x3] =	stream.linear.gather [hbm4b:s0+s3], $0xE00, $0x38;
	[tilespmem:$0x1E300] =	vst v63  }
0x17: {  	_ =	swait.ge [sflag:s15], $0xE00  }
0x18: {  	[sflag:s15] =	ssyncset.done $0x0  }
0x19: {  	s30 =	sadd.s32 s30, s12;
	[sflag:s15] =	ssyncadd.s32 $0xFFFFF200  }
0x1a: {  	[tilespmem:s16], [sflag:$0x3] =	stream.linear.gather [hbm4b:s30+s3], $0xE00, $0x38;
	[tilespmem:$0x1E300] =	vst v63  }
0x1b: {  	_ =	swait.ge [sflag:s15], $0xE00  }
0x1c: {  	[sflag:s15] =	ssyncset.done $0x0  }
0x1d: {  	[sflag:s15] =	ssyncadd.s32 $0xFFFFF200  }
0x1e: {  	[tilespmem:s18], [sflag:$0x1] =	stream.indirect.gather [hbm4b:s5+s17], $0x20, s3, s17, $0xb8;
	[tilespmem:$0x1E300] =	vst v63  }
0x1f: {  	_ = 	snop  }
0x20: {  	[tilespmem:s19], [sflag:$0x2] =	stream.indirect.gather [hbm4b:s5+s17], $0x20, s17, s17, $0xb8;
	[tilespmem:$0x1E300] =	vst v63  }
0x21: {  	_ =	swait.ge [sflag:s20], $0x2000  }
0x22: {  	[sflag:s20] =	ssyncset.done $0x0  }
0x23: {  	[sflag:s20] =	ssyncadd.s32 $0xFFFFE000  }
0x24: {  	[spmem:s2] =	stream.indirect.scatter.add.f32 [tilespmem:s18], [sflag:$0x3], $0x20, s16, s17, $0xb8;
	[tilespmem:$0x1E300] =	vst v63  }
0x25: {  	_ =	swait.ge [sflag:s15], $0x2000  }
0x26: {  	[sflag:s15] =	ssyncset.done $0x0  }
0x27: {  	[sflag:s15] =	ssyncadd.s32 $0xFFFFE000  }
0x28: {  	[tilespmem:s18], [sflag:$0x1] =	stream.indirect.gather [hbm4b:s5+s17], $0x20, s7, s17, $0xb8;
	[tilespmem:$0x1E300] =	vst v63  }
0x29: {  	_ =	swait.ge [sflag:s22], $0x2000  }
0x2a: {  	[sflag:s22] =	ssyncset.done $0x0  }
0x2b: {  	[sflag:s22] =	ssyncadd.s32 $0xFFFFE000  }
0x2c: {  	[spmem:s2] =	stream.indirect.scatter.add.f32 [tilespmem:s19], [sflag:$0x3], $0x20, s8, s17, $0xb8;
	[tilespmem:$0x1E300] =	vst v63  }
0x2d: {  	_ =	swait.ge [sflag:s15], $0x2000  }
0x2e: {  	[sflag:s15] =	ssyncset.done $0x0  }
0x2f: {  	[sflag:s15] =	ssyncadd.s32 $0xFFFFE000  }
0x30: {  	[tilespmem:s19], [sflag:$0x2] =	stream.indirect.gather [hbm4b:s5+s17], $0x20, s6, s17, $0xb8;
	[tilespmem:$0x1E300] =	vst v63  }
0x31: {  	_ =	swait.ge [sflag:s20], $0x2000  }
0x32: {  	[sflag:s20] =	ssyncset.done $0x0  }
0x33: {  	[sflag:s20] =	ssyncadd.s32 $0xFFFFE000  }
0x34: {  	[spmem:s2] =	stream.indirect.scatter.add.f32 [tilespmem:s18], [sflag:$0x3], $0x20, s10, s17, $0xb8;
	[tilespmem:$0x1E300] =	vst v63  }
0x35: {  	_ =	swait.ge [sflag:s15], $0x2000  }
0x36: {  	[sflag:s15] =	ssyncset.done $0x0  }
0x37: {  	[sflag:s15] =	ssyncadd.s32 $0xFFFFE000  }
0x38: {  	[tilespmem:s18], [sflag:$0x1] =	stream.indirect.gather [hbm4b:s5+s17], $0x20, s11, s17, $0xb8;
	[tilespmem:$0x1E300] =	vst v63  }
0x39: {  	_ =	swait.ge [sflag:s22], $0x2000  }
0x3a: {  	[sflag:s22] =	ssyncset.done $0x0  }
0x3b: {  	[sflag:s22] =	ssyncadd.s32 $0xFFFFE000  }
0x3c: {  	[spmem:s2] =	stream.indirect.scatter.add.f32 [tilespmem:s19], [sflag:$0x3], $0x20, s9, s17, $0xb8;
	[tilespmem:$0x1E300] =	vst v63  }
0x3d: {  	_ =	swait.ge [sflag:s15], $0x2000  }
0x3e: {  	[sflag:s15] =	ssyncset.done $0x0  }
0x3f: {  	[sflag:s15] =	ssyncadd.s32 $0xFFFFE000  }
0x40: {  	[tilespmem:s19], [sflag:$0x2] =	stream.indirect.gather [hbm4b:s5+s17], $0x20, s14, s17, $0xb8;
	[tilespmem:$0x1E300] =	vst v63  }
0x41: {  	_ =	swait.ge [sflag:s20], $0x2000  }
0x42: {  	[sflag:s20] =	ssyncset.done $0x0  }
0x43: {  	[sflag:s20] =	ssyncadd.s32 $0xFFFFE000  }
0x44: {  	[spmem:s2] =	stream.indirect.scatter.add.f32 [tilespmem:s18], [sflag:$0x3], $0x20, s21, s17, $0xb8;
	[tilespmem:$0x1E300] =	vst v63  }
0x45: {  	_ =	swait.ge [sflag:s15], $0x2000  }
0x46: {  	[sflag:s15] =	ssyncset.done $0x0  }
0x47: {  	[sflag:s15] =	ssyncadd.s32 $0xFFFFE000  }
0x48: {  	[tilespmem:s18], [sflag:$0x1] =	stream.indirect.gather [hbm4b:s5+s17], $0x20, s23, s17, $0xb8;
	[tilespmem:$0x1E300] =	vst v63  }
0x49: {  	_ =	swait.ge [sflag:s22], $0x2000  }
0x4a: {  	[sflag:s22] =	ssyncset.done $0x0  }
0x4b: {  	[sflag:s22] =	ssyncadd.s32 $0xFFFFE000  }
0x4c: {  	[spmem:s2] =	stream.indirect.scatter.add.f32 [tilespmem:s19], [sflag:$0x3], $0x20, s24, s17, $0xb8;
	[tilespmem:$0x1E300] =	vst v63  }
0x4d: {  	_ =	swait.ge [sflag:s15], $0x2000  }
0x4e: {  	[sflag:s15] =	ssyncset.done $0x0  }
0x4f: {  	[sflag:s15] =	ssyncadd.s32 $0xFFFFE000  }
0x50: {  	[tilespmem:s19], [sflag:$0x2] =	stream.indirect.gather [hbm4b:s5+s17], $0x20, s25, s17, $0xb8;
	[tilespmem:$0x1E300] =	vst v63  }
0x51: {  	_ =	swait.ge [sflag:s20], $0x2000  }
0x52: {  	[sflag:s20] =	ssyncset.done $0x0  }
0x53: {  	[sflag:s20] =	ssyncadd.s32 $0xFFFFE000  }
0x54: {  	[spmem:s2] =	stream.indirect.scatter.add.f32 [tilespmem:s18], [sflag:$0x3], $0x20, s26, s17, $0xb8;
	[tilespmem:$0x1E300] =	vst v63  }
0x55: {  	_ =	swait.ge [sflag:s15], $0x2000  }
0x56: {  	[sflag:s15] =	ssyncset.done $0x0  }
0x57: {  	[sflag:s15] =	ssyncadd.s32 $0xFFFFE000  }
0x58: {  	[tilespmem:s18], [sflag:$0x1] =	stream.indirect.gather [hbm4b:s5+s17], $0x20, s28, s17, $0xb8;
	[tilespmem:$0x1E300] =	vst v63  }
0x59: {  	_ =	swait.ge [sflag:s22], $0x2000  }
0x5a: {  	[sflag:s22] =	ssyncset.done $0x0  }
0x5b: {  	[sflag:s22] =	ssyncadd.s32 $0xFFFFE000  }
0x5c: {  	[spmem:s2] =	stream.indirect.scatter.add.f32 [tilespmem:s19], [sflag:$0x3], $0x20, s29, s17, $0xb8;
	[tilespmem:$0x1E300] =	vst v63  }
0x5d: {  	_ =	swait.ge [sflag:s15], $0x2000  }
0x5e: {  	[sflag:s15] =	ssyncset.done $0x0  }
0x5f: {  	s9 =	simm.s32 $0x900;
	[sflag:s15] =	ssyncadd.s32 $0xFFFFE000  }
0x60: {  	[tilespmem:s19], [sflag:$0x2] =	stream.indirect.gather [hbm4b:s5+s17], $0x20, s9, s17, $0xb8;
	[tilespmem:$0x1E300] =	vst v63  }
0x61: {  	_ =	swait.ge [sflag:s20], $0x2000  }
0x62: {  	[sflag:s20] =	ssyncset.done $0x0  }
0x63: {  	[sflag:s20] =	ssyncadd.s32 $0xFFFFE000  }
0x64: {  	[spmem:s2] =	stream.indirect.scatter.add.f32 [tilespmem:s18], [sflag:$0x3], $0x20, s1, s17, $0xb8;
	[tilespmem:$0x1E300] =	vst v63  }
0x65: {  	_ =	swait.ge [sflag:s15], $0x2000  }
0x66: {  	[sflag:s15] =	ssyncset.done $0x0  }
0x67: {  	s10 =	simm.s32 $0xA00;
	[sflag:s15] =	ssyncadd.s32 $0xFFFFE000  }
0x68: {  	[tilespmem:s18], [sflag:$0x1] =	stream.indirect.gather [hbm4b:s5+s17], $0x20, s10, s17, $0xb8;
	[tilespmem:$0x1E300] =	vst v63  }
0x69: {  	_ =	swait.ge [sflag:s22], $0x2000  }
0x6a: {  	[sflag:s22] =	ssyncset.done $0x0  }
0x6b: {  	s11 =	simm.s32 $0x1700;
	[sflag:s22] =	ssyncadd.s32 $0xFFFFE000  }
0x6c: {  	[spmem:s2] =	stream.indirect.scatter.add.f32 [tilespmem:s19], [sflag:$0x3], $0x20, s11, s17, $0xb8;
	[tilespmem:$0x1E300] =	vst v63  }
0x6d: {  	_ =	swait.ge [sflag:s15], $0x2000  }
0x6e: {  	[sflag:s15] =	ssyncset.done $0x0  }
0x6f: {  	s14 =	simm.s32 $0xB00;
	[sflag:s15] =	ssyncadd.s32 $0xFFFFE000  }
0x70: {  	[tilespmem:s19], [sflag:$0x2] =	stream.indirect.gather [hbm4b:s5+s17], $0x20, s14, s17, $0xb8;
	[tilespmem:$0x1E300] =	vst v63  }
0x71: {  	_ =	swait.ge [sflag:s20], $0x2000  }
0x72: {  	[sflag:s20] =	ssyncset.done $0x0  }
0x73: {  	s21 =	simm.s32 $0x1800;
	[sflag:s20] =	ssyncadd.s32 $0xFFFFE000  }
0x74: {  	[spmem:s2] =	stream.indirect.scatter.add.f32 [tilespmem:s18], [sflag:$0x3], $0x20, s21, s17, $0xb8;
	[tilespmem:$0x1E300] =	vst v63  }
0x75: {  	_ =	swait.ge [sflag:s15], $0x2000  }
0x76: {  	[sflag:s15] =	ssyncset.done $0x0  }
0x77: {  	s23 =	simm.s32 $0xC00;
	[sflag:s15] =	ssyncadd.s32 $0xFFFFE000  }
0x78: {  	[tilespmem:s18], [sflag:$0x1] =	stream.indirect.gather [hbm4b:s5+s17], $0x20, s23, s17, $0xb8;
	[tilespmem:$0x1E300] =	vst v63  }
0x79: {  	_ =	swait.ge [sflag:s22], $0x2000  }
0x7a: {  	[sflag:s22] =	ssyncset.done $0x0  }
0x7b: {  	s24 =	simm.s32 $0x1900;
	[sflag:s22] =	ssyncadd.s32 $0xFFFFE000  }
0x7c: {  	[spmem:s2] =	stream.indirect.scatter.add.f32 [tilespmem:s19], [sflag:$0x3], $0x20, s24, s17, $0xb8;
	[tilespmem:$0x1E300] =	vst v63  }
0x7d: {  	_ =	swait.ge [sflag:s15], $0x2000  }
0x7e: {  	[sflag:s15] =	ssyncset.done $0x0  }
0x7f: {  	s25 =	simm.s32 $0xD00;
	[sflag:s15] =	ssyncadd.s32 $0xFFFFE000  }
0x80: {  	[tilespmem:s19], [sflag:$0x2] =	stream.indirect.gather [hbm4b:s5+s17], $0x20, s25, s17, $0xb8;
	[tilespmem:$0x1E300] =	vst v63  }
0x81: {  	_ =	swait.ge [sflag:s20], $0x2000  }
0x82: {  	[sflag:s20] =	ssyncset.done $0x0  }
0x83: {  	s26 =	simm.s32 $0x1A00;
	[sflag:s20] =	ssyncadd.s32 $0xFFFFE000  }
0x84: {  	[spmem:s2] =	stream.indirect.scatter.add.f32 [tilespmem:s18], [sflag:$0x3], $0x20, s26, s17, $0xb8;
	[tilespmem:$0x1E300] =	vst v63  }
0x85: {  	_ =	swait.ge [sflag:s15], $0x2000  }
0x86: {  	s30 =	simm.s32 $0x1B00;
	s8 =	simm.s32 $0xF00;
	[sflag:s15] =	ssyncset.done $0x0  }
0x87: {  	s6 =	simm.s32 $0x300;
	s28 =	simm.s32 $0x800;
	[sflag:s15] =	ssyncadd.s32 $0xFFFFE000  }
0x88: {  	s29 =	simm.s32 $0x1500;
	s9 =	simm.s32 $0x1100;
	_ =	swait.ge [sflag:s22], $0x2000  }
0x89: {  	s10 =	simm.s32 $0x1000;
	s11 =	simm.s32 $0x400;
	[sflag:s22] =	ssyncset.done $0x0  }
0x8a: {  	s14 =	simm.s32 $0x500;
	s21 =	simm.s32 $0x1200;
	[sflag:s22] =	ssyncadd.s32 $0xFFFFE000  }
0x8b: {  	[spmem:s2] =	stream.indirect.scatter.add.f32 [tilespmem:s19], [sflag:$0x3], $0x20, s30, s17, $0xb8;
	[tilespmem:$0x1E300] =	vst v63  }
0x8c: {  	s23 =	simm.s32 $0x600;
	s24 =	simm.s32 $0x1300;
	_ =	swait.ge [sflag:s15], $0x2000  }
0x8d: {  	s25 =	simm.s32 $0x700;
	[sflag:s15] =	ssyncset.done $0x0;
	s0 =	rddreg [dreg:$0x5]  }
0x8e: {  	s26 =	simm.s32 $0x1400;
	s31 =	rddreg [dreg:$0xa];
	[sflag:s15] =	ssyncadd.s32 $0xFFFFE000  }
.LBB2_8:
0x8f: {  	s1 =	rddreg [dreg:$0x7];
	[bflag:$0x0] =	sbarrier.arrive $0xFFFF  }
0x90: {  	s30 =	rddreg [dreg:$0x6]  }
0x91: {  	s0 =	sadd.s32 s0, s1;
	s1 =	rddreg [dreg:$0x9]  }
0x92: {  	[hbm:s0], [sflag:s30] =	dma.local [spmem:s1], $0x30E0  }
0x93: {  	_ =	swait.ge [sflag:s15], $0x30E0  }
0x94: {  	s31 =	sadd.s32 $0x1, s31;
	s0 =	rddreg [dreg:$0x8]  }
0x95: {  	p1 =	sne.s32 s31, s0  }
.Ltmp1:
0x96: {  	_ = 	snop;
	(pc) =	sbr.rel @!p1 .LBB2_9-.Ltmp1, $3  }
0x97: {  	_ =	sdelay $0x1  }
0x98: {  	[sflag:s15] =	ssyncset.done $0x0  }
0x99: {  	[sflag:s15] =	ssyncadd.s32 $0xFFFFCF20  }
.LBB2_1:
0x9a: {  	[dreg:$0xa] =	wrdreg s31  }
0x9b: {  	s0 =	rddreg [dreg:$0x3]  }
0x9c: {  	[spmem:s1], [sflag:s30] =	dma.local [hbm:s0], $0x30E0  }
.Ltmp2:
0x9d: {  	_ =	swait.ge [sflag:s15], $0x30E0;
	(pc) =	sbr.rel @p0 .LBB2_5-.Ltmp2, $4  }
0x9e: {  	[sflag:s15] =	ssyncset.done $0x0  }
0x9f: {  	[sflag:s15] =	ssyncadd.s32 $0xFFFFCF20  }
0xa0: {  	[bflag:$0x0] =	sbarrier.arrive $0xFFFF  }
0xa1: {  	s0 =	sadd.s32 $0x0, s13  }
0xa2: {  	[tilespmem:s3], [sflag:$0x3] =	stream.linear.gather [hbm4b:s0+s3], $0xE00, $0x38;
	[tilespmem:$0x1E300] =	vst v63  }
0xa3: {  	_ =	swait.ge [sflag:s15], $0xE00  }
0xa4: {  	[sflag:s15] =	ssyncset.done $0x0  }
0xa5: {  	s1 =	sadd.s32 $0x0, s12;
	[sflag:s15] =	ssyncadd.s32 $0xFFFFF200  }
0xa6: {  	[tilespmem:s16], [sflag:$0x3] =	stream.linear.gather [hbm4b:s1+s3], $0xE00, $0x38;
	[tilespmem:$0x1E300] =	vst v63  }
0xa7: {  	_ =	swait.ge [sflag:s15], $0xE00  }
0xa8: {  	[sflag:s15] =	ssyncset.done $0x0  }
0xa9: {  	[sflag:s15] =	ssyncadd.s32 $0xFFFFF200  }
0xaa: {  	[tilespmem:s18], [sflag:$0x1] =	stream.indirect.gather [hbm4b:s4+s17], $0x20, s3, s17, $0xb8;
	[tilespmem:$0x1E300] =	vst v63  }
0xab: {  	_ = 	snop  }
0xac: {  	[tilespmem:s19], [sflag:$0x2] =	stream.indirect.gather [hbm4b:s4+s17], $0x20, s17, s17, $0xb8;
	[tilespmem:$0x1E300] =	vst v63  }
0xad: {  	_ =	swait.ge [sflag:s20], $0x2000  }
0xae: {  	[sflag:s20] =	ssyncset.done $0x0  }
0xaf: {  	[sflag:s20] =	ssyncadd.s32 $0xFFFFE000  }
0xb0: {  	[spmem:s2] =	stream.indirect.scatter.add.f32 [tilespmem:s18], [sflag:$0x3], $0x20, s16, s17, $0xb8;
	[tilespmem:$0x1E300] =	vst v63  }
0xb1: {  	_ =	swait.ge [sflag:s15], $0x2000  }
0xb2: {  	[sflag:s15] =	ssyncset.done $0x0  }
0xb3: {  	[sflag:s15] =	ssyncadd.s32 $0xFFFFE000  }
0xb4: {  	[tilespmem:s18], [sflag:$0x1] =	stream.indirect.gather [hbm4b:s4+s17], $0x20, s7, s17, $0xb8;
	[tilespmem:$0x1E300] =	vst v63  }
0xb5: {  	_ =	swait.ge [sflag:s22], $0x2000  }
0xb6: {  	[sflag:s22] =	ssyncset.done $0x0  }
0xb7: {  	[sflag:s22] =	ssyncadd.s32 $0xFFFFE000  }
0xb8: {  	[spmem:s2] =	stream.indirect.scatter.add.f32 [tilespmem:s19], [sflag:$0x3], $0x20, s8, s17, $0xb8;
	[tilespmem:$0x1E300] =	vst v63  }
0xb9: {  	_ =	swait.ge [sflag:s15], $0x2000  }
0xba: {  	[sflag:s15] =	ssyncset.done $0x0  }
0xbb: {  	[sflag:s15] =	ssyncadd.s32 $0xFFFFE000  }
0xbc: {  	[tilespmem:s19], [sflag:$0x2] =	stream.indirect.gather [hbm4b:s4+s17], $0x20, s6, s17, $0xb8;
	[tilespmem:$0x1E300] =	vst v63  }
0xbd: {  	_ =	swait.ge [sflag:s20], $0x2000  }
0xbe: {  	[sflag:s20] =	ssyncset.done $0x0  }
0xbf: {  	[sflag:s20] =	ssyncadd.s32 $0xFFFFE000  }
0xc0: {  	[spmem:s2] =	stream.indirect.scatter.add.f32 [tilespmem:s18], [sflag:$0x3], $0x20, s10, s17, $0xb8;
	[tilespmem:$0x1E300] =	vst v63  }
0xc1: {  	_ =	swait.ge [sflag:s15], $0x2000  }
0xc2: {  	[sflag:s15] =	ssyncset.done $0x0  }
0xc3: {  	[sflag:s15] =	ssyncadd.s32 $0xFFFFE000  }
0xc4: {  	[tilespmem:s18], [sflag:$0x1] =	stream.indirect.gather [hbm4b:s4+s17], $0x20, s11, s17, $0xb8;
	[tilespmem:$0x1E300] =	vst v63  }
0xc5: {  	_ =	swait.ge [sflag:s22], $0x2000  }
0xc6: {  	[sflag:s22] =	ssyncset.done $0x0  }
0xc7: {  	[sflag:s22] =	ssyncadd.s32 $0xFFFFE000  }
0xc8: {  	[spmem:s2] =	stream.indirect.scatter.add.f32 [tilespmem:s19], [sflag:$0x3], $0x20, s9, s17, $0xb8;
	[tilespmem:$0x1E300] =	vst v63  }
0xc9: {  	_ =	swait.ge [sflag:s15], $0x2000  }
0xca: {  	[sflag:s15] =	ssyncset.done $0x0  }
0xcb: {  	[sflag:s15] =	ssyncadd.s32 $0xFFFFE000  }
0xcc: {  	[tilespmem:s19], [sflag:$0x2] =	stream.indirect.gather [hbm4b:s4+s17], $0x20, s14, s17, $0xb8;
	[tilespmem:$0x1E300] =	vst v63  }
0xcd: {  	_ =	swait.ge [sflag:s20], $0x2000  }
0xce: {  	[sflag:s20] =	ssyncset.done $0x0  }
0xcf: {  	[sflag:s20] =	ssyncadd.s32 $0xFFFFE000  }
0xd0: {  	[spmem:s2] =	stream.indirect.scatter.add.f32 [tilespmem:s18], [sflag:$0x3], $0x20, s21, s17, $0xb8;
	[tilespmem:$0x1E300] =	vst v63  }
0xd1: {  	_ =	swait.ge [sflag:s15], $0x2000  }
0xd2: {  	[sflag:s15] =	ssyncset.done $0x0  }
0xd3: {  	[sflag:s15] =	ssyncadd.s32 $0xFFFFE000  }
0xd4: {  	[tilespmem:s18], [sflag:$0x1] =	stream.indirect.gather [hbm4b:s4+s17], $0x20, s23, s17, $0xb8;
	[tilespmem:$0x1E300] =	vst v63  }
0xd5: {  	_ =	swait.ge [sflag:s22], $0x2000  }
0xd6: {  	[sflag:s22] =	ssyncset.done $0x0  }
0xd7: {  	[sflag:s22] =	ssyncadd.s32 $0xFFFFE000  }
0xd8: {  	[spmem:s2] =	stream.indirect.scatter.add.f32 [tilespmem:s19], [sflag:$0x3], $0x20, s24, s17, $0xb8;
	[tilespmem:$0x1E300] =	vst v63  }
0xd9: {  	_ =	swait.ge [sflag:s15], $0x2000  }
0xda: {  	[sflag:s15] =	ssyncset.done $0x0  }
0xdb: {  	[sflag:s15] =	ssyncadd.s32 $0xFFFFE000  }
0xdc: {  	[tilespmem:s19], [sflag:$0x2] =	stream.indirect.gather [hbm4b:s4+s17], $0x20, s25, s17, $0xb8;
	[tilespmem:$0x1E300] =	vst v63  }
0xdd: {  	_ =	swait.ge [sflag:s20], $0x2000  }
0xde: {  	[sflag:s20] =	ssyncset.done $0x0  }
0xdf: {  	[sflag:s20] =	ssyncadd.s32 $0xFFFFE000  }
0xe0: {  	[spmem:s2] =	stream.indirect.scatter.add.f32 [tilespmem:s18], [sflag:$0x3], $0x20, s26, s17, $0xb8;
	[tilespmem:$0x1E300] =	vst v63  }
0xe1: {  	_ =	swait.ge [sflag:s15], $0x2000  }
0xe2: {  	[sflag:s15] =	ssyncset.done $0x0  }
0xe3: {  	[sflag:s15] =	ssyncadd.s32 $0xFFFFE000  }
0xe4: {  	[tilespmem:s18], [sflag:$0x1] =	stream.indirect.gather [hbm4b:s4+s17], $0x20, s28, s17, $0xb8;
	[tilespmem:$0x1E300] =	vst v63  }
0xe5: {  	_ =	swait.ge [sflag:s22], $0x2000  }
0xe6: {  	[sflag:s22] =	ssyncset.done $0x0  }
0xe7: {  	[sflag:s22] =	ssyncadd.s32 $0xFFFFE000  }
0xe8: {  	[spmem:s2] =	stream.indirect.scatter.add.f32 [tilespmem:s19], [sflag:$0x3], $0x20, s29, s17, $0xb8;
	[tilespmem:$0x1E300] =	vst v63  }
0xe9: {  	_ =	swait.ge [sflag:s15], $0x2000  }
0xea: {  	[sflag:s15] =	ssyncset.done $0x0  }
0xeb: {  	s7 =	simm.s32 $0x900;
	[sflag:s15] =	ssyncadd.s32 $0xFFFFE000  }
0xec: {  	[tilespmem:s19], [sflag:$0x2] =	stream.indirect.gather [hbm4b:s4+s17], $0x20, s7, s17, $0xb8;
	[tilespmem:$0x1E300] =	vst v63  }
0xed: {  	_ =	swait.ge [sflag:s20], $0x2000  }
0xee: {  	[sflag:s20] =	ssyncset.done $0x0  }
0xef: {  	s8 =	simm.s32 $0x1600;
	[sflag:s20] =	ssyncadd.s32 $0xFFFFE000  }
0xf0: {  	[spmem:s2] =	stream.indirect.scatter.add.f32 [tilespmem:s18], [sflag:$0x3], $0x20, s8, s17, $0xb8;
	[tilespmem:$0x1E300] =	vst v63  }
0xf1: {  	_ =	swait.ge [sflag:s15], $0x2000  }
0xf2: {  	[sflag:s15] =	ssyncset.done $0x0  }
0xf3: {  	s9 =	simm.s32 $0xA00;
	[sflag:s15] =	ssyncadd.s32 $0xFFFFE000  }
0xf4: {  	[tilespmem:s18], [sflag:$0x1] =	stream.indirect.gather [hbm4b:s4+s17], $0x20, s9, s17, $0xb8;
	[tilespmem:$0x1E300] =	vst v63  }
0xf5: {  	_ =	swait.ge [sflag:s22], $0x2000  }
0xf6: {  	[sflag:s22] =	ssyncset.done $0x0  }
0xf7: {  	s10 =	simm.s32 $0x1700;
	[sflag:s22] =	ssyncadd.s32 $0xFFFFE000  }
0xf8: {  	[spmem:s2] =	stream.indirect.scatter.add.f32 [tilespmem:s19], [sflag:$0x3], $0x20, s10, s17, $0xb8;
	[tilespmem:$0x1E300] =	vst v63  }
0xf9: {  	_ =	swait.ge [sflag:s15], $0x2000  }
0xfa: {  	[sflag:s15] =	ssyncset.done $0x0  }
0xfb: {  	s11 =	simm.s32 $0xB00;
	[sflag:s15] =	ssyncadd.s32 $0xFFFFE000  }
0xfc: {  	[tilespmem:s19], [sflag:$0x2] =	stream.indirect.gather [hbm4b:s4+s17], $0x20, s11, s17, $0xb8;
	[tilespmem:$0x1E300] =	vst v63  }
0xfd: {  	_ =	swait.ge [sflag:s20], $0x2000  }
0xfe: {  	[sflag:s20] =	ssyncset.done $0x0  }
0xff: {  	s14 =	simm.s32 $0x1800;
	[sflag:s20] =	ssyncadd.s32 $0xFFFFE000  }
0x100: {  	[spmem:s2] =	stream.indirect.scatter.add.f32 [tilespmem:s18], [sflag:$0x3], $0x20, s14, s17, $0xb8;
	[tilespmem:$0x1E300] =	vst v63  }
0x101: {  	_ =	swait.ge [sflag:s15], $0x2000  }
0x102: {  	[sflag:s15] =	ssyncset.done $0x0  }
0x103: {  	s21 =	simm.s32 $0xC00;
	[sflag:s15] =	ssyncadd.s32 $0xFFFFE000  }
0x104: {  	[tilespmem:s18], [sflag:$0x1] =	stream.indirect.gather [hbm4b:s4+s17], $0x20, s21, s17, $0xb8;
	[tilespmem:$0x1E300] =	vst v63  }
0x105: {  	_ =	swait.ge [sflag:s22], $0x2000  }
0x106: {  	[sflag:s22] =	ssyncset.done $0x0  }
0x107: {  	s23 =	simm.s32 $0x1900;
	[sflag:s22] =	ssyncadd.s32 $0xFFFFE000  }
0x108: {  	[spmem:s2] =	stream.indirect.scatter.add.f32 [tilespmem:s19], [sflag:$0x3], $0x20, s23, s17, $0xb8;
	[tilespmem:$0x1E300] =	vst v63  }
0x109: {  	_ =	swait.ge [sflag:s15], $0x2000  }
0x10a: {  	[sflag:s15] =	ssyncset.done $0x0  }
0x10b: {  	s24 =	simm.s32 $0xD00;
	[sflag:s15] =	ssyncadd.s32 $0xFFFFE000  }
0x10c: {  	[tilespmem:s19], [sflag:$0x2] =	stream.indirect.gather [hbm4b:s4+s17], $0x20, s24, s17, $0xb8;
	[tilespmem:$0x1E300] =	vst v63  }
0x10d: {  	_ =	swait.ge [sflag:s20], $0x2000  }
0x10e: {  	[sflag:s20] =	ssyncset.done $0x0  }
0x10f: {  	s25 =	simm.s32 $0x1A00;
	[sflag:s20] =	ssyncadd.s32 $0xFFFFE000  }
0x110: {  	[spmem:s2] =	stream.indirect.scatter.add.f32 [tilespmem:s18], [sflag:$0x3], $0x20, s25, s17, $0xb8;
	[tilespmem:$0x1E300] =	vst v63  }
0x111: {  	s30 =	simm.s32 $0x1C0;
	s31 =	simm.s32 $0x380;
	_ =	swait.ge [sflag:s15], $0x2000  }
0x112: {  	s6 =	simm.s32 $0x300;
	s26 =	simm.s32 $0x1B00;
	[sflag:s15] =	ssyncset.done $0x0  }
0x113: {  	s28 =	simm.s32 $0x800;
	s29 =	simm.s32 $0x1500;
	[sflag:s15] =	ssyncadd.s32 $0xFFFFE000  }
0x114: {  	s8 =	simm.s32 $0xF00;
	s9 =	simm.s32 $0x1100;
	_ =	swait.ge [sflag:s22], $0x2000  }
0x115: {  	s10 =	simm.s32 $0x1000;
	s11 =	simm.s32 $0x400;
	[sflag:s22] =	ssyncset.done $0x0  }
0x116: {  	s14 =	simm.s32 $0x500;
	s21 =	simm.s32 $0x1200;
	[sflag:s22] =	ssyncadd.s32 $0xFFFFE000  }
0x117: {  	[spmem:s2] =	stream.indirect.scatter.add.f32 [tilespmem:s19], [sflag:$0x3], $0x20, s26, s17, $0xb8;
	[tilespmem:$0x1E300] =	vst v63  }
0x118: {  	s23 =	simm.s32 $0x600;
	s24 =	simm.s32 $0x1300;
	_ =	swait.ge [sflag:s15], $0x2000  }
0x119: {  	s25 =	simm.s32 $0x700;
	s26 =	simm.s32 $0x1400;
	[sflag:s15] =	ssyncset.done $0x0  }
.LBB2_3:
0x11a: {  	s1 =	sadd.s32 s30, s13  }
0x11b: {  	[sflag:s15] =	ssyncadd.s32 $0xFFFFE000;
	s7 =	smov.u32 s31;
	s0 =	sadd.s32 $0x1C0, s31  }
0x11c: {  	[tilespmem:s3], [sflag:$0x3] =	stream.linear.gather [hbm4b:s1+s3], $0xE00, $0x38;
	[tilespmem:$0x1E300] =	vst v63  }
0x11d: {  	p1 =	seq.s32 s31, $0x16C0;
	_ =	swait.ge [sflag:s15], $0xE00  }
0x11e: {  	s1 =	sadd.s32 s30, s12;
	[sflag:s15] =	ssyncset.done $0x0  }
0x11f: {  	s30 =	smov.u32 s7;
	s7 =	simm.s32 $0x200;
	[sflag:s15] =	ssyncadd.s32 $0xFFFFF200  }
0x120: {  	[tilespmem:s16], [sflag:$0x3] =	stream.linear.gather [hbm4b:s1+s3], $0xE00, $0x38;
	[tilespmem:$0x1E300] =	vst v63  }
0x121: {  	s1 =	simm.s32 $0x1600  }
0x122: {  	_ =	swait.ge [sflag:s15], $0xE00  }
0x123: {  	[sflag:s15] =	ssyncset.done $0x0  }
0x124: {  	[sflag:s15] =	ssyncadd.s32 $0xFFFFF200  }
0x125: {  	[tilespmem:s18], [sflag:$0x1] =	stream.indirect.gather [hbm4b:s4+s17], $0x20, s3, s17, $0xb8;
	[tilespmem:$0x1E300] =	vst v63  }
0x126: {  	_ = 	snop  }
0x127: {  	[tilespmem:s19], [sflag:$0x2] =	stream.indirect.gather [hbm4b:s4+s17], $0x20, s17, s17, $0xb8;
	[tilespmem:$0x1E300] =	vst v63  }
0x128: {  	_ =	swait.ge [sflag:s20], $0x2000  }
0x129: {  	[sflag:s20] =	ssyncset.done $0x0  }
0x12a: {  	[sflag:s20] =	ssyncadd.s32 $0xFFFFE000  }
0x12b: {  	[spmem:s2] =	stream.indirect.scatter.add.f32 [tilespmem:s18], [sflag:$0x3], $0x20, s16, s17, $0xb8;
	[tilespmem:$0x1E300] =	vst v63  }
0x12c: {  	_ =	swait.ge [sflag:s15], $0x2000  }
0x12d: {  	[sflag:s15] =	ssyncset.done $0x0  }
0x12e: {  	[sflag:s15] =	ssyncadd.s32 $0xFFFFE000  }
0x12f: {  	[tilespmem:s18], [sflag:$0x1] =	stream.indirect.gather [hbm4b:s4+s17], $0x20, s7, s17, $0xb8;
	[tilespmem:$0x1E300] =	vst v63  }
0x130: {  	_ =	swait.ge [sflag:s22], $0x2000  }
0x131: {  	[sflag:s22] =	ssyncset.done $0x0  }
0x132: {  	[sflag:s22] =	ssyncadd.s32 $0xFFFFE000  }
0x133: {  	[spmem:s2] =	stream.indirect.scatter.add.f32 [tilespmem:s19], [sflag:$0x3], $0x20, s8, s17, $0xb8;
	[tilespmem:$0x1E300] =	vst v63  }
0x134: {  	_ =	swait.ge [sflag:s15], $0x2000  }
0x135: {  	[sflag:s15] =	ssyncset.done $0x0  }
0x136: {  	[sflag:s15] =	ssyncadd.s32 $0xFFFFE000  }
0x137: {  	[tilespmem:s19], [sflag:$0x2] =	stream.indirect.gather [hbm4b:s4+s17], $0x20, s6, s17, $0xb8;
	[tilespmem:$0x1E300] =	vst v63  }
0x138: {  	_ =	swait.ge [sflag:s20], $0x2000  }
0x139: {  	[sflag:s20] =	ssyncset.done $0x0  }
0x13a: {  	[sflag:s20] =	ssyncadd.s32 $0xFFFFE000  }
0x13b: {  	[spmem:s2] =	stream.indirect.scatter.add.f32 [tilespmem:s18], [sflag:$0x3], $0x20, s10, s17, $0xb8;
	[tilespmem:$0x1E300] =	vst v63  }
0x13c: {  	_ =	swait.ge [sflag:s15], $0x2000  }
0x13d: {  	[sflag:s15] =	ssyncset.done $0x0  }
0x13e: {  	[sflag:s15] =	ssyncadd.s32 $0xFFFFE000  }
0x13f: {  	[tilespmem:s18], [sflag:$0x1] =	stream.indirect.gather [hbm4b:s4+s17], $0x20, s11, s17, $0xb8;
	[tilespmem:$0x1E300] =	vst v63  }
0x140: {  	_ =	swait.ge [sflag:s22], $0x2000  }
0x141: {  	[sflag:s22] =	ssyncset.done $0x0  }
0x142: {  	[sflag:s22] =	ssyncadd.s32 $0xFFFFE000  }
0x143: {  	[spmem:s2] =	stream.indirect.scatter.add.f32 [tilespmem:s19], [sflag:$0x3], $0x20, s9, s17, $0xb8;
	[tilespmem:$0x1E300] =	vst v63  }
0x144: {  	_ =	swait.ge [sflag:s15], $0x2000  }
0x145: {  	[sflag:s15] =	ssyncset.done $0x0  }
0x146: {  	[sflag:s15] =	ssyncadd.s32 $0xFFFFE000  }
0x147: {  	[tilespmem:s19], [sflag:$0x2] =	stream.indirect.gather [hbm4b:s4+s17], $0x20, s14, s17, $0xb8;
	[tilespmem:$0x1E300] =	vst v63  }
0x148: {  	_ =	swait.ge [sflag:s20], $0x2000  }
0x149: {  	[sflag:s20] =	ssyncset.done $0x0  }
0x14a: {  	[sflag:s20] =	ssyncadd.s32 $0xFFFFE000  }
0x14b: {  	[spmem:s2] =	stream.indirect.scatter.add.f32 [tilespmem:s18], [sflag:$0x3], $0x20, s21, s17, $0xb8;
	[tilespmem:$0x1E300] =	vst v63  }
0x14c: {  	_ =	swait.ge [sflag:s15], $0x2000  }
0x14d: {  	[sflag:s15] =	ssyncset.done $0x0  }
0x14e: {  	[sflag:s15] =	ssyncadd.s32 $0xFFFFE000  }
0x14f: {  	[tilespmem:s18], [sflag:$0x1] =	stream.indirect.gather [hbm4b:s4+s17], $0x20, s23, s17, $0xb8;
	[tilespmem:$0x1E300] =	vst v63  }
0x150: {  	_ =	swait.ge [sflag:s22], $0x2000  }
0x151: {  	[sflag:s22] =	ssyncset.done $0x0  }
0x152: {  	[sflag:s22] =	ssyncadd.s32 $0xFFFFE000  }
0x153: {  	[spmem:s2] =	stream.indirect.scatter.add.f32 [tilespmem:s19], [sflag:$0x3], $0x20, s24, s17, $0xb8;
	[tilespmem:$0x1E300] =	vst v63  }
0x154: {  	_ =	swait.ge [sflag:s15], $0x2000  }
0x155: {  	[sflag:s15] =	ssyncset.done $0x0  }
0x156: {  	[sflag:s15] =	ssyncadd.s32 $0xFFFFE000  }
0x157: {  	[tilespmem:s19], [sflag:$0x2] =	stream.indirect.gather [hbm4b:s4+s17], $0x20, s25, s17, $0xb8;
	[tilespmem:$0x1E300] =	vst v63  }
0x158: {  	_ =	swait.ge [sflag:s20], $0x2000  }
0x159: {  	[sflag:s20] =	ssyncset.done $0x0  }
0x15a: {  	[sflag:s20] =	ssyncadd.s32 $0xFFFFE000  }
0x15b: {  	[spmem:s2] =	stream.indirect.scatter.add.f32 [tilespmem:s18], [sflag:$0x3], $0x20, s26, s17, $0xb8;
	[tilespmem:$0x1E300] =	vst v63  }
0x15c: {  	_ =	swait.ge [sflag:s15], $0x2000  }
0x15d: {  	[sflag:s15] =	ssyncset.done $0x0  }
0x15e: {  	[sflag:s15] =	ssyncadd.s32 $0xFFFFE000  }
0x15f: {  	[tilespmem:s18], [sflag:$0x1] =	stream.indirect.gather [hbm4b:s4+s17], $0x20, s28, s17, $0xb8;
	[tilespmem:$0x1E300] =	vst v63  }
0x160: {  	_ =	swait.ge [sflag:s22], $0x2000  }
0x161: {  	[sflag:s22] =	ssyncset.done $0x0  }
0x162: {  	[sflag:s22] =	ssyncadd.s32 $0xFFFFE000  }
0x163: {  	[spmem:s2] =	stream.indirect.scatter.add.f32 [tilespmem:s19], [sflag:$0x3], $0x20, s29, s17, $0xb8;
	[tilespmem:$0x1E300] =	vst v63  }
0x164: {  	_ =	swait.ge [sflag:s15], $0x2000  }
0x165: {  	[sflag:s15] =	ssyncset.done $0x0  }
0x166: {  	s31 =	simm.s32 $0x900;
	[sflag:s15] =	ssyncadd.s32 $0xFFFFE000  }
0x167: {  	[tilespmem:s19], [sflag:$0x2] =	stream.indirect.gather [hbm4b:s4+s17], $0x20, s31, s17, $0xb8;
	[tilespmem:$0x1E300] =	vst v63  }
0x168: {  	_ =	swait.ge [sflag:s20], $0x2000  }
0x169: {  	[sflag:s20] =	ssyncset.done $0x0  }
0x16a: {  	[sflag:s20] =	ssyncadd.s32 $0xFFFFE000  }
0x16b: {  	[spmem:s2] =	stream.indirect.scatter.add.f32 [tilespmem:s18], [sflag:$0x3], $0x20, s1, s17, $0xb8;
	[tilespmem:$0x1E300] =	vst v63  }
0x16c: {  	_ =	swait.ge [sflag:s15], $0x2000  }
0x16d: {  	[sflag:s15] =	ssyncset.done $0x0  }
0x16e: {  	s31 =	simm.s32 $0xA00;
	[sflag:s15] =	ssyncadd.s32 $0xFFFFE000  }
0x16f: {  	[tilespmem:s18], [sflag:$0x1] =	stream.indirect.gather [hbm4b:s4+s17], $0x20, s31, s17, $0xb8;
	[tilespmem:$0x1E300] =	vst v63  }
0x170: {  	_ =	swait.ge [sflag:s22], $0x2000  }
0x171: {  	[sflag:s22] =	ssyncset.done $0x0  }
0x172: {  	s31 =	simm.s32 $0x1700;
	[sflag:s22] =	ssyncadd.s32 $0xFFFFE000  }
0x173: {  	[spmem:s2] =	stream.indirect.scatter.add.f32 [tilespmem:s19], [sflag:$0x3], $0x20, s31, s17, $0xb8;
	[tilespmem:$0x1E300] =	vst v63  }
0x174: {  	_ =	swait.ge [sflag:s15], $0x2000  }
0x175: {  	[sflag:s15] =	ssyncset.done $0x0  }
0x176: {  	s31 =	simm.s32 $0xB00;
	[sflag:s15] =	ssyncadd.s32 $0xFFFFE000  }
0x177: {  	[tilespmem:s19], [sflag:$0x2] =	stream.indirect.gather [hbm4b:s4+s17], $0x20, s31, s17, $0xb8;
	[tilespmem:$0x1E300] =	vst v63  }
0x178: {  	_ =	swait.ge [sflag:s20], $0x2000  }
0x179: {  	[sflag:s20] =	ssyncset.done $0x0  }
0x17a: {  	s31 =	simm.s32 $0x1800;
	[sflag:s20] =	ssyncadd.s32 $0xFFFFE000  }
0x17b: {  	[spmem:s2] =	stream.indirect.scatter.add.f32 [tilespmem:s18], [sflag:$0x3], $0x20, s31, s17, $0xb8;
	[tilespmem:$0x1E300] =	vst v63  }
0x17c: {  	_ =	swait.ge [sflag:s15], $0x2000  }
0x17d: {  	[sflag:s15] =	ssyncset.done $0x0  }
0x17e: {  	s31 =	simm.s32 $0xC00;
	[sflag:s15] =	ssyncadd.s32 $0xFFFFE000  }
0x17f: {  	[tilespmem:s18], [sflag:$0x1] =	stream.indirect.gather [hbm4b:s4+s17], $0x20, s31, s17, $0xb8;
	[tilespmem:$0x1E300] =	vst v63  }
0x180: {  	_ =	swait.ge [sflag:s22], $0x2000  }
0x181: {  	[sflag:s22] =	ssyncset.done $0x0  }
0x182: {  	s31 =	simm.s32 $0x1900;
	[sflag:s22] =	ssyncadd.s32 $0xFFFFE000  }
0x183: {  	[spmem:s2] =	stream.indirect.scatter.add.f32 [tilespmem:s19], [sflag:$0x3], $0x20, s31, s17, $0xb8;
	[tilespmem:$0x1E300] =	vst v63  }
0x184: {  	_ =	swait.ge [sflag:s15], $0x2000  }
0x185: {  	[sflag:s15] =	ssyncset.done $0x0  }
0x186: {  	s31 =	simm.s32 $0xD00;
	[sflag:s15] =	ssyncadd.s32 $0xFFFFE000  }
0x187: {  	[tilespmem:s19], [sflag:$0x2] =	stream.indirect.gather [hbm4b:s4+s17], $0x20, s31, s17, $0xb8;
	[tilespmem:$0x1E300] =	vst v63  }
0x188: {  	_ =	swait.ge [sflag:s20], $0x2000  }
0x189: {  	[sflag:s20] =	ssyncset.done $0x0  }
0x18a: {  	s31 =	simm.s32 $0x1A00;
	[sflag:s20] =	ssyncadd.s32 $0xFFFFE000  }
0x18b: {  	[spmem:s2] =	stream.indirect.scatter.add.f32 [tilespmem:s18], [sflag:$0x3], $0x20, s31, s17, $0xb8;
	[tilespmem:$0x1E300] =	vst v63  }
0x18c: {  	_ =	swait.ge [sflag:s15], $0x2000  }
0x18d: {  	[sflag:s15] =	ssyncset.done $0x0  }
0x18e: {  	[sflag:s15] =	ssyncadd.s32 $0xFFFFE000  }
0x18f: {  	_ =	swait.ge [sflag:s22], $0x2000  }
.Ltmp3:
0x190: {  	[sflag:s22] =	ssyncset.done $0x0;
	(pc) =	sbr.rel @!p1 .LBB2_3-.Ltmp3, $4  }
0x191: {  	s31 =	simm.s32 $0x1B00;
	[sflag:s22] =	ssyncadd.s32 $0xFFFFE000  }
0x192: {  	[spmem:s2] =	stream.indirect.scatter.add.f32 [tilespmem:s19], [sflag:$0x3], $0x20, s31, s17, $0xb8;
	[tilespmem:$0x1E300] =	vst v63  }
0x193: {  	_ =	swait.ge [sflag:s15], $0x2000  }
0x194: {  	s31 =	smov.u32 s0;
	[sflag:s15] =	ssyncset.done $0x0  }
0x195: {  	s0 =	sadd.s32 s30, s13;
	[sflag:s15] =	ssyncadd.s32 $0xFFFFE000  }
0x196: {  	[tilespmem:s3], [sflag:$0x3] =	stream.linear.gather [hbm4b:s0+s3], $0xE00, $0x38;
	[tilespmem:$0x1E300] =	vst v63  }
0x197: {  	_ =	swait.ge [sflag:s15], $0xE00  }
0x198: {  	[sflag:s15] =	ssyncset.done $0x0  }
0x199: {  	s30 =	sadd.s32 s30, s12;
	[sflag:s15] =	ssyncadd.s32 $0xFFFFF200  }
0x19a: {  	[tilespmem:s16], [sflag:$0x3] =	stream.linear.gather [hbm4b:s30+s3], $0xE00, $0x38;
	[tilespmem:$0x1E300] =	vst v63  }
0x19b: {  	_ =	swait.ge [sflag:s15], $0xE00  }
0x19c: {  	[sflag:s15] =	ssyncset.done $0x0  }
0x19d: {  	[sflag:s15] =	ssyncadd.s32 $0xFFFFF200  }
0x19e: {  	[tilespmem:s18], [sflag:$0x1] =	stream.indirect.gather [hbm4b:s4+s17], $0x20, s3, s17, $0xb8;
	[tilespmem:$0x1E300] =	vst v63  }
0x19f: {  	_ = 	snop  }
0x1a0: {  	[tilespmem:s19], [sflag:$0x2] =	stream.indirect.gather [hbm4b:s4+s17], $0x20, s17, s17, $0xb8;
	[tilespmem:$0x1E300] =	vst v63  }
0x1a1: {  	_ =	swait.ge [sflag:s20], $0x2000  }
0x1a2: {  	[sflag:s20] =	ssyncset.done $0x0  }
0x1a3: {  	[sflag:s20] =	ssyncadd.s32 $0xFFFFE000  }
0x1a4: {  	[spmem:s2] =	stream.indirect.scatter.add.f32 [tilespmem:s18], [sflag:$0x3], $0x20, s16, s17, $0xb8;
	[tilespmem:$0x1E300] =	vst v63  }
0x1a5: {  	_ =	swait.ge [sflag:s15], $0x2000  }
0x1a6: {  	[sflag:s15] =	ssyncset.done $0x0  }
0x1a7: {  	[sflag:s15] =	ssyncadd.s32 $0xFFFFE000  }
0x1a8: {  	[tilespmem:s18], [sflag:$0x1] =	stream.indirect.gather [hbm4b:s4+s17], $0x20, s7, s17, $0xb8;
	[tilespmem:$0x1E300] =	vst v63  }
0x1a9: {  	_ =	swait.ge [sflag:s22], $0x2000  }
0x1aa: {  	[sflag:s22] =	ssyncset.done $0x0  }
0x1ab: {  	[sflag:s22] =	ssyncadd.s32 $0xFFFFE000  }
0x1ac: {  	[spmem:s2] =	stream.indirect.scatter.add.f32 [tilespmem:s19], [sflag:$0x3], $0x20, s8, s17, $0xb8;
	[tilespmem:$0x1E300] =	vst v63  }
0x1ad: {  	_ =	swait.ge [sflag:s15], $0x2000  }
0x1ae: {  	[sflag:s15] =	ssyncset.done $0x0  }
0x1af: {  	[sflag:s15] =	ssyncadd.s32 $0xFFFFE000  }
0x1b0: {  	[tilespmem:s19], [sflag:$0x2] =	stream.indirect.gather [hbm4b:s4+s17], $0x20, s6, s17, $0xb8;
	[tilespmem:$0x1E300] =	vst v63  }
0x1b1: {  	_ =	swait.ge [sflag:s20], $0x2000  }
0x1b2: {  	[sflag:s20] =	ssyncset.done $0x0  }
0x1b3: {  	[sflag:s20] =	ssyncadd.s32 $0xFFFFE000  }
0x1b4: {  	[spmem:s2] =	stream.indirect.scatter.add.f32 [tilespmem:s18], [sflag:$0x3], $0x20, s10, s17, $0xb8;
	[tilespmem:$0x1E300] =	vst v63  }
0x1b5: {  	_ =	swait.ge [sflag:s15], $0x2000  }
0x1b6: {  	[sflag:s15] =	ssyncset.done $0x0  }
0x1b7: {  	[sflag:s15] =	ssyncadd.s32 $0xFFFFE000  }
0x1b8: {  	[tilespmem:s18], [sflag:$0x1] =	stream.indirect.gather [hbm4b:s4+s17], $0x20, s11, s17, $0xb8;
	[tilespmem:$0x1E300] =	vst v63  }
0x1b9: {  	_ =	swait.ge [sflag:s22], $0x2000  }
0x1ba: {  	[sflag:s22] =	ssyncset.done $0x0  }
0x1bb: {  	[sflag:s22] =	ssyncadd.s32 $0xFFFFE000  }
0x1bc: {  	[spmem:s2] =	stream.indirect.scatter.add.f32 [tilespmem:s19], [sflag:$0x3], $0x20, s9, s17, $0xb8;
	[tilespmem:$0x1E300] =	vst v63  }
0x1bd: {  	_ =	swait.ge [sflag:s15], $0x2000  }
0x1be: {  	[sflag:s15] =	ssyncset.done $0x0  }
0x1bf: {  	[sflag:s15] =	ssyncadd.s32 $0xFFFFE000  }
0x1c0: {  	[tilespmem:s19], [sflag:$0x2] =	stream.indirect.gather [hbm4b:s4+s17], $0x20, s14, s17, $0xb8;
	[tilespmem:$0x1E300] =	vst v63  }
0x1c1: {  	_ =	swait.ge [sflag:s20], $0x2000  }
0x1c2: {  	[sflag:s20] =	ssyncset.done $0x0  }
0x1c3: {  	[sflag:s20] =	ssyncadd.s32 $0xFFFFE000  }
0x1c4: {  	[spmem:s2] =	stream.indirect.scatter.add.f32 [tilespmem:s18], [sflag:$0x3], $0x20, s21, s17, $0xb8;
	[tilespmem:$0x1E300] =	vst v63  }
0x1c5: {  	_ =	swait.ge [sflag:s15], $0x2000  }
0x1c6: {  	[sflag:s15] =	ssyncset.done $0x0  }
0x1c7: {  	[sflag:s15] =	ssyncadd.s32 $0xFFFFE000  }
0x1c8: {  	[tilespmem:s18], [sflag:$0x1] =	stream.indirect.gather [hbm4b:s4+s17], $0x20, s23, s17, $0xb8;
	[tilespmem:$0x1E300] =	vst v63  }
0x1c9: {  	_ =	swait.ge [sflag:s22], $0x2000  }
0x1ca: {  	[sflag:s22] =	ssyncset.done $0x0  }
0x1cb: {  	[sflag:s22] =	ssyncadd.s32 $0xFFFFE000  }
0x1cc: {  	[spmem:s2] =	stream.indirect.scatter.add.f32 [tilespmem:s19], [sflag:$0x3], $0x20, s24, s17, $0xb8;
	[tilespmem:$0x1E300] =	vst v63  }
0x1cd: {  	_ =	swait.ge [sflag:s15], $0x2000  }
0x1ce: {  	[sflag:s15] =	ssyncset.done $0x0  }
0x1cf: {  	[sflag:s15] =	ssyncadd.s32 $0xFFFFE000  }
0x1d0: {  	[tilespmem:s19], [sflag:$0x2] =	stream.indirect.gather [hbm4b:s4+s17], $0x20, s25, s17, $0xb8;
	[tilespmem:$0x1E300] =	vst v63  }
0x1d1: {  	_ =	swait.ge [sflag:s20], $0x2000  }
0x1d2: {  	[sflag:s20] =	ssyncset.done $0x0  }
0x1d3: {  	[sflag:s20] =	ssyncadd.s32 $0xFFFFE000  }
0x1d4: {  	[spmem:s2] =	stream.indirect.scatter.add.f32 [tilespmem:s18], [sflag:$0x3], $0x20, s26, s17, $0xb8;
	[tilespmem:$0x1E300] =	vst v63  }
0x1d5: {  	_ =	swait.ge [sflag:s15], $0x2000  }
0x1d6: {  	[sflag:s15] =	ssyncset.done $0x0  }
0x1d7: {  	[sflag:s15] =	ssyncadd.s32 $0xFFFFE000  }
0x1d8: {  	[tilespmem:s18], [sflag:$0x1] =	stream.indirect.gather [hbm4b:s4+s17], $0x20, s28, s17, $0xb8;
	[tilespmem:$0x1E300] =	vst v63  }
0x1d9: {  	_ =	swait.ge [sflag:s22], $0x2000  }
0x1da: {  	[sflag:s22] =	ssyncset.done $0x0  }
0x1db: {  	[sflag:s22] =	ssyncadd.s32 $0xFFFFE000  }
0x1dc: {  	[spmem:s2] =	stream.indirect.scatter.add.f32 [tilespmem:s19], [sflag:$0x3], $0x20, s29, s17, $0xb8;
	[tilespmem:$0x1E300] =	vst v63  }
0x1dd: {  	_ =	swait.ge [sflag:s15], $0x2000  }
0x1de: {  	[sflag:s15] =	ssyncset.done $0x0  }
0x1df: {  	s9 =	simm.s32 $0x900;
	[sflag:s15] =	ssyncadd.s32 $0xFFFFE000  }
0x1e0: {  	[tilespmem:s19], [sflag:$0x2] =	stream.indirect.gather [hbm4b:s4+s17], $0x20, s9, s17, $0xb8;
	[tilespmem:$0x1E300] =	vst v63  }
0x1e1: {  	_ =	swait.ge [sflag:s20], $0x2000  }
0x1e2: {  	[sflag:s20] =	ssyncset.done $0x0  }
0x1e3: {  	[sflag:s20] =	ssyncadd.s32 $0xFFFFE000  }
0x1e4: {  	[spmem:s2] =	stream.indirect.scatter.add.f32 [tilespmem:s18], [sflag:$0x3], $0x20, s1, s17, $0xb8;
	[tilespmem:$0x1E300] =	vst v63  }
0x1e5: {  	_ =	swait.ge [sflag:s15], $0x2000  }
0x1e6: {  	[sflag:s15] =	ssyncset.done $0x0  }
0x1e7: {  	s10 =	simm.s32 $0xA00;
	[sflag:s15] =	ssyncadd.s32 $0xFFFFE000  }
0x1e8: {  	[tilespmem:s18], [sflag:$0x1] =	stream.indirect.gather [hbm4b:s4+s17], $0x20, s10, s17, $0xb8;
	[tilespmem:$0x1E300] =	vst v63  }
0x1e9: {  	_ =	swait.ge [sflag:s22], $0x2000  }
0x1ea: {  	[sflag:s22] =	ssyncset.done $0x0  }
0x1eb: {  	s11 =	simm.s32 $0x1700;
	[sflag:s22] =	ssyncadd.s32 $0xFFFFE000  }
0x1ec: {  	[spmem:s2] =	stream.indirect.scatter.add.f32 [tilespmem:s19], [sflag:$0x3], $0x20, s11, s17, $0xb8;
	[tilespmem:$0x1E300] =	vst v63  }
0x1ed: {  	_ =	swait.ge [sflag:s15], $0x2000  }
0x1ee: {  	[sflag:s15] =	ssyncset.done $0x0  }
0x1ef: {  	s14 =	simm.s32 $0xB00;
	[sflag:s15] =	ssyncadd.s32 $0xFFFFE000  }
0x1f0: {  	[tilespmem:s19], [sflag:$0x2] =	stream.indirect.gather [hbm4b:s4+s17], $0x20, s14, s17, $0xb8;
	[tilespmem:$0x1E300] =	vst v63  }
0x1f1: {  	_ =	swait.ge [sflag:s20], $0x2000  }
0x1f2: {  	[sflag:s20] =	ssyncset.done $0x0  }
0x1f3: {  	s21 =	simm.s32 $0x1800;
	[sflag:s20] =	ssyncadd.s32 $0xFFFFE000  }
0x1f4: {  	[spmem:s2] =	stream.indirect.scatter.add.f32 [tilespmem:s18], [sflag:$0x3], $0x20, s21, s17, $0xb8;
	[tilespmem:$0x1E300] =	vst v63  }
0x1f5: {  	_ =	swait.ge [sflag:s15], $0x2000  }
0x1f6: {  	[sflag:s15] =	ssyncset.done $0x0  }
0x1f7: {  	s23 =	simm.s32 $0xC00;
	[sflag:s15] =	ssyncadd.s32 $0xFFFFE000  }
0x1f8: {  	[tilespmem:s18], [sflag:$0x1] =	stream.indirect.gather [hbm4b:s4+s17], $0x20, s23, s17, $0xb8;
	[tilespmem:$0x1E300] =	vst v63  }
0x1f9: {  	_ =	swait.ge [sflag:s22], $0x2000  }
0x1fa: {  	[sflag:s22] =	ssyncset.done $0x0  }
0x1fb: {  	s24 =	simm.s32 $0x1900;
	[sflag:s22] =	ssyncadd.s32 $0xFFFFE000  }
0x1fc: {  	[spmem:s2] =	stream.indirect.scatter.add.f32 [tilespmem:s19], [sflag:$0x3], $0x20, s24, s17, $0xb8;
	[tilespmem:$0x1E300] =	vst v63  }
0x1fd: {  	_ =	swait.ge [sflag:s15], $0x2000  }
0x1fe: {  	[sflag:s15] =	ssyncset.done $0x0  }
0x1ff: {  	s25 =	simm.s32 $0xD00;
	[sflag:s15] =	ssyncadd.s32 $0xFFFFE000  }
0x200: {  	[tilespmem:s19], [sflag:$0x2] =	stream.indirect.gather [hbm4b:s4+s17], $0x20, s25, s17, $0xb8;
	[tilespmem:$0x1E300] =	vst v63  }
0x201: {  	_ =	swait.ge [sflag:s20], $0x2000  }
0x202: {  	[sflag:s20] =	ssyncset.done $0x0  }
0x203: {  	s26 =	simm.s32 $0x1A00;
	[sflag:s20] =	ssyncadd.s32 $0xFFFFE000  }
0x204: {  	[spmem:s2] =	stream.indirect.scatter.add.f32 [tilespmem:s18], [sflag:$0x3], $0x20, s26, s17, $0xb8;
	[tilespmem:$0x1E300] =	vst v63  }
0x205: {  	s30 =	simm.s32 $0x1B00;
	_ =	swait.ge [sflag:s15], $0x2000  }
0x206: {  	s8 =	simm.s32 $0xF00;
	s6 =	simm.s32 $0x300;
	[sflag:s15] =	ssyncset.done $0x0  }
0x207: {  	s28 =	simm.s32 $0x800;
	s29 =	simm.s32 $0x1500;
	[sflag:s15] =	ssyncadd.s32 $0xFFFFE000  }
0x208: {  	s9 =	simm.s32 $0x1100;
	s10 =	simm.s32 $0x1000;
	_ =	swait.ge [sflag:s22], $0x2000  }
0x209: {  	s11 =	simm.s32 $0x400;
	s14 =	simm.s32 $0x500;
	[sflag:s22] =	ssyncset.done $0x0  }
.Ltmp4:
0x20a: {  	s21 =	simm.s32 $0x1200;
	[sflag:s22] =	ssyncadd.s32 $0xFFFFE000;
	(pc) =	sbr.rel .LBB2_8-.Ltmp4, $4  }
0x20b: {  	[spmem:s2] =	stream.indirect.scatter.add.f32 [tilespmem:s19], [sflag:$0x3], $0x20, s30, s17, $0xb8;
	[tilespmem:$0x1E300] =	vst v63  }
0x20c: {  	s23 =	simm.s32 $0x600;
	s24 =	simm.s32 $0x1300;
	_ =	swait.ge [sflag:s15], $0x2000  }
0x20d: {  	s25 =	simm.s32 $0x700;
	[sflag:s15] =	ssyncset.done $0x0;
	s0 =	rddreg [dreg:$0x4]  }
0x20e: {  	s26 =	simm.s32 $0x1400;
	s31 =	rddreg [dreg:$0xa];
	[sflag:s15] =	ssyncadd.s32 $0xFFFFE000  }
.LBB2_5:
0x20f: {  	[tilespmem:s3], [sflag:$0x3] =	stream.linear.gather [hbm4b:s0+s3], $0xE00, $0x38;
	[tilespmem:$0x1E300] =	vst v63  }
0x210: {  	_ =	swait.ge [sflag:s15], $0xE00  }
0x211: {  	[sflag:s15] =	ssyncset.done $0x0  }
0x212: {  	s1 =	sadd.s32 $0x0, s12;
	[sflag:s15] =	ssyncadd.s32 $0xFFFFF200  }
0x213: {  	[tilespmem:s16], [sflag:$0x3] =	stream.linear.gather [hbm4b:s1+s3], $0xE00, $0x38;
	[tilespmem:$0x1E300] =	vst v63  }
0x214: {  	_ =	swait.ge [sflag:s15], $0xE00  }
0x215: {  	[sflag:s15] =	ssyncset.done $0x0  }
0x216: {  	[sflag:s15] =	ssyncadd.s32 $0xFFFFF200  }
0x217: {  	[tilespmem:s18], [sflag:$0x1] =	stream.indirect.gather [hbm4b:s5+s17], $0x20, s3, s17, $0xb8;
	[tilespmem:$0x1E300] =	vst v63  }
0x218: {  	_ = 	snop  }
0x219: {  	[tilespmem:s19], [sflag:$0x2] =	stream.indirect.gather [hbm4b:s5+s17], $0x20, s17, s17, $0xb8;
	[tilespmem:$0x1E300] =	vst v63  }
0x21a: {  	_ =	swait.ge [sflag:s20], $0x2000  }
0x21b: {  	[sflag:s20] =	ssyncset.done $0x0  }
0x21c: {  	[sflag:s20] =	ssyncadd.s32 $0xFFFFE000  }
0x21d: {  	[spmem:s2] =	stream.indirect.scatter.add.f32 [tilespmem:s18], [sflag:$0x3], $0x20, s16, s17, $0xb8;
	[tilespmem:$0x1E300] =	vst v63  }
0x21e: {  	_ =	swait.ge [sflag:s15], $0x2000  }
0x21f: {  	[sflag:s15] =	ssyncset.done $0x0  }
0x220: {  	[sflag:s15] =	ssyncadd.s32 $0xFFFFE000  }
0x221: {  	[tilespmem:s18], [sflag:$0x1] =	stream.indirect.gather [hbm4b:s5+s17], $0x20, s7, s17, $0xb8;
	[tilespmem:$0x1E300] =	vst v63  }
0x222: {  	_ =	swait.ge [sflag:s22], $0x2000  }
0x223: {  	[sflag:s22] =	ssyncset.done $0x0  }
0x224: {  	[sflag:s22] =	ssyncadd.s32 $0xFFFFE000  }
0x225: {  	[spmem:s2] =	stream.indirect.scatter.add.f32 [tilespmem:s19], [sflag:$0x3], $0x20, s8, s17, $0xb8;
	[tilespmem:$0x1E300] =	vst v63  }
0x226: {  	_ =	swait.ge [sflag:s15], $0x2000  }
0x227: {  	[sflag:s15] =	ssyncset.done $0x0  }
0x228: {  	[sflag:s15] =	ssyncadd.s32 $0xFFFFE000  }
0x229: {  	[tilespmem:s19], [sflag:$0x2] =	stream.indirect.gather [hbm4b:s5+s17], $0x20, s6, s17, $0xb8;
	[tilespmem:$0x1E300] =	vst v63  }
0x22a: {  	_ =	swait.ge [sflag:s20], $0x2000  }
0x22b: {  	[sflag:s20] =	ssyncset.done $0x0  }
0x22c: {  	[sflag:s20] =	ssyncadd.s32 $0xFFFFE000  }
0x22d: {  	[spmem:s2] =	stream.indirect.scatter.add.f32 [tilespmem:s18], [sflag:$0x3], $0x20, s10, s17, $0xb8;
	[tilespmem:$0x1E300] =	vst v63  }
0x22e: {  	_ =	swait.ge [sflag:s15], $0x2000  }
0x22f: {  	[sflag:s15] =	ssyncset.done $0x0  }
0x230: {  	[sflag:s15] =	ssyncadd.s32 $0xFFFFE000  }
0x231: {  	[tilespmem:s18], [sflag:$0x1] =	stream.indirect.gather [hbm4b:s5+s17], $0x20, s11, s17, $0xb8;
	[tilespmem:$0x1E300] =	vst v63  }
0x232: {  	_ =	swait.ge [sflag:s22], $0x2000  }
0x233: {  	[sflag:s22] =	ssyncset.done $0x0  }
0x234: {  	[sflag:s22] =	ssyncadd.s32 $0xFFFFE000  }
0x235: {  	[spmem:s2] =	stream.indirect.scatter.add.f32 [tilespmem:s19], [sflag:$0x3], $0x20, s9, s17, $0xb8;
	[tilespmem:$0x1E300] =	vst v63  }
0x236: {  	_ =	swait.ge [sflag:s15], $0x2000  }
0x237: {  	[sflag:s15] =	ssyncset.done $0x0  }
0x238: {  	[sflag:s15] =	ssyncadd.s32 $0xFFFFE000  }
0x239: {  	[tilespmem:s19], [sflag:$0x2] =	stream.indirect.gather [hbm4b:s5+s17], $0x20, s14, s17, $0xb8;
	[tilespmem:$0x1E300] =	vst v63  }
0x23a: {  	_ =	swait.ge [sflag:s20], $0x2000  }
0x23b: {  	[sflag:s20] =	ssyncset.done $0x0  }
0x23c: {  	[sflag:s20] =	ssyncadd.s32 $0xFFFFE000  }
0x23d: {  	[spmem:s2] =	stream.indirect.scatter.add.f32 [tilespmem:s18], [sflag:$0x3], $0x20, s21, s17, $0xb8;
	[tilespmem:$0x1E300] =	vst v63  }
0x23e: {  	_ =	swait.ge [sflag:s15], $0x2000  }
0x23f: {  	[sflag:s15] =	ssyncset.done $0x0  }
0x240: {  	[sflag:s15] =	ssyncadd.s32 $0xFFFFE000  }
0x241: {  	[tilespmem:s18], [sflag:$0x1] =	stream.indirect.gather [hbm4b:s5+s17], $0x20, s23, s17, $0xb8;
	[tilespmem:$0x1E300] =	vst v63  }
0x242: {  	_ =	swait.ge [sflag:s22], $0x2000  }
0x243: {  	[sflag:s22] =	ssyncset.done $0x0  }
0x244: {  	[sflag:s22] =	ssyncadd.s32 $0xFFFFE000  }
0x245: {  	[spmem:s2] =	stream.indirect.scatter.add.f32 [tilespmem:s19], [sflag:$0x3], $0x20, s24, s17, $0xb8;
	[tilespmem:$0x1E300] =	vst v63  }
0x246: {  	_ =	swait.ge [sflag:s15], $0x2000  }
0x247: {  	[sflag:s15] =	ssyncset.done $0x0  }
0x248: {  	[sflag:s15] =	ssyncadd.s32 $0xFFFFE000  }
0x249: {  	[tilespmem:s19], [sflag:$0x2] =	stream.indirect.gather [hbm4b:s5+s17], $0x20, s25, s17, $0xb8;
	[tilespmem:$0x1E300] =	vst v63  }
0x24a: {  	_ =	swait.ge [sflag:s20], $0x2000  }
0x24b: {  	[sflag:s20] =	ssyncset.done $0x0  }
0x24c: {  	[sflag:s20] =	ssyncadd.s32 $0xFFFFE000  }
0x24d: {  	[spmem:s2] =	stream.indirect.scatter.add.f32 [tilespmem:s18], [sflag:$0x3], $0x20, s26, s17, $0xb8;
	[tilespmem:$0x1E300] =	vst v63  }
0x24e: {  	_ =	swait.ge [sflag:s15], $0x2000  }
0x24f: {  	[sflag:s15] =	ssyncset.done $0x0  }
0x250: {  	[sflag:s15] =	ssyncadd.s32 $0xFFFFE000  }
0x251: {  	[tilespmem:s18], [sflag:$0x1] =	stream.indirect.gather [hbm4b:s5+s17], $0x20, s28, s17, $0xb8;
	[tilespmem:$0x1E300] =	vst v63  }
0x252: {  	_ =	swait.ge [sflag:s22], $0x2000  }
0x253: {  	[sflag:s22] =	ssyncset.done $0x0  }
0x254: {  	[sflag:s22] =	ssyncadd.s32 $0xFFFFE000  }
0x255: {  	[spmem:s2] =	stream.indirect.scatter.add.f32 [tilespmem:s19], [sflag:$0x3], $0x20, s29, s17, $0xb8;
	[tilespmem:$0x1E300] =	vst v63  }
0x256: {  	_ =	swait.ge [sflag:s15], $0x2000  }
0x257: {  	[sflag:s15] =	ssyncset.done $0x0  }
0x258: {  	s8 =	simm.s32 $0x900;
	[sflag:s15] =	ssyncadd.s32 $0xFFFFE000  }
0x259: {  	[tilespmem:s19], [sflag:$0x2] =	stream.indirect.gather [hbm4b:s5+s17], $0x20, s8, s17, $0xb8;
	[tilespmem:$0x1E300] =	vst v63  }
0x25a: {  	_ =	swait.ge [sflag:s20], $0x2000  }
0x25b: {  	[sflag:s20] =	ssyncset.done $0x0  }
0x25c: {  	s9 =	simm.s32 $0x1600;
	[sflag:s20] =	ssyncadd.s32 $0xFFFFE000  }
0x25d: {  	[spmem:s2] =	stream.indirect.scatter.add.f32 [tilespmem:s18], [sflag:$0x3], $0x20, s9, s17, $0xb8;
	[tilespmem:$0x1E300] =	vst v63  }
0x25e: {  	_ =	swait.ge [sflag:s15], $0x2000  }
0x25f: {  	[sflag:s15] =	ssyncset.done $0x0  }
0x260: {  	s10 =	simm.s32 $0xA00;
	[sflag:s15] =	ssyncadd.s32 $0xFFFFE000  }
0x261: {  	[tilespmem:s18], [sflag:$0x1] =	stream.indirect.gather [hbm4b:s5+s17], $0x20, s10, s17, $0xb8;
	[tilespmem:$0x1E300] =	vst v63  }
0x262: {  	_ =	swait.ge [sflag:s22], $0x2000  }
0x263: {  	[sflag:s22] =	ssyncset.done $0x0  }
0x264: {  	s11 =	simm.s32 $0x1700;
	[sflag:s22] =	ssyncadd.s32 $0xFFFFE000  }
0x265: {  	[spmem:s2] =	stream.indirect.scatter.add.f32 [tilespmem:s19], [sflag:$0x3], $0x20, s11, s17, $0xb8;
	[tilespmem:$0x1E300] =	vst v63  }
0x266: {  	_ =	swait.ge [sflag:s15], $0x2000  }
0x267: {  	[sflag:s15] =	ssyncset.done $0x0  }
0x268: {  	s14 =	simm.s32 $0xB00;
	[sflag:s15] =	ssyncadd.s32 $0xFFFFE000  }
0x269: {  	[tilespmem:s19], [sflag:$0x2] =	stream.indirect.gather [hbm4b:s5+s17], $0x20, s14, s17, $0xb8;
	[tilespmem:$0x1E300] =	vst v63  }
0x26a: {  	_ =	swait.ge [sflag:s20], $0x2000  }
0x26b: {  	[sflag:s20] =	ssyncset.done $0x0  }
0x26c: {  	s21 =	simm.s32 $0x1800;
	[sflag:s20] =	ssyncadd.s32 $0xFFFFE000  }
0x26d: {  	[spmem:s2] =	stream.indirect.scatter.add.f32 [tilespmem:s18], [sflag:$0x3], $0x20, s21, s17, $0xb8;
	[tilespmem:$0x1E300] =	vst v63  }
0x26e: {  	_ =	swait.ge [sflag:s15], $0x2000  }
0x26f: {  	[sflag:s15] =	ssyncset.done $0x0  }
0x270: {  	s23 =	simm.s32 $0xC00;
	[sflag:s15] =	ssyncadd.s32 $0xFFFFE000  }
0x271: {  	[tilespmem:s18], [sflag:$0x1] =	stream.indirect.gather [hbm4b:s5+s17], $0x20, s23, s17, $0xb8;
	[tilespmem:$0x1E300] =	vst v63  }
0x272: {  	_ =	swait.ge [sflag:s22], $0x2000  }
0x273: {  	[sflag:s22] =	ssyncset.done $0x0  }
0x274: {  	s24 =	simm.s32 $0x1900;
	[sflag:s22] =	ssyncadd.s32 $0xFFFFE000  }
0x275: {  	[spmem:s2] =	stream.indirect.scatter.add.f32 [tilespmem:s19], [sflag:$0x3], $0x20, s24, s17, $0xb8;
	[tilespmem:$0x1E300] =	vst v63  }
0x276: {  	_ =	swait.ge [sflag:s15], $0x2000  }
0x277: {  	[sflag:s15] =	ssyncset.done $0x0  }
0x278: {  	s25 =	simm.s32 $0xD00;
	[sflag:s15] =	ssyncadd.s32 $0xFFFFE000  }
0x279: {  	[tilespmem:s19], [sflag:$0x2] =	stream.indirect.gather [hbm4b:s5+s17], $0x20, s25, s17, $0xb8;
	[tilespmem:$0x1E300] =	vst v63  }
0x27a: {  	_ =	swait.ge [sflag:s20], $0x2000  }
0x27b: {  	[sflag:s20] =	ssyncset.done $0x0  }
0x27c: {  	s26 =	simm.s32 $0x1A00;
	[sflag:s20] =	ssyncadd.s32 $0xFFFFE000  }
0x27d: {  	[spmem:s2] =	stream.indirect.scatter.add.f32 [tilespmem:s18], [sflag:$0x3], $0x20, s26, s17, $0xb8;
	[tilespmem:$0x1E300] =	vst v63  }
0x27e: {  	s31 =	simm.s32 $0x1B00;
	s30 =	simm.s32 $0x1C0;
	_ =	swait.ge [sflag:s15], $0x2000  }
0x27f: {  	s0 =	simm.s32 $0x380;
	s6 =	simm.s32 $0x300;
	[sflag:s15] =	ssyncset.done $0x0  }
0x280: {  	s28 =	simm.s32 $0x800;
	s29 =	simm.s32 $0x1500;
	[sflag:s15] =	ssyncadd.s32 $0xFFFFE000  }
0x281: {  	s8 =	simm.s32 $0xF00;
	s9 =	simm.s32 $0x1100;
	_ =	swait.ge [sflag:s22], $0x2000  }
0x282: {  	s10 =	simm.s32 $0x1000;
	s11 =	simm.s32 $0x400;
	[sflag:s22] =	ssyncset.done $0x0  }
0x283: {  	s14 =	simm.s32 $0x500;
	s21 =	simm.s32 $0x1200;
	[sflag:s22] =	ssyncadd.s32 $0xFFFFE000  }
0x284: {  	[spmem:s2] =	stream.indirect.scatter.add.f32 [tilespmem:s19], [sflag:$0x3], $0x20, s31, s17, $0xb8;
	[tilespmem:$0x1E300] =	vst v63  }
0x285: {  	s23 =	simm.s32 $0x600;
	s24 =	simm.s32 $0x1300;
	_ =	swait.ge [sflag:s15], $0x2000  }
0x286: {  	s25 =	simm.s32 $0x700;
	s26 =	simm.s32 $0x1400;
	[sflag:s15] =	ssyncset.done $0x0  }
.LBB2_6:
0x287: {  	s1 =	sadd.s32 s30, s13  }
0x288: {  	[sflag:s15] =	ssyncadd.s32 $0xFFFFE000;
	s7 =	smov.u32 s0;
	s31 =	sadd.s32 $0x1C0, s0  }
0x289: {  	[tilespmem:s3], [sflag:$0x3] =	stream.linear.gather [hbm4b:s1+s3], $0xE00, $0x38;
	[tilespmem:$0x1E300] =	vst v63  }
0x28a: {  	s1 =	simm.s32 $0x1600  }
0x28b: {  	p1 =	sne.s32 s0, $0x16C0;
	_ =	swait.ge [sflag:s15], $0xE00  }
0x28c: {  	s0 =	sadd.s32 s30, s12;
	[sflag:s15] =	ssyncset.done $0x0  }
0x28d: {  	s30 =	smov.u32 s7;
	s7 =	simm.s32 $0x200;
	[sflag:s15] =	ssyncadd.s32 $0xFFFFF200  }
0x28e: {  	[tilespmem:s16], [sflag:$0x3] =	stream.linear.gather [hbm4b:s0+s3], $0xE00, $0x38;
	[tilespmem:$0x1E300] =	vst v63  }
0x28f: {  	_ =	swait.ge [sflag:s15], $0xE00  }
0x290: {  	[sflag:s15] =	ssyncset.done $0x0  }
0x291: {  	[sflag:s15] =	ssyncadd.s32 $0xFFFFF200  }
0x292: {  	[tilespmem:s18], [sflag:$0x1] =	stream.indirect.gather [hbm4b:s5+s17], $0x20, s3, s17, $0xb8;
	[tilespmem:$0x1E300] =	vst v63  }
0x293: {  	_ = 	snop  }
0x294: {  	[tilespmem:s19], [sflag:$0x2] =	stream.indirect.gather [hbm4b:s5+s17], $0x20, s17, s17, $0xb8;
	[tilespmem:$0x1E300] =	vst v63  }
0x295: {  	_ =	swait.ge [sflag:s20], $0x2000  }
0x296: {  	[sflag:s20] =	ssyncset.done $0x0  }
0x297: {  	[sflag:s20] =	ssyncadd.s32 $0xFFFFE000  }
0x298: {  	[spmem:s2] =	stream.indirect.scatter.add.f32 [tilespmem:s18], [sflag:$0x3], $0x20, s16, s17, $0xb8;
	[tilespmem:$0x1E300] =	vst v63  }
0x299: {  	_ =	swait.ge [sflag:s15], $0x2000  }
0x29a: {  	[sflag:s15] =	ssyncset.done $0x0  }
0x29b: {  	[sflag:s15] =	ssyncadd.s32 $0xFFFFE000  }
0x29c: {  	[tilespmem:s18], [sflag:$0x1] =	stream.indirect.gather [hbm4b:s5+s17], $0x20, s7, s17, $0xb8;
	[tilespmem:$0x1E300] =	vst v63  }
0x29d: {  	_ =	swait.ge [sflag:s22], $0x2000  }
0x29e: {  	[sflag:s22] =	ssyncset.done $0x0  }
0x29f: {  	[sflag:s22] =	ssyncadd.s32 $0xFFFFE000  }
0x2a0: {  	[spmem:s2] =	stream.indirect.scatter.add.f32 [tilespmem:s19], [sflag:$0x3], $0x20, s8, s17, $0xb8;
	[tilespmem:$0x1E300] =	vst v63  }
0x2a1: {  	_ =	swait.ge [sflag:s15], $0x2000  }
0x2a2: {  	[sflag:s15] =	ssyncset.done $0x0  }
0x2a3: {  	[sflag:s15] =	ssyncadd.s32 $0xFFFFE000  }
0x2a4: {  	[tilespmem:s19], [sflag:$0x2] =	stream.indirect.gather [hbm4b:s5+s17], $0x20, s6, s17, $0xb8;
	[tilespmem:$0x1E300] =	vst v63  }
0x2a5: {  	_ =	swait.ge [sflag:s20], $0x2000  }
0x2a6: {  	[sflag:s20] =	ssyncset.done $0x0  }
0x2a7: {  	[sflag:s20] =	ssyncadd.s32 $0xFFFFE000  }
0x2a8: {  	[spmem:s2] =	stream.indirect.scatter.add.f32 [tilespmem:s18], [sflag:$0x3], $0x20, s10, s17, $0xb8;
	[tilespmem:$0x1E300] =	vst v63  }
0x2a9: {  	_ =	swait.ge [sflag:s15], $0x2000  }
0x2aa: {  	[sflag:s15] =	ssyncset.done $0x0  }
0x2ab: {  	[sflag:s15] =	ssyncadd.s32 $0xFFFFE000  }
0x2ac: {  	[tilespmem:s18], [sflag:$0x1] =	stream.indirect.gather [hbm4b:s5+s17], $0x20, s11, s17, $0xb8;
	[tilespmem:$0x1E300] =	vst v63  }
0x2ad: {  	_ =	swait.ge [sflag:s22], $0x2000  }
0x2ae: {  	[sflag:s22] =	ssyncset.done $0x0  }
0x2af: {  	[sflag:s22] =	ssyncadd.s32 $0xFFFFE000  }
0x2b0: {  	[spmem:s2] =	stream.indirect.scatter.add.f32 [tilespmem:s19], [sflag:$0x3], $0x20, s9, s17, $0xb8;
	[tilespmem:$0x1E300] =	vst v63  }
0x2b1: {  	_ =	swait.ge [sflag:s15], $0x2000  }
0x2b2: {  	[sflag:s15] =	ssyncset.done $0x0  }
0x2b3: {  	[sflag:s15] =	ssyncadd.s32 $0xFFFFE000  }
0x2b4: {  	[tilespmem:s19], [sflag:$0x2] =	stream.indirect.gather [hbm4b:s5+s17], $0x20, s14, s17, $0xb8;
	[tilespmem:$0x1E300] =	vst v63  }
0x2b5: {  	_ =	swait.ge [sflag:s20], $0x2000  }
0x2b6: {  	[sflag:s20] =	ssyncset.done $0x0  }
0x2b7: {  	[sflag:s20] =	ssyncadd.s32 $0xFFFFE000  }
0x2b8: {  	[spmem:s2] =	stream.indirect.scatter.add.f32 [tilespmem:s18], [sflag:$0x3], $0x20, s21, s17, $0xb8;
	[tilespmem:$0x1E300] =	vst v63  }
0x2b9: {  	_ =	swait.ge [sflag:s15], $0x2000  }
0x2ba: {  	[sflag:s15] =	ssyncset.done $0x0  }
0x2bb: {  	[sflag:s15] =	ssyncadd.s32 $0xFFFFE000  }
0x2bc: {  	[tilespmem:s18], [sflag:$0x1] =	stream.indirect.gather [hbm4b:s5+s17], $0x20, s23, s17, $0xb8;
	[tilespmem:$0x1E300] =	vst v63  }
0x2bd: {  	_ =	swait.ge [sflag:s22], $0x2000  }
0x2be: {  	[sflag:s22] =	ssyncset.done $0x0  }
0x2bf: {  	[sflag:s22] =	ssyncadd.s32 $0xFFFFE000  }
0x2c0: {  	[spmem:s2] =	stream.indirect.scatter.add.f32 [tilespmem:s19], [sflag:$0x3], $0x20, s24, s17, $0xb8;
	[tilespmem:$0x1E300] =	vst v63  }
0x2c1: {  	_ =	swait.ge [sflag:s15], $0x2000  }
0x2c2: {  	[sflag:s15] =	ssyncset.done $0x0  }
0x2c3: {  	[sflag:s15] =	ssyncadd.s32 $0xFFFFE000  }
0x2c4: {  	[tilespmem:s19], [sflag:$0x2] =	stream.indirect.gather [hbm4b:s5+s17], $0x20, s25, s17, $0xb8;
	[tilespmem:$0x1E300] =	vst v63  }
0x2c5: {  	_ =	swait.ge [sflag:s20], $0x2000  }
0x2c6: {  	[sflag:s20] =	ssyncset.done $0x0  }
0x2c7: {  	[sflag:s20] =	ssyncadd.s32 $0xFFFFE000  }
0x2c8: {  	[spmem:s2] =	stream.indirect.scatter.add.f32 [tilespmem:s18], [sflag:$0x3], $0x20, s26, s17, $0xb8;
	[tilespmem:$0x1E300] =	vst v63  }
0x2c9: {  	_ =	swait.ge [sflag:s15], $0x2000  }
0x2ca: {  	[sflag:s15] =	ssyncset.done $0x0  }
0x2cb: {  	[sflag:s15] =	ssyncadd.s32 $0xFFFFE000  }
0x2cc: {  	[tilespmem:s18], [sflag:$0x1] =	stream.indirect.gather [hbm4b:s5+s17], $0x20, s28, s17, $0xb8;
	[tilespmem:$0x1E300] =	vst v63  }
0x2cd: {  	_ =	swait.ge [sflag:s22], $0x2000  }
0x2ce: {  	[sflag:s22] =	ssyncset.done $0x0  }
0x2cf: {  	[sflag:s22] =	ssyncadd.s32 $0xFFFFE000  }
0x2d0: {  	[spmem:s2] =	stream.indirect.scatter.add.f32 [tilespmem:s19], [sflag:$0x3], $0x20, s29, s17, $0xb8;
	[tilespmem:$0x1E300] =	vst v63  }
0x2d1: {  	_ =	swait.ge [sflag:s15], $0x2000  }
0x2d2: {  	[sflag:s15] =	ssyncset.done $0x0  }
0x2d3: {  	s0 =	simm.s32 $0x900;
	[sflag:s15] =	ssyncadd.s32 $0xFFFFE000  }
0x2d4: {  	[tilespmem:s19], [sflag:$0x2] =	stream.indirect.gather [hbm4b:s5+s17], $0x20, s0, s17, $0xb8;
	[tilespmem:$0x1E300] =	vst v63  }
0x2d5: {  	_ =	swait.ge [sflag:s20], $0x2000  }
0x2d6: {  	[sflag:s20] =	ssyncset.done $0x0  }
0x2d7: {  	[sflag:s20] =	ssyncadd.s32 $0xFFFFE000  }
0x2d8: {  	[spmem:s2] =	stream.indirect.scatter.add.f32 [tilespmem:s18], [sflag:$0x3], $0x20, s1, s17, $0xb8;
	[tilespmem:$0x1E300] =	vst v63  }
0x2d9: {  	_ =	swait.ge [sflag:s15], $0x2000  }
0x2da: {  	[sflag:s15] =	ssyncset.done $0x0  }
0x2db: {  	s0 =	simm.s32 $0xA00;
	[sflag:s15] =	ssyncadd.s32 $0xFFFFE000  }
0x2dc: {  	[tilespmem:s18], [sflag:$0x1] =	stream.indirect.gather [hbm4b:s5+s17], $0x20, s0, s17, $0xb8;
	[tilespmem:$0x1E300] =	vst v63  }
0x2dd: {  	_ =	swait.ge [sflag:s22], $0x2000  }
0x2de: {  	[sflag:s22] =	ssyncset.done $0x0  }
0x2df: {  	s0 =	simm.s32 $0x1700;
	[sflag:s22] =	ssyncadd.s32 $0xFFFFE000  }
0x2e0: {  	[spmem:s2] =	stream.indirect.scatter.add.f32 [tilespmem:s19], [sflag:$0x3], $0x20, s0, s17, $0xb8;
	[tilespmem:$0x1E300] =	vst v63  }
0x2e1: {  	_ =	swait.ge [sflag:s15], $0x2000  }
0x2e2: {  	[sflag:s15] =	ssyncset.done $0x0  }
0x2e3: {  	s0 =	simm.s32 $0xB00;
	[sflag:s15] =	ssyncadd.s32 $0xFFFFE000  }
0x2e4: {  	[tilespmem:s19], [sflag:$0x2] =	stream.indirect.gather [hbm4b:s5+s17], $0x20, s0, s17, $0xb8;
	[tilespmem:$0x1E300] =	vst v63  }
0x2e5: {  	_ =	swait.ge [sflag:s20], $0x2000  }
0x2e6: {  	[sflag:s20] =	ssyncset.done $0x0  }
0x2e7: {  	s0 =	simm.s32 $0x1800;
	[sflag:s20] =	ssyncadd.s32 $0xFFFFE000  }
0x2e8: {  	[spmem:s2] =	stream.indirect.scatter.add.f32 [tilespmem:s18], [sflag:$0x3], $0x20, s0, s17, $0xb8;
	[tilespmem:$0x1E300] =	vst v63  }
0x2e9: {  	_ =	swait.ge [sflag:s15], $0x2000  }
0x2ea: {  	[sflag:s15] =	ssyncset.done $0x0  }
0x2eb: {  	s0 =	simm.s32 $0xC00;
	[sflag:s15] =	ssyncadd.s32 $0xFFFFE000  }
0x2ec: {  	[tilespmem:s18], [sflag:$0x1] =	stream.indirect.gather [hbm4b:s5+s17], $0x20, s0, s17, $0xb8;
	[tilespmem:$0x1E300] =	vst v63  }
0x2ed: {  	_ =	swait.ge [sflag:s22], $0x2000  }
0x2ee: {  	[sflag:s22] =	ssyncset.done $0x0  }
0x2ef: {  	s0 =	simm.s32 $0x1900;
	[sflag:s22] =	ssyncadd.s32 $0xFFFFE000  }
0x2f0: {  	[spmem:s2] =	stream.indirect.scatter.add.f32 [tilespmem:s19], [sflag:$0x3], $0x20, s0, s17, $0xb8;
	[tilespmem:$0x1E300] =	vst v63  }
0x2f1: {  	_ =	swait.ge [sflag:s15], $0x2000  }
0x2f2: {  	[sflag:s15] =	ssyncset.done $0x0  }
0x2f3: {  	s0 =	simm.s32 $0xD00;
	[sflag:s15] =	ssyncadd.s32 $0xFFFFE000  }
0x2f4: {  	[tilespmem:s19], [sflag:$0x2] =	stream.indirect.gather [hbm4b:s5+s17], $0x20, s0, s17, $0xb8;
	[tilespmem:$0x1E300] =	vst v63  }
0x2f5: {  	_ =	swait.ge [sflag:s20], $0x2000  }
0x2f6: {  	[sflag:s20] =	ssyncset.done $0x0  }
0x2f7: {  	s0 =	simm.s32 $0x1A00;
	[sflag:s20] =	ssyncadd.s32 $0xFFFFE000  }
0x2f8: {  	[spmem:s2] =	stream.indirect.scatter.add.f32 [tilespmem:s18], [sflag:$0x3], $0x20, s0, s17, $0xb8;
	[tilespmem:$0x1E300] =	vst v63  }
0x2f9: {  	_ =	swait.ge [sflag:s15], $0x2000  }
0x2fa: {  	[sflag:s15] =	ssyncset.done $0x0  }
0x2fb: {  	[sflag:s15] =	ssyncadd.s32 $0xFFFFE000  }
0x2fc: {  	_ =	swait.ge [sflag:s22], $0x2000  }
.Ltmp5:
0x2fd: {  	[sflag:s22] =	ssyncset.done $0x0;
	(pc) =	sbr.rel @p1 .LBB2_6-.Ltmp5, $4  }
0x2fe: {  	s0 =	simm.s32 $0x1B00;
	[sflag:s22] =	ssyncadd.s32 $0xFFFFE000  }
0x2ff: {  	[spmem:s2] =	stream.indirect.scatter.add.f32 [tilespmem:s19], [sflag:$0x3], $0x20, s0, s17, $0xb8;
	[tilespmem:$0x1E300] =	vst v63  }
0x300: {  	_ =	swait.ge [sflag:s15], $0x2000  }
0x301: {  	s0 =	smov.u32 s31;
	[sflag:s15] =	ssyncset.done $0x0  }
.Ltmp6:
0x302: {  	_ = 	snop;
	(pc) =	sbr.rel .LBB2_7-.Ltmp6, $1  }
0x303: {  	_ =	sdelay $0x3  }
.LBB2_9:
0x304: {  	_ =	sfence.sel $0x180000  }
0x305: {  	[bflag:$0x0] =	sbarrier.arrive $0xFFFF  }
0x306: {  	_ =	strace $0x9000004A  }
0x307: {  	s0 =	stileid.u32;
	[bflag:$0x2] =	sbarrier.arrive $0xFFFF  }
0x308: {  	p0 =	sne.s32 s0, $0x0;
	s0 =	rddreg [dreg:$0x2]  }
0x309: {  	s0 =	sadd.s32 @!p0 $0x100000, s0  }
0x30a: {  	[sflag:s0] =	ssyncadd.tile.s32 @!p0 $0x1;
	_ =	shalt  }
.Lfunc_end2:
_tile_overlayer_lowered:
.L_overlay_start_2:
0x30b: {  	(tag) =	ssettag $0x2  }
0x30c: {  	s0 =	rddreg [dreg:$0x0];
	s2 =	stileid.u32  }
0x30d: {  	s1 =	rddreg [dreg:$0x1];
	p0 =	sne.s32 s2, $0x0  }
0x30e: {  	s3 =	rddreg [dreg:$0x2];
	[bflag:$0x3] =	sbarrier.arrive $0xFFFF;
	s2 =	simm.s32 @!p0 $0x1C03  }
0x30f: {  	[timem:s3], [sflag:s2] =	dma.local @!p0 [hbm:s0], s1  }
0x310: {  	s0 =	simm.s32 @!p0 $0x3  }
0x311: {  	_ =	swait.ge @!p0 [sflag:s0], s1  }
0x312: {  	s1 =	ssub.s32 @!p0 $0x0, s1;
	[sflag:s0] =	ssyncset.done @!p0 $0x0  }
0x313: {  	[sflag:s0] =	ssyncadd.s32 @!p0 s1  }
0x314: {  	[bflag:$0x3] =	sbarrier.arrive $0xFFFF  }
0x315: {  	_ =	shalt  }

// kernel: kernel.7.cloned.1.call-start
scs
__scs_entry_jumppad:
0x0: {  	(pc) =	sbr.rel $0x88, $3  }
0x1: {  	(tag) =	ssettag $0x0;
	lr =	simm.s32 $0x1  }
0x2: {  	[smem:$0x3F92] =	sst lr;
	_ =	strace $0xD0000000  }
0x3: {  	_ = 	snop  }
0x4: {  	_ = 	snop  }
0x5: {  	_ = 	snop  }
0x6: {  	_ = 	snop  }
0x7: {  	_ = 	snop  }
__scs_overlays_trampoline_lowered:
0x8: {  	[smem:$0x3FA1] =	sst s0  }
0x9: {  	[smem:$0x3FA2] =	sst s1  }
0xa: {  	[smem:$0x3FA3] =	sst s2  }
0xb: {  	[smem:$0x3FA4] =	sst s3  }
0xc: {  	[smem:$0x3FA5] =	sst s4  }
0xd: {  	[smem:$0x3FA6] =	sst s5  }
0xe: {  	[smem:$0x3FA7] =	sst s6  }
0xf: {  	[smem:$0x3FA8] =	sst s7  }
0x10: {  	[smem:$0x3FA9] =	sst s8  }
0x11: {  	[smem:$0x3FAA] =	sst s9;
	s0 =	simm.s32 @!p0 $0x0  }
0x12: {  	s1 =	sld [smem:$0x3F90];
	s0 =	simm.s32 @p0 $0x1  }
0x13: {  	[smem:$0x3FAB] =	sst s0;
	s0 =	simm.s32 @!p1 $0x0  }
0x14: {  	s2 =	sld [smem:$0x3F8F];
	s0 =	simm.s32 @p1 $0x1  }
0x15: {  	[smem:$0x3FAC] =	sst s0;
	s0 =	simm.s32 @!p2 $0x0  }
0x16: {  	s3 =	sld [smem:$0x3FDB];
	s0 =	simm.s32 @p2 $0x1  }
0x17: {  	s4 =	simm.s32 $0x1BF5;
	[smem:$0x3FAE] =	sst s0  }
0x18: {  	s0 =	sld [smem:$0x3F91];
	_ =	swait.ge [sflag:s4], $0x0  }
0x19: {  	s7 =	sld [smem:$0x3F92]  }
0x1a: {  	s8 =	sadd.s32 $0xFFFFE003, lr  }
0x1b: {  	s9 =	sadd.s32 $0xFFFFFEF7, lr;
	s5 =	simm.s32 $0xFFFFFFFF;
	p2 =	slt.u32 s8, $0xFFFFF086  }
0x1c: {  	p1 =	slt.u32 s9, $0xF7A;
	s5 =	simm.s32 @!p2 $0x0  }
0x1d: {  	s5 =	simm.s32 @p1 $0x1;
	p0 =	seq.s32 s7, s2  }
0x1e: {  	s7 =	smul.u32 @!p0 $0xF7A, s2;
	p2 =	seq.s32 @!p0 s5, $0x0  }
0x1f: {  	s9 =	smul.u32 $0xF7A, s1;
	s8 =	simm.s32 @!p0 $0x1BF5;
	p2 =	por !p2, p0  }
0x20: {  	[sflag:s8] =	ssyncset.s32 @!p0 $0xFFFFF086;
	s6 =	sadd.s32 @!p0 s3, s7;
	s7 =	simm.s32 @!p0 $0x108  }
0x21: {  	s3 =	sadd.s32 s3, s9;
	s6 =	sadd.s32 @!p0 $0x88, s6;
	s7 =	simm.s32 @p2 $0x1082  }
0x22: {  	[simem:s7], [sflag:s8] =	dma.local @!p0 [hbm:s6], $0xF7A  }
0x23: {  	s9 =	sor.u32 $0xD0000000, s2;
	s6 =	simm.s32 $0x108;
	_ =	swait.ge @!p0 [sflag:s8], $0x0  }
0x24: {  	s3 =	sadd.s32 $0x88, s3;
	s6 =	simm.s32 @!p1 $0x1082;
	[sflag:s4] =	ssyncset.s32 $0xFFFFF086  }
0x25: {  	[simem:s6], [sflag:s4] =	dma.local [hbm:s3], $0xF7A  }
0x26: {  	[smem:$0x3F92] =	sst s1;
	(tag) =	ssettag s2;
	_ =	strace s9  }
0x27: {  	s1 =	sld [smem:$0x3FA2]  }
0x28: {  	s2 =	sld [smem:$0x3FA3]  }
0x29: {  	s4 =	sld [smem:$0x3FA5]  }
0x2a: {  	p0 =	seq.s32 s5, $0x0;
	s5 =	sld [smem:$0x3FA6]  }
0x2b: {  	s6 =	sld [smem:$0x3FA7]  }
0x2c: {  	s7 =	sld [smem:$0x3FA8]  }
0x2d: {  	s3 =	simm.s32 $0x108;
	s8 =	sld [smem:$0x3FA9]  }
0x2e: {  	s3 =	simm.s32 @!p0 $0x1082;
	s9 =	sld [smem:$0x3FAA]  }
0x2f: {  	lr =	sadd.s32 s0, s3;
	s0 =	sld [smem:$0x3FA1]  }
0x30: {  	s3 =	sld [smem:$0x3FA4]  }
0x31: {  	[smem:$0x3FAD] =	sst s10  }
0x32: {  	s10 =	sld [smem:$0x3FAB];
	_ =	sdelay $0x3  }
0x33: {  	p0 =	seq.s32 s10, $0x1;
	s10 =	sld [smem:$0x3FAD];
	_ =	sdelay $0x3  }
0x34: {  	[smem:$0x3FAD] =	sst s10  }
0x35: {  	s10 =	sld [smem:$0x3FAC];
	_ =	sdelay $0x3  }
0x36: {  	p1 =	seq.s32 s10, $0x1;
	s10 =	sld [smem:$0x3FAD];
	_ =	sdelay $0x3  }
0x37: {  	[smem:$0x3FAD] =	sst s10  }
0x38: {  	s10 =	sld [smem:$0x3FAE]  }
0x39: {  	_ = 	snop;
	(pc) =	sbr.ind lr, $3  }
0x3a: {  	_ = 	snop  }
0x3b: {  	_ = 	snop  }
0x3c: {  	p2 =	seq.s32 s10, $0x1;
	s10 =	sld [smem:$0x3FAD]  }
0x3d: {  	_ =	shalt  }
0x3e: {  	_ =	shalt  }
0x3f: {  	_ =	shalt  }
0x40: {  	_ =	shalt  }
0x41: {  	_ =	shalt  }
0x42: {  	_ =	shalt  }
0x43: {  	_ =	shalt  }
0x44: {  	_ =	shalt  }
0x45: {  	_ =	shalt  }
0x46: {  	_ =	shalt  }
0x47: {  	_ =	shalt  }
0x48: {  	_ =	shalt  }
0x49: {  	_ =	shalt  }
0x4a: {  	_ =	shalt  }
0x4b: {  	_ =	shalt  }
0x4c: {  	_ =	shalt  }
0x4d: {  	_ =	shalt  }
0x4e: {  	_ =	shalt  }
0x4f: {  	_ =	shalt  }
0x50: {  	_ =	shalt  }
0x51: {  	_ =	shalt  }
0x52: {  	_ =	shalt  }
0x53: {  	_ =	shalt  }
0x54: {  	_ =	shalt  }
0x55: {  	_ =	shalt  }
0x56: {  	_ =	shalt  }
0x57: {  	_ =	shalt  }
0x58: {  	_ =	shalt  }
0x59: {  	_ =	shalt  }
0x5a: {  	_ =	shalt  }
0x5b: {  	_ =	shalt  }
0x5c: {  	_ =	shalt  }
0x5d: {  	_ =	shalt  }
0x5e: {  	_ =	shalt  }
0x5f: {  	_ =	shalt  }
0x60: {  	_ =	shalt  }
0x61: {  	_ =	shalt  }
0x62: {  	_ =	shalt  }
0x63: {  	_ =	shalt  }
0x64: {  	_ =	shalt  }
0x65: {  	_ =	shalt  }
0x66: {  	_ =	shalt  }
0x67: {  	_ =	shalt  }
0x68: {  	_ =	shalt  }
0x69: {  	_ =	shalt  }
0x6a: {  	_ =	shalt  }
0x6b: {  	_ =	shalt  }
0x6c: {  	_ =	shalt  }
0x6d: {  	_ =	shalt  }
0x6e: {  	_ =	shalt  }
0x6f: {  	_ =	shalt  }
0x70: {  	_ =	shalt  }
0x71: {  	_ =	shalt  }
0x72: {  	_ =	shalt  }
0x73: {  	_ =	shalt  }
0x74: {  	_ =	shalt  }
0x75: {  	_ =	shalt  }
0x76: {  	_ =	shalt  }
0x77: {  	_ =	shalt  }
0x78: {  	_ =	shalt  }
0x79: {  	_ =	shalt  }
0x7a: {  	_ =	shalt  }
0x7b: {  	_ =	shalt  }
0x7c: {  	_ =	shalt  }
0x7d: {  	_ =	shalt  }
0x7e: {  	_ =	shalt  }
0x7f: {  	_ =	shalt  }
0x80: {  	_ =	shalt  }
0x81: {  	_ =	shalt  }
0x82: {  	_ =	shalt  }
0x83: {  	_ =	shalt  }
0x84: {  	_ =	shalt  }
0x85: {  	_ =	shalt  }
0x86: {  	_ =	shalt  }
0x87: {  	_ =	shalt  }
.Lfunc_end0:
.L_simem_size_0:
called_computation_lowered:
.L_overlay_start_0:
0x88: {  	s2 =	sld [smem:$0x3FD9]  }
0x89: {  	s3 =	sld [smem:$0x3FFE];
	_ =	sdelay $0x1  }
0x8a: {  	s1 =	srdreg.scid  }
0x8b: {  	s0 =	sand.u32 $0x1, s1  }
0x8c: {  	s16 =	sshll.u32 s0, $0xA;
	s2 =	sadd.s32 s3, s2  }
0x8d: {  	s2 =	sadd.s32 s2, s16  }
0x8e: {  	[smem:$0x3FB9] =	sst s2  }
0x8f: {  	_ = 	snop  }
0x90: {  	(tm) =	ssettm $0x1  }
0x91: {  	s17 =	sld [smem:$0x3FFB];
	_ =	sdelay $0x3  }
0x92: {  	_ =	strace s17  }
0x93: {  	s2 =	sld [smem:$0x3FFC];
	_ =	sdelay $0x3  }
0x94: {  	_ =	strace s2  }
0x95: {  	s2 =	sld [smem:$0x3FFD];
	_ =	sdelay $0x3  }
0x96: {  	_ =	strace s2  }
0x97: {  	_ =	strace $0x8FFFFFFF  }
0x98: {  	s18 =	sld [smem:$0x3FDB];
	_ =	sdelay $0x1  }
0x99: {  	s19 =	simm.s32 $_scs_section_size  }
0x9a: {  	s4 =	simm.s32 $_size__tile_overlayer_lowered;
	s5 =	simm.s32 $_tile_overlayer_lowered  }
0x9b: {  	s22 =	simm.s32 $0x1BFF;
	s21 =	sshll.u32 s5, $0x1;
	s2 =	sadd.s32 s19, s18  }
0x9c: {  	s6 =	simm.s32 $0x0;
	s20 =	sshll.u32 s4, $0x1;
	s4 =	sadd.s32 s21, s2  }
0x9d: {  	[timem:s6], [sflag:s22] =	dma.local [hbm:s4], s20  }
0x9e: {  	_ =	swait.ge [sflag:s22], s20  }
0x9f: {  	s3 =	ssub.s32 $0x0, s20;
	[sflag:s22] =	ssyncset.done $0x0  }
0xa0: {  	[sflag:s22] =	ssyncadd.s32 s3;
	_ =	sdelay $0x1  }
0xa1: {  	s23 =	simm.s32 $0x1B8B  }
0xa2: {  	_ =	swait.ge [sflag:s23], $0x1  }
0xa3: {  	[sflag:s23] =	ssyncset.done $0x0  }
0xa4: {  	s25 =	simm.s32 $0x1B8E;
	s24 =	sld [smem:$0x3FFE];
	[sflag:s23] =	ssyncadd.s32 $0xFFFFFFFF  }
0xa5: {  	s26 =	simm.s32 $execute0_lowered;
	[smem:$0x3FD2] =	sst s25  }
0xa6: {  	s4 =	sshll.u32 s26, $0x1;
	_ =	strace $0x80000046;
	[dreg:$0x1] =	wrdreg $0xFFFFFFFF  }
0xa7: {  	s28 =	simm.s32 $_size_execute0_lowered;
	s2 =	sadd.s32 s2, s4;
	[dreg:$0x0] =	wrdreg $0x0  }
0xa8: {  	s4 =	sshll.u32 s28, $0x1;
	[dreg:$0x2] =	wrdreg s2  }
0xa9: {  	[dreg:$0x3] =	wrdreg s4  }
0xaa: {  	[dreg:$0x4] =	wrdreg $0xC0  }
0xab: {  	_ =	task [dreg:s6], $0x5FFFF  }
0xac: {  	[dreg:$0x1] =	wrdreg $0xFFFFFFFF  }
0xad: {  	[dreg:$0x0] =	wrdreg $0x60  }
0xae: {  	[dreg:$0x2] =	wrdreg s24  }
0xaf: {  	[dreg:$0x3] =	wrdreg $0x5C000  }
0xb0: {  	[dreg:$0x4] =	wrdreg $0x9  }
0xb1: {  	_ =	task.clear_ibuf [dreg:s6], $0x5FFFF;
	_ =	strace $0x90000046  }
0xb2: {  	s29 =	simm.s32 $0x9;
	_ =	strace $0x80000048  }
0xb3: {  	_ =	swait.ge [sflag:s29], $0x1  }
0xb4: {  	[sflag:s29] =	ssyncadd.s32 $0xFFFFFFFF  }
0xb5: {  	_ =	strace $0x90000048  }
0xb6: {  	_ =	sfence  }
0xb7: {  	s30 =	sld [smem:$0x0];
	_ =	sdelay $0x2  }
0xb8: {  	s31 =	sshll.u32 s1, $0xD;
	s1 =	sshrl.u32 s1, $0x2  }
0xb9: {  	s3 =	sand.u32 $0x4000, s31;
	s1 =	sadd.s32 s1, s30  }
0xba: {  	s0 =	sor.u32 s3, s0;
	s1 =	sshll.u32 s1, $0x11  }
0xbb: {  	s0 =	sor.u32 s1, s0  }
0xbc: {  	s0 =	sadd.s32 $0x8F2B, s0  }
0xbd: {  	[sflag:s0] =	ssyncadd.remote.s32 $0x1  }
0xbe: {  	_ =	sfence.sel $0xFFFF  }
0xbf: {  	[dreg:$0x0] =	wrdreg $0xFFFFFFFF;
	(pc) =	sbr.abs _section_cstart, $3  }
0xc0: {  	[dreg:$0x1] =	wrdreg $0xFFFFFFFF  }
0xc1: {  	_ =	task.clear_ibuf [dreg:s6], $0x2FFFF;
	_ =	strace $0x9FFFFFFF  }
0xc2: {  	(tm) =	ssettm $0x7FFFFFFF  }
0xc3: {  	_ =	shalt  }
tec
execute0_lowered:
.L_overlay_start_1:
0x0: {  	(tag) =	ssettag $0x1  }
0x1: {  	s0 =	rddreg [dreg:$0x0]  }
0x2: {  	s2 =	rddreg [dreg:$0x1];
	s3 =	simm.s32 $0x0;
	s9 =	stileid.u32  }
0x3: {  	s4 =	srdreg.scid;
	s12 =	simm.s32 $0x3;
	s13 =	simm.s32 $0xE00  }
0x4: {  	s14 =	simm.s32 $0x100;
	s15 =	simm.s32 $0x1C00;
	s16 =	simm.s32 $0x3C00  }
0x5: {  	s17 =	simm.s32 $0x1;
	s28 =	simm.s32 $0x600;
	s29 =	simm.s32 $0x1300  }
0x6: {  	s30 =	simm.s32 $0x700;
	s31 =	simm.s32 $0x1400;
	s11 =	simm.s32 $0xC00  }
0x7: {  	s18 =	simm.s32 $0x1900;
	[smem:$0x7FF] =	sst s3;
	s1 =	smul.u32 $0xC40, s9  }
0x8: {  	s5 =	sand.u32 $0x1, s4;
	s4 =	sadd.s32 $0x35200, s0;
	s7 =	sadd.s32 $0x66000, s0  }
0x9: {  	s8 =	smul.u32 $0x18700, s9;
	s10 =	sadd.s32 $0x69200, s0;
	s22 =	sshll.u32 s9, $0x6  }
0xa: {  	s9 =	simm.s32 $0x1700;
	_ =	strace $0x80000047;
	[dreg:$0x7] =	wrdreg s7  }
0xb: {  	s6 =	ssub.s32 $0x2, s5;
	[dreg:$0x8] =	wrdreg s10;
	s7 =	sor.u32 $0x1C03, s22  }
0xc: {  	p0 =	sne.s32 s5, $0x0;
	s5 =	simm.s32 $0xA00;
	s10 =	simm.s32 $0xB00  }
0xd: {  	s22 =	simm.s32 $0x1B00;
	s1 =	sadd.s32 s1, s0;
	s19 =	sshrl.u32 s6, $0x1  }
0xe: {  	s0 =	sadd.s32 $0x9A000, s0;
	s21 =	sadd.s32 s8, s2;
	[dreg:$0xa] =	wrdreg s7  }
0xf: {  	s8 =	sshrl.u32 s8, $0x3;
	s7 =	simm.s32 $0x1600;
	[dreg:$0x9] =	wrdreg s0  }
0x10: {  	s20 =	ssub.s32 s6, s19;
	s23 =	sadd.s32 $0x1CA00, s1;
	s24 =	sadd.s32 $0x28E00, s1  }
0x11: {  	[dreg:$0xb] =	wrdreg s8;
	s25 =	sadd.s32 $0x4200, s1;
	s26 =	sadd.s32 $0x10600, s1  }
0x12: {  	s19 =	simm.s32 $0x2;
	s1 =	simm.s32 $0x1500;
	[dreg:$0x5] =	wrdreg s23  }
.Ltmp0:
0x13: {  	s6 =	simm.s32 $0x900;
	[dreg:$0x3] =	wrdreg s24;
	(pc) =	sbr.rel .LBB2_1-.Ltmp0, $4  }
0x14: {  	s8 =	simm.s32 $0x1800;
	s0 =	smax.u32 s20, $0x1;
	[dreg:$0x6] =	wrdreg s25  }
0x15: {  	[dreg:$0x4] =	wrdreg s26;
	s24 =	sshrl.u32 s21, $0x3;
	s26 =	simm.s32 $0x1200  }
0x16: {  	s20 =	simm.s32 $0xD00;
	s21 =	simm.s32 $0x1A00;
	[dreg:$0xc] =	wrdreg s0  }
0x17: {  	s25 =	simm.s32 $0x0;
	s0 =	simm.s32 $0x800;
	[dreg:$0xd] =	wrdreg s24  }
.LBB2_7:
0x18: {  	[sflag:s12] =	ssyncset.done $0x0  }
0x19: {  	s23 =	rddreg [dreg:$0x9];
	[sflag:s12] =	ssyncadd.s32 $0xFFFFE000  }
.LBB2_8:
0x1a: {  	s24 =	rddreg [dreg:$0xb]  }
0x1b: {  	s23 =	sadd.s32 s23, s24  }
0x1c: {  	[dreg:$0xf] =	wrdreg s23  }
0x1d: {  	[bflag:$0x0] =	sbarrier.arrive $0xFFFF  }
0x1e: {  	s24 =	rddreg [dreg:$0xf]  }
0x1f: {  	s23 =	rddreg [dreg:$0xd]  }
0x20: {  	s25 =	rddreg [dreg:$0xa]  }
0x21: {  	[hbm:s24], [sflag:s25] =	dma.local [spmem:s23], $0x30E0  }
0x22: {  	s24 =	rddreg [dreg:$0xd];
	_ =	swait.ge [sflag:s12], $0x30E0  }
0x23: {  	s23 =	rddreg [dreg:$0xe]  }
0x24: {  	s25 =	sadd.s32 $0x1, s23;
	s23 =	rddreg [dreg:$0xc]  }
0x25: {  	p1 =	sne.s32 s25, s23  }
.Ltmp1:
0x26: {  	_ = 	snop;
	(pc) =	sbr.rel @!p1 .LBB2_9-.Ltmp1, $3  }
0x27: {  	_ =	sdelay $0x1  }
0x28: {  	[sflag:s12] =	ssyncset.done $0x0  }
0x29: {  	[sflag:s12] =	ssyncadd.s32 $0xFFFFCF20  }
.LBB2_1:
0x2a: {  	[dreg:$0xe] =	wrdreg s25  }
0x2b: {  	s23 =	rddreg [dreg:$0x7]  }
0x2c: {  	s25 =	rddreg [dreg:$0xa]  }
0x2d: {  	[spmem:s24], [sflag:s25] =	dma.local [hbm:s23], $0x30E0  }
.Ltmp2:
0x2e: {  	_ =	swait.ge [sflag:s12], $0x30E0;
	(pc) =	sbr.rel @p0 .LBB2_5-.Ltmp2, $3  }
0x2f: {  	[sflag:s12] =	ssyncset.done $0x0  }
0x30: {  	[sflag:s12] =	ssyncadd.s32 $0xFFFFCF20  }
0x31: {  	[bflag:$0x0] =	sbarrier.arrive $0xFFFF;
	_ =	sdelay $0x1  }
0x32: {  	s23 =	rddreg [dreg:$0x6]  }
0x33: {  	s23 =	sadd.s32 $0x0, s23  }
0x34: {  	[tilespmem:s3], [sflag:$0x3] =	stream.linear.gather [hbm4b:s23+s3], $0xE00, $0x38;
	[tilespmem:$0x1E300] =	vst v63  }
0x35: {  	_ =	swait.ge [sflag:s12], $0xE00  }
0x36: {  	s24 =	rddreg [dreg:$0x5];
	[sflag:s12] =	ssyncset.done $0x0  }
0x37: {  	[sflag:s12] =	ssyncadd.s32 $0xFFFFF200;
	s23 =	sadd.s32 $0x0, s24  }
0x38: {  	[tilespmem:s13], [sflag:$0x3] =	stream.linear.gather [hbm4b:s23+s3], $0xE00, $0x38;
	[tilespmem:$0x1E300] =	vst v63  }
0x39: {  	_ =	swait.ge [sflag:s12], $0xE00  }
0x3a: {  	[sflag:s12] =	ssyncset.done $0x0  }
0x3b: {  	[sflag:s12] =	ssyncadd.s32 $0xFFFFF200  }
0x3c: {  	[tilespmem:s15], [sflag:$0x1] =	stream.indirect.gather [hbm4b:s4+s14], $0x20, s3, s14, $0xb8;
	[tilespmem:$0x1E300] =	vst v63  }
0x3d: {  	_ = 	snop  }
0x3e: {  	[tilespmem:s16], [sflag:$0x2] =	stream.indirect.gather [hbm4b:s4+s14], $0x20, s14, s14, $0xb8;
	[tilespmem:$0x1E300] =	vst v63  }
0x3f: {  	_ =	swait.ge [sflag:s17], $0x2000  }
0x40: {  	[sflag:s17] =	ssyncset.done $0x0  }
0x41: {  	[sflag:s17] =	ssyncadd.s32 $0xFFFFE000  }
0x42: {  	[spmem:s2] =	stream.indirect.scatter.add.f32 [tilespmem:s15], [sflag:$0x3], $0x20, s13, s14, $0xb8;
	[tilespmem:$0x1E300] =	vst v63  }
0x43: {  	_ =	swait.ge [sflag:s12], $0x2000  }
0x44: {  	[sflag:s12] =	ssyncset.done $0x0  }
0x45: {  	s25 =	simm.s32 $0x200;
	[sflag:s12] =	ssyncadd.s32 $0xFFFFE000  }
0x46: {  	[tilespmem:s15], [sflag:$0x1] =	stream.indirect.gather [hbm4b:s4+s14], $0x20, s25, s14, $0xb8;
	[tilespmem:$0x1E300] =	vst v63  }
0x47: {  	_ =	swait.ge [sflag:s19], $0x2000  }
0x48: {  	[sflag:s19] =	ssyncset.done $0x0  }
0x49: {  	s24 =	simm.s32 $0xF00;
	[sflag:s19] =	ssyncadd.s32 $0xFFFFE000  }
0x4a: {  	[spmem:s2] =	stream.indirect.scatter.add.f32 [tilespmem:s16], [sflag:$0x3], $0x20, s24, s14, $0xb8;
	[tilespmem:$0x1E300] =	vst v63  }
0x4b: {  	_ =	swait.ge [sflag:s12], $0x2000  }
0x4c: {  	[sflag:s12] =	ssyncset.done $0x0  }
0x4d: {  	s25 =	simm.s32 $0x300;
	[sflag:s12] =	ssyncadd.s32 $0xFFFFE000  }
0x4e: {  	[tilespmem:s16], [sflag:$0x2] =	stream.indirect.gather [hbm4b:s4+s14], $0x20, s25, s14, $0xb8;
	[tilespmem:$0x1E300] =	vst v63  }
0x4f: {  	_ =	swait.ge [sflag:s17], $0x2000  }
0x50: {  	[sflag:s17] =	ssyncset.done $0x0  }
0x51: {  	s24 =	simm.s32 $0x1000;
	[sflag:s17] =	ssyncadd.s32 $0xFFFFE000  }
0x52: {  	[spmem:s2] =	stream.indirect.scatter.add.f32 [tilespmem:s15], [sflag:$0x3], $0x20, s24, s14, $0xb8;
	[tilespmem:$0x1E300] =	vst v63  }
0x53: {  	_ =	swait.ge [sflag:s12], $0x2000  }
0x54: {  	[sflag:s12] =	ssyncset.done $0x0  }
0x55: {  	s25 =	simm.s32 $0x400;
	[sflag:s12] =	ssyncadd.s32 $0xFFFFE000  }
0x56: {  	[tilespmem:s15], [sflag:$0x1] =	stream.indirect.gather [hbm4b:s4+s14], $0x20, s25, s14, $0xb8;
	[tilespmem:$0x1E300] =	vst v63  }
0x57: {  	_ =	swait.ge [sflag:s19], $0x2000  }
0x58: {  	[sflag:s19] =	ssyncset.done $0x0  }
0x59: {  	s24 =	simm.s32 $0x1100;
	[sflag:s19] =	ssyncadd.s32 $0xFFFFE000  }
0x5a: {  	[spmem:s2] =	stream.indirect.scatter.add.f32 [tilespmem:s16], [sflag:$0x3], $0x20, s24, s14, $0xb8;
	[tilespmem:$0x1E300] =	vst v63  }
0x5b: {  	_ =	swait.ge [sflag:s12], $0x2000  }
0x5c: {  	[sflag:s12] =	ssyncset.done $0x0  }
0x5d: {  	s25 =	simm.s32 $0x500;
	[sflag:s12] =	ssyncadd.s32 $0xFFFFE000  }
0x5e: {  	[tilespmem:s16], [sflag:$0x2] =	stream.indirect.gather [hbm4b:s4+s14], $0x20, s25, s14, $0xb8;
	[tilespmem:$0x1E300] =	vst v63  }
0x5f: {  	_ =	swait.ge [sflag:s17], $0x2000  }
0x60: {  	[sflag:s17] =	ssyncset.done $0x0  }
0x61: {  	[sflag:s17] =	ssyncadd.s32 $0xFFFFE000  }
0x62: {  	[spmem:s2] =	stream.indirect.scatter.add.f32 [tilespmem:s15], [sflag:$0x3], $0x20, s26, s14, $0xb8;
	[tilespmem:$0x1E300] =	vst v63  }
0x63: {  	_ =	swait.ge [sflag:s12], $0x2000  }
0x64: {  	[sflag:s12] =	ssyncset.done $0x0  }
0x65: {  	[sflag:s12] =	ssyncadd.s32 $0xFFFFE000  }
0x66: {  	[tilespmem:s15], [sflag:$0x1] =	stream.indirect.gather [hbm4b:s4+s14], $0x20, s28, s14, $0xb8;
	[tilespmem:$0x1E300] =	vst v63  }
0x67: {  	_ =	swait.ge [sflag:s19], $0x2000  }
0x68: {  	[sflag:s19] =	ssyncset.done $0x0  }
0x69: {  	[sflag:s19] =	ssyncadd.s32 $0xFFFFE000  }
0x6a: {  	[spmem:s2] =	stream.indirect.scatter.add.f32 [tilespmem:s16], [sflag:$0x3], $0x20, s29, s14, $0xb8;
	[tilespmem:$0x1E300] =	vst v63  }
0x6b: {  	_ =	swait.ge [sflag:s12], $0x2000  }
0x6c: {  	[sflag:s12] =	ssyncset.done $0x0  }
0x6d: {  	[sflag:s12] =	ssyncadd.s32 $0xFFFFE000  }
0x6e: {  	[tilespmem:s16], [sflag:$0x2] =	stream.indirect.gather [hbm4b:s4+s14], $0x20, s30, s14, $0xb8;
	[tilespmem:$0x1E300] =	vst v63  }
0x6f: {  	_ =	swait.ge [sflag:s17], $0x2000  }
0x70: {  	[sflag:s17] =	ssyncset.done $0x0  }
0x71: {  	[sflag:s17] =	ssyncadd.s32 $0xFFFFE000  }
0x72: {  	[spmem:s2] =	stream.indirect.scatter.add.f32 [tilespmem:s15], [sflag:$0x3], $0x20, s31, s14, $0xb8;
	[tilespmem:$0x1E300] =	vst v63  }
0x73: {  	_ =	swait.ge [sflag:s12], $0x2000  }
0x74: {  	[sflag:s12] =	ssyncset.done $0x0  }
0x75: {  	[sflag:s12] =	ssyncadd.s32 $0xFFFFE000  }
0x76: {  	[tilespmem:s15], [sflag:$0x1] =	stream.indirect.gather [hbm4b:s4+s14], $0x20, s0, s14, $0xb8;
	[tilespmem:$0x1E300] =	vst v63  }
0x77: {  	_ =	swait.ge [sflag:s19], $0x2000  }
0x78: {  	[sflag:s19] =	ssyncset.done $0x0  }
0x79: {  	[sflag:s19] =	ssyncadd.s32 $0xFFFFE000  }
0x7a: {  	[spmem:s2] =	stream.indirect.scatter.add.f32 [tilespmem:s16], [sflag:$0x3], $0x20, s1, s14, $0xb8;
	[tilespmem:$0x1E300] =	vst v63  }
0x7b: {  	_ =	swait.ge [sflag:s12], $0x2000  }
0x7c: {  	[sflag:s12] =	ssyncset.done $0x0  }
0x7d: {  	[sflag:s12] =	ssyncadd.s32 $0xFFFFE000  }
0x7e: {  	[tilespmem:s16], [sflag:$0x2] =	stream.indirect.gather [hbm4b:s4+s14], $0x20, s6, s14, $0xb8;
	[tilespmem:$0x1E300] =	vst v63  }
0x7f: {  	_ =	swait.ge [sflag:s17], $0x2000  }
0x80: {  	[sflag:s17] =	ssyncset.done $0x0  }
0x81: {  	[sflag:s17] =	ssyncadd.s32 $0xFFFFE000  }
0x82: {  	[spmem:s2] =	stream.indirect.scatter.add.f32 [tilespmem:s15], [sflag:$0x3], $0x20, s7, s14, $0xb8;
	[tilespmem:$0x1E300] =	vst v63  }
0x83: {  	_ =	swait.ge [sflag:s12], $0x2000  }
0x84: {  	[sflag:s12] =	ssyncset.done $0x0  }
0x85: {  	[sflag:s12] =	ssyncadd.s32 $0xFFFFE000  }
0x86: {  	[tilespmem:s15], [sflag:$0x1] =	stream.indirect.gather [hbm4b:s4+s14], $0x20, s5, s14, $0xb8;
	[tilespmem:$0x1E300] =	vst v63  }
0x87: {  	_ =	swait.ge [sflag:s19], $0x2000  }
0x88: {  	[sflag:s19] =	ssyncset.done $0x0  }
0x89: {  	[sflag:s19] =	ssyncadd.s32 $0xFFFFE000  }
0x8a: {  	[spmem:s2] =	stream.indirect.scatter.add.f32 [tilespmem:s16], [sflag:$0x3], $0x20, s9, s14, $0xb8;
	[tilespmem:$0x1E300] =	vst v63  }
0x8b: {  	_ =	swait.ge [sflag:s12], $0x2000  }
0x8c: {  	[sflag:s12] =	ssyncset.done $0x0  }
0x8d: {  	[sflag:s12] =	ssyncadd.s32 $0xFFFFE000  }
0x8e: {  	[tilespmem:s16], [sflag:$0x2] =	stream.indirect.gather [hbm4b:s4+s14], $0x20, s10, s14, $0xb8;
	[tilespmem:$0x1E300] =	vst v63  }
0x8f: {  	_ =	swait.ge [sflag:s17], $0x2000  }
0x90: {  	[sflag:s17] =	ssyncset.done $0x0  }
0x91: {  	[sflag:s17] =	ssyncadd.s32 $0xFFFFE000  }
0x92: {  	[spmem:s2] =	stream.indirect.scatter.add.f32 [tilespmem:s15], [sflag:$0x3], $0x20, s8, s14, $0xb8;
	[tilespmem:$0x1E300] =	vst v63  }
0x93: {  	_ =	swait.ge [sflag:s12], $0x2000  }
0x94: {  	[sflag:s12] =	ssyncset.done $0x0  }
0x95: {  	[sflag:s12] =	ssyncadd.s32 $0xFFFFE000  }
0x96: {  	[tilespmem:s15], [sflag:$0x1] =	stream.indirect.gather [hbm4b:s4+s14], $0x20, s11, s14, $0xb8;
	[tilespmem:$0x1E300] =	vst v63  }
0x97: {  	_ =	swait.ge [sflag:s19], $0x2000  }
0x98: {  	[sflag:s19] =	ssyncset.done $0x0  }
0x99: {  	[sflag:s19] =	ssyncadd.s32 $0xFFFFE000  }
0x9a: {  	[spmem:s2] =	stream.indirect.scatter.add.f32 [tilespmem:s16], [sflag:$0x3], $0x20, s18, s14, $0xb8;
	[tilespmem:$0x1E300] =	vst v63  }
0x9b: {  	_ =	swait.ge [sflag:s12], $0x2000  }
0x9c: {  	[sflag:s12] =	ssyncset.done $0x0  }
0x9d: {  	[sflag:s12] =	ssyncadd.s32 $0xFFFFE000  }
0x9e: {  	[tilespmem:s16], [sflag:$0x2] =	stream.indirect.gather [hbm4b:s4+s14], $0x20, s20, s14, $0xb8;
	[tilespmem:$0x1E300] =	vst v63  }
0x9f: {  	_ =	swait.ge [sflag:s17], $0x2000  }
0xa0: {  	[sflag:s17] =	ssyncset.done $0x0  }
0xa1: {  	[sflag:s17] =	ssyncadd.s32 $0xFFFFE000  }
0xa2: {  	[spmem:s2] =	stream.indirect.scatter.add.f32 [tilespmem:s15], [sflag:$0x3], $0x20, s21, s14, $0xb8;
	[tilespmem:$0x1E300] =	vst v63  }
0xa3: {  	_ =	swait.ge [sflag:s12], $0x2000  }
0xa4: {  	[sflag:s12] =	ssyncset.done $0x0  }
0xa5: {  	[sflag:s12] =	ssyncadd.s32 $0xFFFFE000  }
0xa6: {  	_ =	swait.ge [sflag:s19], $0x2000  }
0xa7: {  	[sflag:s19] =	ssyncset.done $0x0  }
0xa8: {  	[sflag:s19] =	ssyncadd.s32 $0xFFFFE000  }
0xa9: {  	[spmem:s2] =	stream.indirect.scatter.add.f32 [tilespmem:s16], [sflag:$0x3], $0x20, s22, s14, $0xb8;
	[tilespmem:$0x1E300] =	vst v63  }
0xaa: {  	s23 =	simm.s32 $0x1C0;
	_ =	swait.ge [sflag:s12], $0x2000  }
.LBB2_3:
0xab: {  	s24 =	rddreg [dreg:$0x6];
	s25 =	smov.u32 s23;
	[sflag:s12] =	ssyncset.done $0x0  }
0xac: {  	s24 =	sadd.s32 s25, s24;
	[sflag:s12] =	ssyncadd.s32 $0xFFFFE000  }
0xad: {  	[tilespmem:s3], [sflag:$0x3] =	stream.linear.gather [hbm4b:s24+s3], $0xE00, $0x38;
	[tilespmem:$0x1E300] =	vst v63  }
0xae: {  	_ =	swait.ge [sflag:s12], $0xE00  }
0xaf: {  	s24 =	rddreg [dreg:$0x5];
	[sflag:s12] =	ssyncset.done $0x0  }
0xb0: {  	[sflag:s12] =	ssyncadd.s32 $0xFFFFF200;
	s24 =	sadd.s32 s25, s24  }
0xb1: {  	[tilespmem:s13], [sflag:$0x3] =	stream.linear.gather [hbm4b:s24+s3], $0xE00, $0x38;
	[tilespmem:$0x1E300] =	vst v63  }
0xb2: {  	_ =	swait.ge [sflag:s12], $0xE00  }
0xb3: {  	[sflag:s12] =	ssyncset.done $0x0  }
0xb4: {  	[sflag:s12] =	ssyncadd.s32 $0xFFFFF200  }
0xb5: {  	[tilespmem:s15], [sflag:$0x1] =	stream.indirect.gather [hbm4b:s4+s14], $0x20, s3, s14, $0xb8;
	[tilespmem:$0x1E300] =	vst v63  }
0xb6: {  	_ = 	snop  }
0xb7: {  	[tilespmem:s16], [sflag:$0x2] =	stream.indirect.gather [hbm4b:s4+s14], $0x20, s14, s14, $0xb8;
	[tilespmem:$0x1E300] =	vst v63  }
0xb8: {  	_ =	swait.ge [sflag:s17], $0x2000  }
0xb9: {  	[sflag:s17] =	ssyncset.done $0x0  }
0xba: {  	[sflag:s17] =	ssyncadd.s32 $0xFFFFE000  }
0xbb: {  	[spmem:s2] =	stream.indirect.scatter.add.f32 [tilespmem:s15], [sflag:$0x3], $0x20, s13, s14, $0xb8;
	[tilespmem:$0x1E300] =	vst v63  }
0xbc: {  	_ =	swait.ge [sflag:s12], $0x2000  }
0xbd: {  	[sflag:s12] =	ssyncset.done $0x0  }
0xbe: {  	s25 =	simm.s32 $0x200;
	[sflag:s12] =	ssyncadd.s32 $0xFFFFE000  }
0xbf: {  	[tilespmem:s15], [sflag:$0x1] =	stream.indirect.gather [hbm4b:s4+s14], $0x20, s25, s14, $0xb8;
	[tilespmem:$0x1E300] =	vst v63  }
0xc0: {  	_ =	swait.ge [sflag:s19], $0x2000  }
0xc1: {  	[sflag:s19] =	ssyncset.done $0x0  }
0xc2: {  	s25 =	simm.s32 $0xF00;
	[sflag:s19] =	ssyncadd.s32 $0xFFFFE000  }
0xc3: {  	[spmem:s2] =	stream.indirect.scatter.add.f32 [tilespmem:s16], [sflag:$0x3], $0x20, s25, s14, $0xb8;
	[tilespmem:$0x1E300] =	vst v63  }
0xc4: {  	_ =	swait.ge [sflag:s12], $0x2000  }
0xc5: {  	[sflag:s12] =	ssyncset.done $0x0  }
0xc6: {  	s25 =	simm.s32 $0x300;
	[sflag:s12] =	ssyncadd.s32 $0xFFFFE000  }
0xc7: {  	[tilespmem:s16], [sflag:$0x2] =	stream.indirect.gather [hbm4b:s4+s14], $0x20, s25, s14, $0xb8;
	[tilespmem:$0x1E300] =	vst v63  }
0xc8: {  	_ =	swait.ge [sflag:s17], $0x2000  }
0xc9: {  	[sflag:s17] =	ssyncset.done $0x0  }
0xca: {  	s25 =	simm.s32 $0x1000;
	[sflag:s17] =	ssyncadd.s32 $0xFFFFE000  }
0xcb: {  	[spmem:s2] =	stream.indirect.scatter.add.f32 [tilespmem:s15], [sflag:$0x3], $0x20, s25, s14, $0xb8;
	[tilespmem:$0x1E300] =	vst v63  }
0xcc: {  	_ =	swait.ge [sflag:s12], $0x2000  }
0xcd: {  	[sflag:s12] =	ssyncset.done $0x0  }
0xce: {  	s25 =	simm.s32 $0x400;
	[sflag:s12] =	ssyncadd.s32 $0xFFFFE000  }
0xcf: {  	[tilespmem:s15], [sflag:$0x1] =	stream.indirect.gather [hbm4b:s4+s14], $0x20, s25, s14, $0xb8;
	[tilespmem:$0x1E300] =	vst v63  }
0xd0: {  	_ =	swait.ge [sflag:s19], $0x2000  }
0xd1: {  	[sflag:s19] =	ssyncset.done $0x0  }
0xd2: {  	s25 =	simm.s32 $0x1100;
	[sflag:s19] =	ssyncadd.s32 $0xFFFFE000  }
0xd3: {  	[spmem:s2] =	stream.indirect.scatter.add.f32 [tilespmem:s16], [sflag:$0x3], $0x20, s25, s14, $0xb8;
	[tilespmem:$0x1E300] =	vst v63  }
0xd4: {  	_ =	swait.ge [sflag:s12], $0x2000  }
0xd5: {  	[sflag:s12] =	ssyncset.done $0x0  }
0xd6: {  	s25 =	simm.s32 $0x500;
	[sflag:s12] =	ssyncadd.s32 $0xFFFFE000  }
0xd7: {  	[tilespmem:s16], [sflag:$0x2] =	stream.indirect.gather [hbm4b:s4+s14], $0x20, s25, s14, $0xb8;
	[tilespmem:$0x1E300] =	vst v63  }
0xd8: {  	_ =	swait.ge [sflag:s17], $0x2000  }
0xd9: {  	[sflag:s17] =	ssyncset.done $0x0  }
0xda: {  	[sflag:s17] =	ssyncadd.s32 $0xFFFFE000  }
0xdb: {  	[spmem:s2] =	stream.indirect.scatter.add.f32 [tilespmem:s15], [sflag:$0x3], $0x20, s26, s14, $0xb8;
	[tilespmem:$0x1E300] =	vst v63  }
0xdc: {  	_ =	swait.ge [sflag:s12], $0x2000  }
0xdd: {  	[sflag:s12] =	ssyncset.done $0x0  }
0xde: {  	[sflag:s12] =	ssyncadd.s32 $0xFFFFE000  }
0xdf: {  	[tilespmem:s15], [sflag:$0x1] =	stream.indirect.gather [hbm4b:s4+s14], $0x20, s28, s14, $0xb8;
	[tilespmem:$0x1E300] =	vst v63  }
0xe0: {  	_ =	swait.ge [sflag:s19], $0x2000  }
0xe1: {  	[sflag:s19] =	ssyncset.done $0x0  }
0xe2: {  	[sflag:s19] =	ssyncadd.s32 $0xFFFFE000  }
0xe3: {  	[spmem:s2] =	stream.indirect.scatter.add.f32 [tilespmem:s16], [sflag:$0x3], $0x20, s29, s14, $0xb8;
	[tilespmem:$0x1E300] =	vst v63  }
0xe4: {  	_ =	swait.ge [sflag:s12], $0x2000  }
0xe5: {  	[sflag:s12] =	ssyncset.done $0x0  }
0xe6: {  	[sflag:s12] =	ssyncadd.s32 $0xFFFFE000  }
0xe7: {  	[tilespmem:s16], [sflag:$0x2] =	stream.indirect.gather [hbm4b:s4+s14], $0x20, s30, s14, $0xb8;
	[tilespmem:$0x1E300] =	vst v63  }
0xe8: {  	_ =	swait.ge [sflag:s17], $0x2000  }
0xe9: {  	[sflag:s17] =	ssyncset.done $0x0  }
0xea: {  	[sflag:s17] =	ssyncadd.s32 $0xFFFFE000  }
0xeb: {  	[spmem:s2] =	stream.indirect.scatter.add.f32 [tilespmem:s15], [sflag:$0x3], $0x20, s31, s14, $0xb8;
	[tilespmem:$0x1E300] =	vst v63  }
0xec: {  	_ =	swait.ge [sflag:s12], $0x2000  }
0xed: {  	[sflag:s12] =	ssyncset.done $0x0  }
0xee: {  	[sflag:s12] =	ssyncadd.s32 $0xFFFFE000  }
0xef: {  	[tilespmem:s15], [sflag:$0x1] =	stream.indirect.gather [hbm4b:s4+s14], $0x20, s0, s14, $0xb8;
	[tilespmem:$0x1E300] =	vst v63  }
0xf0: {  	_ =	swait.ge [sflag:s19], $0x2000  }
0xf1: {  	[sflag:s19] =	ssyncset.done $0x0  }
0xf2: {  	[sflag:s19] =	ssyncadd.s32 $0xFFFFE000  }
0xf3: {  	[spmem:s2] =	stream.indirect.scatter.add.f32 [tilespmem:s16], [sflag:$0x3], $0x20, s1, s14, $0xb8;
	[tilespmem:$0x1E300] =	vst v63  }
0xf4: {  	_ =	swait.ge [sflag:s12], $0x2000  }
0xf5: {  	[sflag:s12] =	ssyncset.done $0x0  }
0xf6: {  	[sflag:s12] =	ssyncadd.s32 $0xFFFFE000  }
0xf7: {  	[tilespmem:s16], [sflag:$0x2] =	stream.indirect.gather [hbm4b:s4+s14], $0x20, s6, s14, $0xb8;
	[tilespmem:$0x1E300] =	vst v63  }
0xf8: {  	_ =	swait.ge [sflag:s17], $0x2000  }
0xf9: {  	[sflag:s17] =	ssyncset.done $0x0  }
0xfa: {  	[sflag:s17] =	ssyncadd.s32 $0xFFFFE000  }
0xfb: {  	[spmem:s2] =	stream.indirect.scatter.add.f32 [tilespmem:s15], [sflag:$0x3], $0x20, s7, s14, $0xb8;
	[tilespmem:$0x1E300] =	vst v63  }
0xfc: {  	_ =	swait.ge [sflag:s12], $0x2000  }
0xfd: {  	[sflag:s12] =	ssyncset.done $0x0  }
0xfe: {  	[sflag:s12] =	ssyncadd.s32 $0xFFFFE000  }
0xff: {  	[tilespmem:s15], [sflag:$0x1] =	stream.indirect.gather [hbm4b:s4+s14], $0x20, s5, s14, $0xb8;
	[tilespmem:$0x1E300] =	vst v63  }
0x100: {  	_ =	swait.ge [sflag:s19], $0x2000  }
0x101: {  	[sflag:s19] =	ssyncset.done $0x0  }
0x102: {  	[sflag:s19] =	ssyncadd.s32 $0xFFFFE000  }
0x103: {  	[spmem:s2] =	stream.indirect.scatter.add.f32 [tilespmem:s16], [sflag:$0x3], $0x20, s9, s14, $0xb8;
	[tilespmem:$0x1E300] =	vst v63  }
0x104: {  	_ =	swait.ge [sflag:s12], $0x2000  }
0x105: {  	[sflag:s12] =	ssyncset.done $0x0  }
0x106: {  	[sflag:s12] =	ssyncadd.s32 $0xFFFFE000  }
0x107: {  	[tilespmem:s16], [sflag:$0x2] =	stream.indirect.gather [hbm4b:s4+s14], $0x20, s10, s14, $0xb8;
	[tilespmem:$0x1E300] =	vst v63  }
0x108: {  	_ =	swait.ge [sflag:s17], $0x2000  }
0x109: {  	[sflag:s17] =	ssyncset.done $0x0  }
0x10a: {  	[sflag:s17] =	ssyncadd.s32 $0xFFFFE000  }
0x10b: {  	[spmem:s2] =	stream.indirect.scatter.add.f32 [tilespmem:s15], [sflag:$0x3], $0x20, s8, s14, $0xb8;
	[tilespmem:$0x1E300] =	vst v63  }
0x10c: {  	_ =	swait.ge [sflag:s12], $0x2000  }
0x10d: {  	[sflag:s12] =	ssyncset.done $0x0  }
0x10e: {  	[sflag:s12] =	ssyncadd.s32 $0xFFFFE000  }
0x10f: {  	[tilespmem:s15], [sflag:$0x1] =	stream.indirect.gather [hbm4b:s4+s14], $0x20, s11, s14, $0xb8;
	[tilespmem:$0x1E300] =	vst v63  }
0x110: {  	_ =	swait.ge [sflag:s19], $0x2000  }
0x111: {  	[sflag:s19] =	ssyncset.done $0x0  }
0x112: {  	[sflag:s19] =	ssyncadd.s32 $0xFFFFE000  }
0x113: {  	[spmem:s2] =	stream.indirect.scatter.add.f32 [tilespmem:s16], [sflag:$0x3], $0x20, s18, s14, $0xb8;
	[tilespmem:$0x1E300] =	vst v63  }
0x114: {  	_ =	swait.ge [sflag:s12], $0x2000  }
0x115: {  	[sflag:s12] =	ssyncset.done $0x0  }
0x116: {  	[sflag:s12] =	ssyncadd.s32 $0xFFFFE000  }
0x117: {  	[tilespmem:s16], [sflag:$0x2] =	stream.indirect.gather [hbm4b:s4+s14], $0x20, s20, s14, $0xb8;
	[tilespmem:$0x1E300] =	vst v63  }
0x118: {  	_ =	swait.ge [sflag:s17], $0x2000  }
0x119: {  	[sflag:s17] =	ssyncset.done $0x0  }
0x11a: {  	[sflag:s17] =	ssyncadd.s32 $0xFFFFE000  }
0x11b: {  	[spmem:s2] =	stream.indirect.scatter.add.f32 [tilespmem:s15], [sflag:$0x3], $0x20, s21, s14, $0xb8;
	[tilespmem:$0x1E300] =	vst v63  }
0x11c: {  	_ =	swait.ge [sflag:s12], $0x2000  }
0x11d: {  	[sflag:s12] =	ssyncset.done $0x0  }
0x11e: {  	p1 =	seq.s32 s23, $0xA80;
	[sflag:s12] =	ssyncadd.s32 $0xFFFFE000  }
.Ltmp3:
0x11f: {  	_ =	swait.ge [sflag:s19], $0x2000;
	(pc) =	sbr.rel @!p1 .LBB2_3-.Ltmp3, $4  }
0x120: {  	[sflag:s19] =	ssyncset.done $0x0  }
0x121: {  	[sflag:s19] =	ssyncadd.s32 $0xFFFFE000  }
0x122: {  	[spmem:s2] =	stream.indirect.scatter.add.f32 [tilespmem:s16], [sflag:$0x3], $0x20, s22, s14, $0xb8;
	[tilespmem:$0x1E300] =	vst v63  }
0x123: {  	s23 =	sadd.s32 $0x1C0, s23;
	_ =	swait.ge [sflag:s12], $0x2000  }
.Ltmp4:
0x124: {  	(pc) =	sbr.rel .LBB2_8-.Ltmp4, $3  }
0x125: {  	_ =	sdelay $0x1  }
0x126: {  	[sflag:s12] =	ssyncset.done $0x0  }
0x127: {  	s23 =	rddreg [dreg:$0x8];
	[sflag:s12] =	ssyncadd.s32 $0xFFFFE000  }
.LBB2_5:
0x128: {  	s23 =	rddreg [dreg:$0x4]  }
0x129: {  	s23 =	sadd.s32 $0x0, s23  }
0x12a: {  	[tilespmem:s3], [sflag:$0x3] =	stream.linear.gather [hbm4b:s23+s3], $0xE00, $0x38;
	[tilespmem:$0x1E300] =	vst v63  }
0x12b: {  	_ =	swait.ge [sflag:s12], $0xE00  }
0x12c: {  	s24 =	rddreg [dreg:$0x3];
	[sflag:s12] =	ssyncset.done $0x0  }
0x12d: {  	[sflag:s12] =	ssyncadd.s32 $0xFFFFF200;
	s23 =	sadd.s32 $0x0, s24  }
0x12e: {  	[tilespmem:s13], [sflag:$0x3] =	stream.linear.gather [hbm4b:s23+s3], $0xE00, $0x38;
	[tilespmem:$0x1E300] =	vst v63  }
0x12f: {  	_ =	swait.ge [sflag:s12], $0xE00  }
0x130: {  	[sflag:s12] =	ssyncset.done $0x0  }
0x131: {  	[sflag:s12] =	ssyncadd.s32 $0xFFFFF200  }
0x132: {  	[tilespmem:s15], [sflag:$0x1] =	stream.indirect.gather [hbm4b:s4+s14], $0x20, s3, s14, $0xb8;
	[tilespmem:$0x1E300] =	vst v63  }
0x133: {  	_ = 	snop  }
0x134: {  	[tilespmem:s16], [sflag:$0x2] =	stream.indirect.gather [hbm4b:s4+s14], $0x20, s14, s14, $0xb8;
	[tilespmem:$0x1E300] =	vst v63  }
0x135: {  	_ =	swait.ge [sflag:s17], $0x2000  }
0x136: {  	[sflag:s17] =	ssyncset.done $0x0  }
0x137: {  	[sflag:s17] =	ssyncadd.s32 $0xFFFFE000  }
0x138: {  	[spmem:s2] =	stream.indirect.scatter.add.f32 [tilespmem:s15], [sflag:$0x3], $0x20, s13, s14, $0xb8;
	[tilespmem:$0x1E300] =	vst v63  }
0x139: {  	_ =	swait.ge [sflag:s12], $0x2000  }
0x13a: {  	[sflag:s12] =	ssyncset.done $0x0  }
0x13b: {  	s25 =	simm.s32 $0x200;
	[sflag:s12] =	ssyncadd.s32 $0xFFFFE000  }
0x13c: {  	[tilespmem:s15], [sflag:$0x1] =	stream.indirect.gather [hbm4b:s4+s14], $0x20, s25, s14, $0xb8;
	[tilespmem:$0x1E300] =	vst v63  }
0x13d: {  	_ =	swait.ge [sflag:s19], $0x2000  }
0x13e: {  	[sflag:s19] =	ssyncset.done $0x0  }
0x13f: {  	s24 =	simm.s32 $0xF00;
	[sflag:s19] =	ssyncadd.s32 $0xFFFFE000  }
0x140: {  	[spmem:s2] =	stream.indirect.scatter.add.f32 [tilespmem:s16], [sflag:$0x3], $0x20, s24, s14, $0xb8;
	[tilespmem:$0x1E300] =	vst v63  }
0x141: {  	_ =	swait.ge [sflag:s12], $0x2000  }
0x142: {  	[sflag:s12] =	ssyncset.done $0x0  }
0x143: {  	s25 =	simm.s32 $0x300;
	[sflag:s12] =	ssyncadd.s32 $0xFFFFE000  }
0x144: {  	[tilespmem:s16], [sflag:$0x2] =	stream.indirect.gather [hbm4b:s4+s14], $0x20, s25, s14, $0xb8;
	[tilespmem:$0x1E300] =	vst v63  }
0x145: {  	_ =	swait.ge [sflag:s17], $0x2000  }
0x146: {  	[sflag:s17] =	ssyncset.done $0x0  }
0x147: {  	s24 =	simm.s32 $0x1000;
	[sflag:s17] =	ssyncadd.s32 $0xFFFFE000  }
0x148: {  	[spmem:s2] =	stream.indirect.scatter.add.f32 [tilespmem:s15], [sflag:$0x3], $0x20, s24, s14, $0xb8;
	[tilespmem:$0x1E300] =	vst v63  }
0x149: {  	_ =	swait.ge [sflag:s12], $0x2000  }
0x14a: {  	[sflag:s12] =	ssyncset.done $0x0  }
0x14b: {  	s25 =	simm.s32 $0x400;
	[sflag:s12] =	ssyncadd.s32 $0xFFFFE000  }
0x14c: {  	[tilespmem:s15], [sflag:$0x1] =	stream.indirect.gather [hbm4b:s4+s14], $0x20, s25, s14, $0xb8;
	[tilespmem:$0x1E300] =	vst v63  }
0x14d: {  	_ =	swait.ge [sflag:s19], $0x2000  }
0x14e: {  	[sflag:s19] =	ssyncset.done $0x0  }
0x14f: {  	s24 =	simm.s32 $0x1100;
	[sflag:s19] =	ssyncadd.s32 $0xFFFFE000  }
0x150: {  	[spmem:s2] =	stream.indirect.scatter.add.f32 [tilespmem:s16], [sflag:$0x3], $0x20, s24, s14, $0xb8;
	[tilespmem:$0x1E300] =	vst v63  }
0x151: {  	_ =	swait.ge [sflag:s12], $0x2000  }
0x152: {  	[sflag:s12] =	ssyncset.done $0x0  }
0x153: {  	s25 =	simm.s32 $0x500;
	[sflag:s12] =	ssyncadd.s32 $0xFFFFE000  }
0x154: {  	[tilespmem:s16], [sflag:$0x2] =	stream.indirect.gather [hbm4b:s4+s14], $0x20, s25, s14, $0xb8;
	[tilespmem:$0x1E300] =	vst v63  }
0x155: {  	_ =	swait.ge [sflag:s17], $0x2000  }
0x156: {  	[sflag:s17] =	ssyncset.done $0x0  }
0x157: {  	[sflag:s17] =	ssyncadd.s32 $0xFFFFE000  }
0x158: {  	[spmem:s2] =	stream.indirect.scatter.add.f32 [tilespmem:s15], [sflag:$0x3], $0x20, s26, s14, $0xb8;
	[tilespmem:$0x1E300] =	vst v63  }
0x159: {  	_ =	swait.ge [sflag:s12], $0x2000  }
0x15a: {  	[sflag:s12] =	ssyncset.done $0x0  }
0x15b: {  	[sflag:s12] =	ssyncadd.s32 $0xFFFFE000  }
0x15c: {  	[tilespmem:s15], [sflag:$0x1] =	stream.indirect.gather [hbm4b:s4+s14], $0x20, s28, s14, $0xb8;
	[tilespmem:$0x1E300] =	vst v63  }
0x15d: {  	_ =	swait.ge [sflag:s19], $0x2000  }
0x15e: {  	[sflag:s19] =	ssyncset.done $0x0  }
0x15f: {  	[sflag:s19] =	ssyncadd.s32 $0xFFFFE000  }
0x160: {  	[spmem:s2] =	stream.indirect.scatter.add.f32 [tilespmem:s16], [sflag:$0x3], $0x20, s29, s14, $0xb8;
	[tilespmem:$0x1E300] =	vst v63  }
0x161: {  	_ =	swait.ge [sflag:s12], $0x2000  }
0x162: {  	[sflag:s12] =	ssyncset.done $0x0  }
0x163: {  	[sflag:s12] =	ssyncadd.s32 $0xFFFFE000  }
0x164: {  	[tilespmem:s16], [sflag:$0x2] =	stream.indirect.gather [hbm4b:s4+s14], $0x20, s30, s14, $0xb8;
	[tilespmem:$0x1E300] =	vst v63  }
0x165: {  	_ =	swait.ge [sflag:s17], $0x2000  }
0x166: {  	[sflag:s17] =	ssyncset.done $0x0  }
0x167: {  	[sflag:s17] =	ssyncadd.s32 $0xFFFFE000  }
0x168: {  	[spmem:s2] =	stream.indirect.scatter.add.f32 [tilespmem:s15], [sflag:$0x3], $0x20, s31, s14, $0xb8;
	[tilespmem:$0x1E300] =	vst v63  }
0x169: {  	_ =	swait.ge [sflag:s12], $0x2000  }
0x16a: {  	[sflag:s12] =	ssyncset.done $0x0  }
0x16b: {  	[sflag:s12] =	ssyncadd.s32 $0xFFFFE000  }
0x16c: {  	[tilespmem:s15], [sflag:$0x1] =	stream.indirect.gather [hbm4b:s4+s14], $0x20, s0, s14, $0xb8;
	[tilespmem:$0x1E300] =	vst v63  }
0x16d: {  	_ =	swait.ge [sflag:s19], $0x2000  }
0x16e: {  	[sflag:s19] =	ssyncset.done $0x0  }
0x16f: {  	[sflag:s19] =	ssyncadd.s32 $0xFFFFE000  }
0x170: {  	[spmem:s2] =	stream.indirect.scatter.add.f32 [tilespmem:s16], [sflag:$0x3], $0x20, s1, s14, $0xb8;
	[tilespmem:$0x1E300] =	vst v63  }
0x171: {  	_ =	swait.ge [sflag:s12], $0x2000  }
0x172: {  	[sflag:s12] =	ssyncset.done $0x0  }
0x173: {  	[sflag:s12] =	ssyncadd.s32 $0xFFFFE000  }
0x174: {  	[tilespmem:s16], [sflag:$0x2] =	stream.indirect.gather [hbm4b:s4+s14], $0x20, s6, s14, $0xb8;
	[tilespmem:$0x1E300] =	vst v63  }
0x175: {  	_ =	swait.ge [sflag:s17], $0x2000  }
0x176: {  	[sflag:s17] =	ssyncset.done $0x0  }
0x177: {  	[sflag:s17] =	ssyncadd.s32 $0xFFFFE000  }
0x178: {  	[spmem:s2] =	stream.indirect.scatter.add.f32 [tilespmem:s15], [sflag:$0x3], $0x20, s7, s14, $0xb8;
	[tilespmem:$0x1E300] =	vst v63  }
0x179: {  	_ =	swait.ge [sflag:s12], $0x2000  }
0x17a: {  	[sflag:s12] =	ssyncset.done $0x0  }
0x17b: {  	[sflag:s12] =	ssyncadd.s32 $0xFFFFE000  }
0x17c: {  	[tilespmem:s15], [sflag:$0x1] =	stream.indirect.gather [hbm4b:s4+s14], $0x20, s5, s14, $0xb8;
	[tilespmem:$0x1E300] =	vst v63  }
0x17d: {  	_ =	swait.ge [sflag:s19], $0x2000  }
0x17e: {  	[sflag:s19] =	ssyncset.done $0x0  }
0x17f: {  	[sflag:s19] =	ssyncadd.s32 $0xFFFFE000  }
0x180: {  	[spmem:s2] =	stream.indirect.scatter.add.f32 [tilespmem:s16], [sflag:$0x3], $0x20, s9, s14, $0xb8;
	[tilespmem:$0x1E300] =	vst v63  }
0x181: {  	_ =	swait.ge [sflag:s12], $0x2000  }
0x182: {  	[sflag:s12] =	ssyncset.done $0x0  }
0x183: {  	[sflag:s12] =	ssyncadd.s32 $0xFFFFE000  }
0x184: {  	[tilespmem:s16], [sflag:$0x2] =	stream.indirect.gather [hbm4b:s4+s14], $0x20, s10, s14, $0xb8;
	[tilespmem:$0x1E300] =	vst v63  }
0x185: {  	_ =	swait.ge [sflag:s17], $0x2000  }
0x186: {  	[sflag:s17] =	ssyncset.done $0x0  }
0x187: {  	[sflag:s17] =	ssyncadd.s32 $0xFFFFE000  }
0x188: {  	[spmem:s2] =	stream.indirect.scatter.add.f32 [tilespmem:s15], [sflag:$0x3], $0x20, s8, s14, $0xb8;
	[tilespmem:$0x1E300] =	vst v63  }
0x189: {  	_ =	swait.ge [sflag:s12], $0x2000  }
0x18a: {  	[sflag:s12] =	ssyncset.done $0x0  }
0x18b: {  	[sflag:s12] =	ssyncadd.s32 $0xFFFFE000  }
0x18c: {  	[tilespmem:s15], [sflag:$0x1] =	stream.indirect.gather [hbm4b:s4+s14], $0x20, s11, s14, $0xb8;
	[tilespmem:$0x1E300] =	vst v63  }
0x18d: {  	_ =	swait.ge [sflag:s19], $0x2000  }
0x18e: {  	[sflag:s19] =	ssyncset.done $0x0  }
0x18f: {  	[sflag:s19] =	ssyncadd.s32 $0xFFFFE000  }
0x190: {  	[spmem:s2] =	stream.indirect.scatter.add.f32 [tilespmem:s16], [sflag:$0x3], $0x20, s18, s14, $0xb8;
	[tilespmem:$0x1E300] =	vst v63  }
0x191: {  	_ =	swait.ge [sflag:s12], $0x2000  }
0x192: {  	[sflag:s12] =	ssyncset.done $0x0  }
0x193: {  	[sflag:s12] =	ssyncadd.s32 $0xFFFFE000  }
0x194: {  	[tilespmem:s16], [sflag:$0x2] =	stream.indirect.gather [hbm4b:s4+s14], $0x20, s20, s14, $0xb8;
	[tilespmem:$0x1E300] =	vst v63  }
0x195: {  	_ =	swait.ge [sflag:s17], $0x2000  }
0x196: {  	[sflag:s17] =	ssyncset.done $0x0  }
0x197: {  	[sflag:s17] =	ssyncadd.s32 $0xFFFFE000  }
0x198: {  	[spmem:s2] =	stream.indirect.scatter.add.f32 [tilespmem:s15], [sflag:$0x3], $0x20, s21, s14, $0xb8;
	[tilespmem:$0x1E300] =	vst v63  }
0x199: {  	_ =	swait.ge [sflag:s12], $0x2000  }
0x19a: {  	[sflag:s12] =	ssyncset.done $0x0  }
0x19b: {  	[sflag:s12] =	ssyncadd.s32 $0xFFFFE000  }
0x19c: {  	_ =	swait.ge [sflag:s19], $0x2000  }
0x19d: {  	[sflag:s19] =	ssyncset.done $0x0  }
0x19e: {  	[sflag:s19] =	ssyncadd.s32 $0xFFFFE000  }
0x19f: {  	[spmem:s2] =	stream.indirect.scatter.add.f32 [tilespmem:s16], [sflag:$0x3], $0x20, s22, s14, $0xb8;
	[tilespmem:$0x1E300] =	vst v63  }
0x1a0: {  	s23 =	simm.s32 $0x1C0;
	_ =	swait.ge [sflag:s12], $0x2000  }
.LBB2_6:
0x1a1: {  	s24 =	rddreg [dreg:$0x4];
	s25 =	smov.u32 s23;
	[sflag:s12] =	ssyncset.done $0x0  }
0x1a2: {  	s24 =	sadd.s32 s25, s24;
	[sflag:s12] =	ssyncadd.s32 $0xFFFFE000  }
0x1a3: {  	[tilespmem:s3], [sflag:$0x3] =	stream.linear.gather [hbm4b:s24+s3], $0xE00, $0x38;
	[tilespmem:$0x1E300] =	vst v63  }
0x1a4: {  	_ =	swait.ge [sflag:s12], $0xE00  }
0x1a5: {  	s24 =	rddreg [dreg:$0x3];
	[sflag:s12] =	ssyncset.done $0x0  }
0x1a6: {  	[sflag:s12] =	ssyncadd.s32 $0xFFFFF200;
	s24 =	sadd.s32 s25, s24  }
0x1a7: {  	[tilespmem:s13], [sflag:$0x3] =	stream.linear.gather [hbm4b:s24+s3], $0xE00, $0x38;
	[tilespmem:$0x1E300] =	vst v63  }
0x1a8: {  	_ =	swait.ge [sflag:s12], $0xE00  }
0x1a9: {  	[sflag:s12] =	ssyncset.done $0x0  }
0x1aa: {  	[sflag:s12] =	ssyncadd.s32 $0xFFFFF200  }
0x1ab: {  	[tilespmem:s15], [sflag:$0x1] =	stream.indirect.gather [hbm4b:s4+s14], $0x20, s3, s14, $0xb8;
	[tilespmem:$0x1E300] =	vst v63  }
0x1ac: {  	_ = 	snop  }
0x1ad: {  	[tilespmem:s16], [sflag:$0x2] =	stream.indirect.gather [hbm4b:s4+s14], $0x20, s14, s14, $0xb8;
	[tilespmem:$0x1E300] =	vst v63  }
0x1ae: {  	_ =	swait.ge [sflag:s17], $0x2000  }
0x1af: {  	[sflag:s17] =	ssyncset.done $0x0  }
0x1b0: {  	[sflag:s17] =	ssyncadd.s32 $0xFFFFE000  }
0x1b1: {  	[spmem:s2] =	stream.indirect.scatter.add.f32 [tilespmem:s15], [sflag:$0x3], $0x20, s13, s14, $0xb8;
	[tilespmem:$0x1E300] =	vst v63  }
0x1b2: {  	_ =	swait.ge [sflag:s12], $0x2000  }
0x1b3: {  	[sflag:s12] =	ssyncset.done $0x0  }
0x1b4: {  	s25 =	simm.s32 $0x200;
	[sflag:s12] =	ssyncadd.s32 $0xFFFFE000  }
0x1b5: {  	[tilespmem:s15], [sflag:$0x1] =	stream.indirect.gather [hbm4b:s4+s14], $0x20, s25, s14, $0xb8;
	[tilespmem:$0x1E300] =	vst v63  }
0x1b6: {  	_ =	swait.ge [sflag:s19], $0x2000  }
0x1b7: {  	[sflag:s19] =	ssyncset.done $0x0  }
0x1b8: {  	s25 =	simm.s32 $0xF00;
	[sflag:s19] =	ssyncadd.s32 $0xFFFFE000  }
0x1b9: {  	[spmem:s2] =	stream.indirect.scatter.add.f32 [tilespmem:s16], [sflag:$0x3], $0x20, s25, s14, $0xb8;
	[tilespmem:$0x1E300] =	vst v63  }
0x1ba: {  	_ =	swait.ge [sflag:s12], $0x2000  }
0x1bb: {  	[sflag:s12] =	ssyncset.done $0x0  }
0x1bc: {  	s25 =	simm.s32 $0x300;
	[sflag:s12] =	ssyncadd.s32 $0xFFFFE000  }
0x1bd: {  	[tilespmem:s16], [sflag:$0x2] =	stream.indirect.gather [hbm4b:s4+s14], $0x20, s25, s14, $0xb8;
	[tilespmem:$0x1E300] =	vst v63  }
0x1be: {  	_ =	swait.ge [sflag:s17], $0x2000  }
0x1bf: {  	[sflag:s17] =	ssyncset.done $0x0  }
0x1c0: {  	s25 =	simm.s32 $0x1000;
	[sflag:s17] =	ssyncadd.s32 $0xFFFFE000  }
0x1c1: {  	[spmem:s2] =	stream.indirect.scatter.add.f32 [tilespmem:s15], [sflag:$0x3], $0x20, s25, s14, $0xb8;
	[tilespmem:$0x1E300] =	vst v63  }
0x1c2: {  	_ =	swait.ge [sflag:s12], $0x2000  }
0x1c3: {  	[sflag:s12] =	ssyncset.done $0x0  }
0x1c4: {  	s25 =	simm.s32 $0x400;
	[sflag:s12] =	ssyncadd.s32 $0xFFFFE000  }
0x1c5: {  	[tilespmem:s15], [sflag:$0x1] =	stream.indirect.gather [hbm4b:s4+s14], $0x20, s25, s14, $0xb8;
	[tilespmem:$0x1E300] =	vst v63  }
0x1c6: {  	_ =	swait.ge [sflag:s19], $0x2000  }
0x1c7: {  	[sflag:s19] =	ssyncset.done $0x0  }
0x1c8: {  	s25 =	simm.s32 $0x1100;
	[sflag:s19] =	ssyncadd.s32 $0xFFFFE000  }
0x1c9: {  	[spmem:s2] =	stream.indirect.scatter.add.f32 [tilespmem:s16], [sflag:$0x3], $0x20, s25, s14, $0xb8;
	[tilespmem:$0x1E300] =	vst v63  }
0x1ca: {  	_ =	swait.ge [sflag:s12], $0x2000  }
0x1cb: {  	[sflag:s12] =	ssyncset.done $0x0  }
0x1cc: {  	s25 =	simm.s32 $0x500;
	[sflag:s12] =	ssyncadd.s32 $0xFFFFE000  }
0x1cd: {  	[tilespmem:s16], [sflag:$0x2] =	stream.indirect.gather [hbm4b:s4+s14], $0x20, s25, s14, $0xb8;
	[tilespmem:$0x1E300] =	vst v63  }
0x1ce: {  	_ =	swait.ge [sflag:s17], $0x2000  }
0x1cf: {  	[sflag:s17] =	ssyncset.done $0x0  }
0x1d0: {  	[sflag:s17] =	ssyncadd.s32 $0xFFFFE000  }
0x1d1: {  	[spmem:s2] =	stream.indirect.scatter.add.f32 [tilespmem:s15], [sflag:$0x3], $0x20, s26, s14, $0xb8;
	[tilespmem:$0x1E300] =	vst v63  }
0x1d2: {  	_ =	swait.ge [sflag:s12], $0x2000  }
0x1d3: {  	[sflag:s12] =	ssyncset.done $0x0  }
0x1d4: {  	[sflag:s12] =	ssyncadd.s32 $0xFFFFE000  }
0x1d5: {  	[tilespmem:s15], [sflag:$0x1] =	stream.indirect.gather [hbm4b:s4+s14], $0x20, s28, s14, $0xb8;
	[tilespmem:$0x1E300] =	vst v63  }
0x1d6: {  	_ =	swait.ge [sflag:s19], $0x2000  }
0x1d7: {  	[sflag:s19] =	ssyncset.done $0x0  }
0x1d8: {  	[sflag:s19] =	ssyncadd.s32 $0xFFFFE000  }
0x1d9: {  	[spmem:s2] =	stream.indirect.scatter.add.f32 [tilespmem:s16], [sflag:$0x3], $0x20, s29, s14, $0xb8;
	[tilespmem:$0x1E300] =	vst v63  }
0x1da: {  	_ =	swait.ge [sflag:s12], $0x2000  }
0x1db: {  	[sflag:s12] =	ssyncset.done $0x0  }
0x1dc: {  	[sflag:s12] =	ssyncadd.s32 $0xFFFFE000  }
0x1dd: {  	[tilespmem:s16], [sflag:$0x2] =	stream.indirect.gather [hbm4b:s4+s14], $0x20, s30, s14, $0xb8;
	[tilespmem:$0x1E300] =	vst v63  }
0x1de: {  	_ =	swait.ge [sflag:s17], $0x2000  }
0x1df: {  	[sflag:s17] =	ssyncset.done $0x0  }
0x1e0: {  	[sflag:s17] =	ssyncadd.s32 $0xFFFFE000  }
0x1e1: {  	[spmem:s2] =	stream.indirect.scatter.add.f32 [tilespmem:s15], [sflag:$0x3], $0x20, s31, s14, $0xb8;
	[tilespmem:$0x1E300] =	vst v63  }
0x1e2: {  	_ =	swait.ge [sflag:s12], $0x2000  }
0x1e3: {  	[sflag:s12] =	ssyncset.done $0x0  }
0x1e4: {  	[sflag:s12] =	ssyncadd.s32 $0xFFFFE000  }
0x1e5: {  	[tilespmem:s15], [sflag:$0x1] =	stream.indirect.gather [hbm4b:s4+s14], $0x20, s0, s14, $0xb8;
	[tilespmem:$0x1E300] =	vst v63  }
0x1e6: {  	_ =	swait.ge [sflag:s19], $0x2000  }
0x1e7: {  	[sflag:s19] =	ssyncset.done $0x0  }
0x1e8: {  	[sflag:s19] =	ssyncadd.s32 $0xFFFFE000  }
0x1e9: {  	[spmem:s2] =	stream.indirect.scatter.add.f32 [tilespmem:s16], [sflag:$0x3], $0x20, s1, s14, $0xb8;
	[tilespmem:$0x1E300] =	vst v63  }
0x1ea: {  	_ =	swait.ge [sflag:s12], $0x2000  }
0x1eb: {  	[sflag:s12] =	ssyncset.done $0x0  }
0x1ec: {  	[sflag:s12] =	ssyncadd.s32 $0xFFFFE000  }
0x1ed: {  	[tilespmem:s16], [sflag:$0x2] =	stream.indirect.gather [hbm4b:s4+s14], $0x20, s6, s14, $0xb8;
	[tilespmem:$0x1E300] =	vst v63  }
0x1ee: {  	_ =	swait.ge [sflag:s17], $0x2000  }
0x1ef: {  	[sflag:s17] =	ssyncset.done $0x0  }
0x1f0: {  	[sflag:s17] =	ssyncadd.s32 $0xFFFFE000  }
0x1f1: {  	[spmem:s2] =	stream.indirect.scatter.add.f32 [tilespmem:s15], [sflag:$0x3], $0x20, s7, s14, $0xb8;
	[tilespmem:$0x1E300] =	vst v63  }
0x1f2: {  	_ =	swait.ge [sflag:s12], $0x2000  }
0x1f3: {  	[sflag:s12] =	ssyncset.done $0x0  }
0x1f4: {  	[sflag:s12] =	ssyncadd.s32 $0xFFFFE000  }
0x1f5: {  	[tilespmem:s15], [sflag:$0x1] =	stream.indirect.gather [hbm4b:s4+s14], $0x20, s5, s14, $0xb8;
	[tilespmem:$0x1E300] =	vst v63  }
0x1f6: {  	_ =	swait.ge [sflag:s19], $0x2000  }
0x1f7: {  	[sflag:s19] =	ssyncset.done $0x0  }
0x1f8: {  	[sflag:s19] =	ssyncadd.s32 $0xFFFFE000  }
0x1f9: {  	[spmem:s2] =	stream.indirect.scatter.add.f32 [tilespmem:s16], [sflag:$0x3], $0x20, s9, s14, $0xb8;
	[tilespmem:$0x1E300] =	vst v63  }
0x1fa: {  	_ =	swait.ge [sflag:s12], $0x2000  }
0x1fb: {  	[sflag:s12] =	ssyncset.done $0x0  }
0x1fc: {  	[sflag:s12] =	ssyncadd.s32 $0xFFFFE000  }
0x1fd: {  	[tilespmem:s16], [sflag:$0x2] =	stream.indirect.gather [hbm4b:s4+s14], $0x20, s10, s14, $0xb8;
	[tilespmem:$0x1E300] =	vst v63  }
0x1fe: {  	_ =	swait.ge [sflag:s17], $0x2000  }
0x1ff: {  	[sflag:s17] =	ssyncset.done $0x0  }
0x200: {  	[sflag:s17] =	ssyncadd.s32 $0xFFFFE000  }
0x201: {  	[spmem:s2] =	stream.indirect.scatter.add.f32 [tilespmem:s15], [sflag:$0x3], $0x20, s8, s14, $0xb8;
	[tilespmem:$0x1E300] =	vst v63  }
0x202: {  	_ =	swait.ge [sflag:s12], $0x2000  }
0x203: {  	[sflag:s12] =	ssyncset.done $0x0  }
0x204: {  	[sflag:s12] =	ssyncadd.s32 $0xFFFFE000  }
0x205: {  	[tilespmem:s15], [sflag:$0x1] =	stream.indirect.gather [hbm4b:s4+s14], $0x20, s11, s14, $0xb8;
	[tilespmem:$0x1E300] =	vst v63  }
0x206: {  	_ =	swait.ge [sflag:s19], $0x2000  }
0x207: {  	[sflag:s19] =	ssyncset.done $0x0  }
0x208: {  	[sflag:s19] =	ssyncadd.s32 $0xFFFFE000  }
0x209: {  	[spmem:s2] =	stream.indirect.scatter.add.f32 [tilespmem:s16], [sflag:$0x3], $0x20, s18, s14, $0xb8;
	[tilespmem:$0x1E300] =	vst v63  }
0x20a: {  	_ =	swait.ge [sflag:s12], $0x2000  }
0x20b: {  	[sflag:s12] =	ssyncset.done $0x0  }
0x20c: {  	[sflag:s12] =	ssyncadd.s32 $0xFFFFE000  }
0x20d: {  	[tilespmem:s16], [sflag:$0x2] =	stream.indirect.gather [hbm4b:s4+s14], $0x20, s20, s14, $0xb8;
	[tilespmem:$0x1E300] =	vst v63  }
0x20e: {  	_ =	swait.ge [sflag:s17], $0x2000  }
0x20f: {  	[sflag:s17] =	ssyncset.done $0x0  }
0x210: {  	[sflag:s17] =	ssyncadd.s32 $0xFFFFE000  }
0x211: {  	[spmem:s2] =	stream.indirect.scatter.add.f32 [tilespmem:s15], [sflag:$0x3], $0x20, s21, s14, $0xb8;
	[tilespmem:$0x1E300] =	vst v63  }
0x212: {  	_ =	swait.ge [sflag:s12], $0x2000  }
0x213: {  	[sflag:s12] =	ssyncset.done $0x0  }
0x214: {  	p1 =	sne.s32 s23, $0xA80;
	[sflag:s12] =	ssyncadd.s32 $0xFFFFE000  }
.Ltmp5:
0x215: {  	_ =	swait.ge [sflag:s19], $0x2000;
	(pc) =	sbr.rel @p1 .LBB2_6-.Ltmp5, $4  }
0x216: {  	[sflag:s19] =	ssyncset.done $0x0  }
0x217: {  	[sflag:s19] =	ssyncadd.s32 $0xFFFFE000  }
0x218: {  	[spmem:s2] =	stream.indirect.scatter.add.f32 [tilespmem:s16], [sflag:$0x3], $0x20, s22, s14, $0xb8;
	[tilespmem:$0x1E300] =	vst v63  }
0x219: {  	s23 =	sadd.s32 $0x1C0, s23;
	_ =	swait.ge [sflag:s12], $0x2000  }
.Ltmp6:
0x21a: {  	_ = 	snop;
	(pc) =	sbr.rel .LBB2_7-.Ltmp6, $1  }
0x21b: {  	_ =	sdelay $0x3  }
.LBB2_9:
0x21c: {  	_ =	sfence.sel $0x180000  }
0x21d: {  	[bflag:$0x0] =	sbarrier.arrive $0xFFFF  }
0x21e: {  	_ =	strace $0x90000047  }
0x21f: {  	s0 =	stileid.u32;
	[bflag:$0x2] =	sbarrier.arrive $0xFFFF  }
0x220: {  	p0 =	sne.s32 s0, $0x0;
	s0 =	rddreg [dreg:$0x2]  }
0x221: {  	s0 =	sadd.s32 @!p0 $0x100000, s0  }
0x222: {  	[sflag:s0] =	ssyncadd.tile.s32 @!p0 $0x1;
	_ =	shalt  }
.Lfunc_end2:
_tile_overlayer_lowered:
.L_overlay_start_2:
0x223: {  	(tag) =	ssettag $0x2  }
0x224: {  	s0 =	rddreg [dreg:$0x0];
	s2 =	stileid.u32  }
0x225: {  	s1 =	rddreg [dreg:$0x1];
	p0 =	sne.s32 s2, $0x0  }
0x226: {  	s3 =	rddreg [dreg:$0x2];
	[bflag:$0x3] =	sbarrier.arrive $0xFFFF;
	s2 =	simm.s32 @!p0 $0x1C03  }
0x227: {  	[timem:s3], [sflag:s2] =	dma.local @!p0 [hbm:s0], s1  }
0x228: {  	s0 =	simm.s32 @!p0 $0x3  }
0x229: {  	_ =	swait.ge @!p0 [sflag:s0], s1  }
0x22a: {  	s1 =	ssub.s32 @!p0 $0x0, s1;
	[sflag:s0] =	ssyncset.done @!p0 $0x0  }
0x22b: {  	[sflag:s0] =	ssyncadd.s32 @!p0 s1  }
0x22c: {  	[bflag:$0x3] =	sbarrier.arrive $0xFFFF  }
0x22d: {  	_ =	shalt  }

</sc_bundles>
